<compile_context>
chip_gen: v7x
topology: tpu7x:2x2x1
jax: 0.10.2.dev20260603
libtpu: 0.0.44.dev20260713+nightly
codegen_flags: <defaults>
</compile_context>

<pallas_src>
import functools

import jax
import jax.numpy as jnp
from jax import lax
from jax.experimental import pallas as pl
from jax.experimental.pallas import tpu as pltpu
from jax.experimental.pallas import tpu_sc as plsc

N = 10000
NP = 10240
F = 111
D = 256
HALF = 128
DN = 32
DD = 64
E = 80000

NC = 2
NS = 16
CHUNK = 128
NCHUNK = 40
EPAD = NS * NCHUNK * CHUNK
TRASH = 10200
RPT = NP // NS

_mesh = functools.partial(
    plsc.VectorSubcoreMesh, core_axis_name="c", subcore_axis_name="s",
    num_cores=NC, num_subcores=NS)


def _deg_body(dst_hbm, zeros_hbm, ones_hbm, out_hbm, idx_v, ones_v, acc, sem):
    c = lax.axis_index("c")
    t = lax.axis_index("s")
    pltpu.sync_copy(zeros_hbm, acc.at[pl.ds(t * RPT, RPT)])
    pltpu.sync_copy(ones_hbm, ones_v)
    pltpu.sync_copy(dst_hbm.at[c, t], idx_v)
    plsc.subcore_barrier()

    def body(j, carry):
        pltpu.sync_copy(ones_v, acc.at[idx_v.at[j]], add=True)
        return carry

    lax.fori_loop(0, NCHUNK, body, 0)
    plsc.subcore_barrier()
    pltpu.sync_copy(acc.at[pl.ds(t * RPT, RPT)],
                    out_hbm.at[c, pl.ds(t * RPT, RPT)])


_deg_kernel = pl.kernel(
    _deg_body,
    out_type=jax.ShapeDtypeStruct((2, NP, HALF), jnp.float32),
    mesh=_mesh(),
    scratch_types=[
        pltpu.VMEM((NCHUNK, CHUNK), jnp.int32),
        pltpu.VMEM((CHUNK, HALF), jnp.float32),
        pltpu.VMEM_SHARED((NP, HALF), jnp.float32),
        pltpu.SemaphoreType.DMA,
    ],
)


def _agg_body(hflat_hbm, srcf_hbm, dstf_hbm, srco_hbm, dsto_hbm, zeros_hbm,
              outf_hbm, outo_hbm, src_v, dst_v, g0_v, g1_v, acc,
              sg0, sg1, ss0, ss1):
    c = lax.axis_index("c")
    t = lax.axis_index("s")

    def gather(j, buf, sem):
        return pltpu.make_async_copy(hflat_hbm.at[src_v.at[j]], buf, sem)

    def scatter(j, buf, sem):
        return pltpu.make_async_copy(buf, acc.at[dst_v.at[j]], sem)

    for src_hbm, dst_hbm, out_hbm in ((srcf_hbm, dstf_hbm, outf_hbm),
                                      (srco_hbm, dsto_hbm, outo_hbm)):
        pltpu.sync_copy(zeros_hbm, acc.at[pl.ds(t * RPT, RPT)])
        pltpu.sync_copy(src_hbm.at[c, t], src_v)
        pltpu.sync_copy(dst_hbm.at[c, t], dst_v)
        plsc.subcore_barrier()

        gather(0, g0_v, sg0).start()

        def body(i, carry):
            j0 = 2 * i
            j1 = j0 + 1

            @pl.when(i > 0)
            def _():
                scatter(j0 - 1, g1_v, ss1).wait()

            gather(j1, g1_v, sg1).start()
            gather(j0, g0_v, sg0).wait()
            sc0 = scatter(j0, g0_v, ss0)
            sc0.start(add=True)
            sc0.wait()

            @pl.when(i < NCHUNK // 2 - 1)
            def _():
                gather(j0 + 2, g0_v, sg0).start()

            gather(j1, g1_v, sg1).wait()
            scatter(j1, g1_v, ss1).start(add=True)
            return carry

        lax.fori_loop(0, NCHUNK // 2, body, 0)
        scatter(NCHUNK - 1, g1_v, ss1).wait()
        plsc.subcore_barrier()
        pltpu.sync_copy(acc.at[pl.ds(t * RPT, RPT)],
                        out_hbm.at[c, pl.ds(t * RPT, RPT)])
        plsc.subcore_barrier()


_agg_kernel = pl.kernel(
    _agg_body,
    out_type=(jax.ShapeDtypeStruct((2, NP, HALF), jnp.float32),
              jax.ShapeDtypeStruct((2, NP, HALF), jnp.float32)),
    mesh=_mesh(),
    scratch_types=(
        [pltpu.VMEM((NCHUNK, CHUNK), jnp.int32),
         pltpu.VMEM((NCHUNK, CHUNK), jnp.int32)]
        + [pltpu.VMEM((CHUNK, HALF), jnp.float32)] * 2
        + [pltpu.VMEM_SHARED((NP, HALF), jnp.float32)]
        + [pltpu.SemaphoreType.DMA] * 4
    ),
)


BLK = 2048
GRID = NP // BLK


def _embed_body(x_ref, w_ref, b_ref, out_ref):
    r = jnp.dot(x_ref[...], w_ref[...],
                preferred_element_type=jnp.float32) + b_ref[...]
    out_ref[0, :, :] = r[:, :HALF]
    out_ref[1, :, :] = r[:, HALF:]


def _mp_combine(h_ref, sf_ref, so_ref, deg_ref, ws_ref, wf_ref, wo_ref,
                b_ref):
    dot = functools.partial(jnp.dot, preferred_element_type=jnp.float32)
    invf = 1.0 / jnp.maximum(deg_ref[0, :, 0:1], 1.0)
    invo = 1.0 / jnp.maximum(deg_ref[1, :, 0:1], 1.0)
    acc = dot(h_ref[0], ws_ref[:HALF, :]) + dot(h_ref[1], ws_ref[HALF:, :])
    acc += dot(sf_ref[0] * invf, wf_ref[:HALF, :])
    acc += dot(sf_ref[1] * invf, wf_ref[HALF:, :])
    acc += dot(so_ref[0] * invo, wo_ref[:HALF, :])
    acc += dot(so_ref[1] * invo, wo_ref[HALF:, :])
    return jnp.maximum(acc + b_ref[...], 0.0)


def _combine_body(h_ref, sf_ref, so_ref, deg_ref, ws_ref, wf_ref, wo_ref,
                  b_ref, out_ref):
    r = _mp_combine(h_ref, sf_ref, so_ref, deg_ref, ws_ref, wf_ref, wo_ref,
                    b_ref)
    out_ref[0, :, :] = r[:, :HALF]
    out_ref[1, :, :] = r[:, HALF:]


def _combine_pool_body(h_ref, sf_ref, so_ref, deg_ref, ws_ref, wf_ref,
                       wo_ref, b_ref, wsm_ref, bs_ref, wp_ref, bp_ref,
                       out_ref, s1_ref, x1_ref):
    dot = functools.partial(jnp.dot, preferred_element_type=jnp.float32)
    r = _mp_combine(h_ref, sf_ref, so_ref, deg_ref, ws_ref, wf_ref, wo_ref,
                    b_ref)
    out_ref[0, :, :] = r[:, :HALF]
    out_ref[1, :, :] = r[:, HALF:]
    logits = dot(r, wsm_ref[...]) + bs_ref[...]
    s = jax.nn.softmax(logits, axis=-1)
    p = dot(r, wp_ref[...]) + bp_ref[...]
    s1_ref[...] = s
    row = (lax.broadcasted_iota(jnp.int32, (BLK, 1), 0)
           + pl.program_id(0) * BLK)
    s = jnp.where(row < N, s, 0.0)
    part = lax.dot_general(s, p, (((0,), (0,)), ((), ())),
                           preferred_element_type=jnp.float32)

    @pl.when(pl.program_id(0) == 0)
    def _():
        x1_ref[...] = jnp.zeros_like(x1_ref)

    x1_ref[...] += part


def _cls_body(h_ref, s1_ref, x1_ref, wc1_ref, bc1_ref, wc2_ref, bc2_ref,
              out_ref):
    dot = functools.partial(jnp.dot, preferred_element_type=jnp.float32)
    x1 = x1_ref[...]
    pooled = jnp.mean(x1, axis=1)[None, :]
    prow = dot(pooled, wc1_ref[D:D + DN, :])
    sm = dot(s1_ref[...], x1)
    t = dot(h_ref[0], wc1_ref[:HALF, :]) + dot(h_ref[1], wc1_ref[HALF:D, :])
    t += dot(sm, wc1_ref[D + DN:, :]) + prow + bc1_ref[...]
    out_ref[...] = dot(t, wc2_ref[...]) + bc2_ref[...]


def _node_spec(cols):
    return pl.BlockSpec((2, BLK, cols), lambda i: (0, i, 0))


def _full(shape):
    return pl.BlockSpec(shape, lambda i: tuple(0 for _ in shape))


def _pad_deg(idx):
    pad = jnp.full((EPAD - E,), TRASH, jnp.int32)
    return jnp.concatenate([idx.astype(jnp.int32), pad]).reshape(
        NS, NCHUNK, CHUNK)


def _pad_agg_dst(idx):
    pad = jnp.full((EPAD - E,), TRASH, jnp.int32)
    d = jnp.concatenate([idx.astype(jnp.int32), pad]).reshape(
        NS, NCHUNK, CHUNK)
    return jnp.stack([d, d])


def _pad_agg_src(idx):
    pad = jnp.zeros((EPAD - E,), jnp.int32)
    s = jnp.concatenate([idx.astype(jnp.int32), pad]).reshape(
        NS, NCHUNK, CHUNK)
    return jnp.stack([s, s + NP])


def kernel(x, edge_index_forward, edge_index_onset, W_embed, b_embed,
           W0_fwd, W0_ons, W0_self, b0, W1_fwd, W1_ons, W1_self, b1,
           W_s, b_s, W_p, b_p, W_c1, b_c1, W_c2, b_c2):
    f32 = jnp.float32
    srcf = _pad_agg_src(edge_index_forward[0])
    dstf = _pad_agg_dst(edge_index_forward[1])
    srco = _pad_agg_src(edge_index_onset[0])
    dsto = _pad_agg_dst(edge_index_onset[1])
    dstT = jnp.stack([_pad_deg(edge_index_forward[1]),
                      _pad_deg(edge_index_onset[1])])

    zeros128 = jnp.zeros((RPT, HALF), f32)
    ones128 = jnp.ones((CHUNK, HALF), f32)


    deg = _deg_kernel(dstT, zeros128, ones128)

    x_pad = jnp.pad(x, ((0, NP - N), (0, HALF - F)))
    W_embed_pad = jnp.pad(W_embed, ((0, HALF - F), (0, 0)))

    h = pl.pallas_call(
        _embed_body,
        grid=(GRID,),
        in_specs=[pl.BlockSpec((BLK, HALF), lambda i: (i, 0)),
                  _full((HALF, D)), _full((1, D))],
        out_specs=_node_spec(HALF),
        out_shape=jax.ShapeDtypeStruct((2, NP, HALF), f32),
    )(x_pad, W_embed_pad, b_embed[None, :])

    hflat = h.reshape(2 * NP, HALF)
    sf, so = _agg_kernel(hflat, srcf, dstf, srco, dsto, zeros128)
    h = pl.pallas_call(
        _combine_body,
        grid=(GRID,),
        in_specs=[_node_spec(HALF), _node_spec(HALF), _node_spec(HALF),
                  _node_spec(HALF),
                  _full((D, D)), _full((D, D)), _full((D, D)),
                  _full((1, D))],
        out_specs=_node_spec(HALF),
        out_shape=jax.ShapeDtypeStruct((2, NP, HALF), f32),
    )(h, sf, so, deg, W0_self, W0_fwd, W0_ons, b0[None, :])

    hflat = h.reshape(2 * NP, HALF)
    sf, so = _agg_kernel(hflat, srcf, dstf, srco, dsto, zeros128)
    h, s1, x1 = pl.pallas_call(
        _combine_pool_body,
        grid=(GRID,),
        in_specs=[_node_spec(HALF), _node_spec(HALF), _node_spec(HALF),
                  _node_spec(HALF),
                  _full((D, D)), _full((D, D)), _full((D, D)),
                  _full((1, D)),
                  _full((D, DN)), _full((1, DN)),
                  _full((D, DD)), _full((1, DD))],
        out_specs=[_node_spec(HALF),
                   pl.BlockSpec((BLK, DN), lambda i: (i, 0)),
                   _full((DN, DD))],
        out_shape=[jax.ShapeDtypeStruct((2, NP, HALF), f32),
                   jax.ShapeDtypeStruct((NP, DN), f32),
                   jax.ShapeDtypeStruct((DN, DD), f32)],
    )(h, sf, so, deg, W1_self, W1_fwd, W1_ons, b1[None, :],
      W_s, b_s[None, :], W_p, b_p[None, :])

    out = pl.pallas_call(
        _cls_body,
        grid=(GRID,),
        in_specs=[_node_spec(HALF),
                  pl.BlockSpec((BLK, DN), lambda i: (i, 0)),
                  _full((DN, DD)),
                  _full((D + DN + DD, D)), _full((1, D)),
                  _full((D, D)), _full((1, D))],
        out_specs=pl.BlockSpec((BLK, D), lambda i: (i, 0)),
        out_shape=jax.ShapeDtypeStruct((NP, D), f32),
    )(h, s1, x1, W_c1, b_c1[None, :], W_c2, b_c2[None, :])
    return out[:N]

# --- scband reference (transcript-rebuilt; emitter-appended) ---
"""Pipeline reference for scband-schenker-gnn-6373731467804 (READ-ONLY COPY).

The authoritative reference and input builder live on the scoring server;
editing this copy changes nothing except your own understanding.
"""

import jax, jax.numpy as jnp
import numpy as np

N = 10000
F = 111
D = 256
H = 256
OUT = 256
DN = 32
DD = 64
E = 80000

def _w(key, shape):
    fan_in = shape[0]
    return jax.random.normal(key, shape, dtype=jnp.float32) * (1.0 / np.sqrt(fan_in))

def setup_inputs(seed: int = 0):
    key = jax.random.key(seed)
    ks = jax.random.split(key, 24)
    inp = {}
    inp['x'] = jax.random.normal(ks[0], (N, F), dtype=jnp.float32)
    inp['edge_index_forward'] = jax.random.randint(ks[1], (2, E), 0, N, dtype=jnp.int64)
    inp['edge_index_onset'] = jax.random.randint(ks[2], (2, E), 0, N, dtype=jnp.int64)
    inp['W_embed'] = _w(ks[3], (F, D)); inp['b_embed'] = jnp.zeros((D,), jnp.float32)
    inp['W0_fwd'] = _w(ks[4], (D, H)); inp['W0_ons'] = _w(ks[5], (D, H)); inp['W0_self'] = _w(ks[6], (D, H)); inp['b0'] = jnp.zeros((H,), jnp.float32)
    inp['W1_fwd'] = _w(ks[7], (H, H)); inp['W1_ons'] = _w(ks[8], (H, H)); inp['W1_self'] = _w(ks[9], (H, H)); inp['b1'] = jnp.zeros((H,), jnp.float32)
    inp['W_s'] = _w(ks[10], (H, DN)); inp['b_s'] = jnp.zeros((DN,), jnp.float32)
    inp['W_p'] = _w(ks[11], (H, DD)); inp['b_p'] = jnp.zeros((DD,), jnp.float32)
    inp['W_c1'] = _w(ks[12], (H + DN + DD, H)); inp['b_c1'] = jnp.zeros((H,), jnp.float32)
    inp['W_c2'] = _w(ks[13], (H, OUT)); inp['b_c2'] = jnp.zeros((OUT,), jnp.float32)
    return inp

def _mp_layer(h, ei_f, ei_o, Wf, Wo, Ws, b):
    src_f, dst_f = ei_f[0], ei_f[1]
    msg_f = jnp.take(h, src_f, axis=0) @ Wf
    agg_f = jax.ops.segment_sum(msg_f, dst_f, num_segments=N)
    deg_f = jax.ops.segment_sum(jnp.ones((msg_f.shape[0],), jnp.float32), dst_f, num_segments=N)
    agg_f = agg_f / jnp.clip(deg_f, 1.0)[:, None]
    src_o, dst_o = ei_o[0], ei_o[1]
    msg_o = jnp.take(h, src_o, axis=0) @ Wo
    agg_o = jax.ops.segment_sum(msg_o, dst_o, num_segments=N)
    deg_o = jax.ops.segment_sum(jnp.ones((msg_o.shape[0],), jnp.float32), dst_o, num_segments=N)
    agg_o = agg_o / jnp.clip(deg_o, 1.0)[:, None]
    return jax.nn.relu(h @ Ws + agg_f + agg_o + b)

def reference(x, edge_index_forward, edge_index_onset, W_embed, b_embed, W0_fwd, W0_ons, W0_self, b0, W1_fwd, W1_ons, W1_self, b1, W_s, b_s, W_p, b_p, W_c1, b_c1, W_c2, b_c2):
    # linear embedding of raw note features
    h = x @ W_embed + b_embed
    # hetero GNN message passing (2 layers, 2 edge types)
    h = _mp_layer(h, edge_index_forward, edge_index_onset, W0_fwd, W0_ons, W0_self, b0)
    h = _mp_layer(h, edge_index_forward, edge_index_onset, W1_fwd, W1_ons, W1_self, b1)
    # DiffPool: soft assignment to DN clusters, pooled cluster embeddings
    s1 = jax.nn.softmax(h @ W_s + b_s, axis=-1)            # [N, DN]
    x1 = s1.T @ (h @ W_p + b_p)                            # [DN, DD]
    pooled = jnp.mean(x1, axis=1)[None, :]                 # [1, DN]
    pooled_exp = jnp.broadcast_to(pooled, (h.shape[0], DN))
    feat = jnp.concatenate([h, pooled_exp, s1 @ x1], axis=1)
    # classifier (dropout is identity at eval)
    out = (feat @ W_c1 + b_c1) @ W_c2 + b_c2
    return out

if __name__ == "__main__":
    import jax
    _d = setup_inputs()
    print(jax.jit(kernel)(*tuple(_d.values())))

</pallas_src>

<mosaic_0001>
#map = affine_map<(d0, d1) -> (0, 0, 0, 0)>
#map1 = affine_map<(d0, d1) -> (0, 0)>
#map2 = affine_map<(d0, d1) -> (0, 0, 0)>
module attributes {stable_mosaic.version = 14 : i64} {
  func.func @_deg_body(%arg0: i32, %arg1: i32, %arg2: memref<2x16x40x128xi32, #tpu.memory_space<hbm>>, %arg3: memref<640x128xf32, #tpu.memory_space<hbm>>, %arg4: memref<128x128xf32, #tpu.memory_space<hbm>>, %arg5: memref<2x10240x128xf32, #tpu.memory_space<hbm>>, %arg6: memref<40x128xi32, #tpu.memory_space<vmem>>, %arg7: memref<128x128xf32, #tpu.memory_space<vmem>>, %arg8: memref<10240x128xf32, #tpu.memory_space<vmem_shared>>, %arg9: memref<!tpu.dma_semaphore, #tpu.memory_space<semaphore_mem>>) attributes {dimension_semantics = [#tpu.dimension_semantics<core_parallel>, #tpu.dimension_semantics<subcore_parallel>], iteration_bounds = array<i64: 2, 16>, scalar_prefetch = 0 : i64, scratch_operands = 4 : i64, tpu.core_type = #tpu.core_type<sc_vector_subcore>, window_params = [{transform_indices = #map}, {transform_indices = #map1}, {transform_indices = #map1}, {transform_indices = #map2}]} {
    %mul3A = arith.constant 640 : i32
    %mul3A_0 = arith.muli %arg1, %mul3A : i32
    "tpu.region"() ({
      %run_scoped3A = tpu.sem_alloc : memref<!tpu.dma_semaphore, #tpu.memory_space<semaphore_mem>>
      %dma_start3A = arith.constant 0 : i32
      %dma_start3A_11 = tpu.memref_slice %arg8[%mul3A_0, %dma_start3A] : memref<10240x128xf32, #tpu.memory_space<vmem_shared>> -> memref<640x128xf32, #tpu.memory_space<vmem_shared>>
      tpu.enqueue_dma source(%arg3 : memref<640x128xf32, #tpu.memory_space<hbm>>) target(%dma_start3A_11 : memref<640x128xf32, #tpu.memory_space<vmem_shared>>) target_semaphore(%run_scoped3A : memref<!tpu.dma_semaphore, #tpu.memory_space<semaphore_mem>>)
      %dma_wait3A = arith.constant 0 : i32
      %dma_wait3A_12 = tpu.memref_slice %arg8[%mul3A_0, %dma_wait3A] : memref<10240x128xf32, #tpu.memory_space<vmem_shared>> -> memref<640x128xf32, #tpu.memory_space<vmem_shared>>
      tpu.wait_dma2 semaphore(%run_scoped3A : memref<!tpu.dma_semaphore, #tpu.memory_space<semaphore_mem>>) src(%arg3 : memref<640x128xf32, #tpu.memory_space<hbm>>) dst(%dma_wait3A_12 : memref<640x128xf32, #tpu.memory_space<vmem_shared>>)
      tpu.yield
    }) : () -> ()
    "tpu.region"() ({
      %run_scoped3A = tpu.sem_alloc : memref<!tpu.dma_semaphore, #tpu.memory_space<semaphore_mem>>
      tpu.enqueue_dma source(%arg4 : memref<128x128xf32, #tpu.memory_space<hbm>>) target(%arg7 : memref<128x128xf32, #tpu.memory_space<vmem>>) target_semaphore(%run_scoped3A : memref<!tpu.dma_semaphore, #tpu.memory_space<semaphore_mem>>)
      tpu.wait_dma2 semaphore(%run_scoped3A : memref<!tpu.dma_semaphore, #tpu.memory_space<semaphore_mem>>) src(%arg4 : memref<128x128xf32, #tpu.memory_space<hbm>>) dst(%arg7 : memref<128x128xf32, #tpu.memory_space<vmem>>)
      tpu.yield
    }) : () -> ()
    "tpu.region"() ({
      %run_scoped3A = tpu.sem_alloc : memref<!tpu.dma_semaphore, #tpu.memory_space<semaphore_mem>>
      %dma_start3A = arith.constant 0 : i32
      %dma_start3A_11 = arith.constant 0 : i32
      %dma_start3A_12 = tpu.memref_slice %arg2[%arg0, %arg1, %dma_start3A, %dma_start3A_11] : memref<2x16x40x128xi32, #tpu.memory_space<hbm>> -> memref<1x1x40x128xi32, #tpu.memory_space<hbm>>
      %dma_start3A_13 = tpu.memref_squeeze %dma_start3A_12 : memref<1x1x40x128xi32, #tpu.memory_space<hbm>> -> memref<40x128xi32, #tpu.memory_space<hbm>>
      %dma_start3A_14 = arith.constant 0 : i32
      %dma_start3A_15 = arith.constant 0 : i32
      %dma_start3A_16 = tpu.memref_slice %arg2[%arg0, %arg1, %dma_start3A_14, %dma_start3A_15] : memref<2x16x40x128xi32, #tpu.memory_space<hbm>> -> memref<1x1x40x128xi32, #tpu.memory_space<hbm>>
      %dma_start3A_17 = tpu.memref_squeeze %dma_start3A_16 : memref<1x1x40x128xi32, #tpu.memory_space<hbm>> -> memref<40x128xi32, #tpu.memory_space<hbm>>
      tpu.enqueue_dma source(%dma_start3A_17 : memref<40x128xi32, #tpu.memory_space<hbm>>) target(%arg6 : memref<40x128xi32, #tpu.memory_space<vmem>>) target_semaphore(%run_scoped3A : memref<!tpu.dma_semaphore, #tpu.memory_space<semaphore_mem>>)
      %dma_wait3A = arith.constant 0 : i32
      %dma_wait3A_18 = arith.constant 0 : i32
      %dma_wait3A_19 = tpu.memref_slice %arg2[%arg0, %arg1, %dma_wait3A, %dma_wait3A_18] : memref<2x16x40x128xi32, #tpu.memory_space<hbm>> -> memref<1x1x40x128xi32, #tpu.memory_space<hbm>>
      %dma_wait3A_20 = tpu.memref_squeeze %dma_wait3A_19 : memref<1x1x40x128xi32, #tpu.memory_space<hbm>> -> memref<40x128xi32, #tpu.memory_space<hbm>>
      %dma_wait3A_21 = arith.constant 0 : i32
      %dma_wait3A_22 = arith.constant 0 : i32
      %dma_wait3A_23 = tpu.memref_slice %arg2[%arg0, %arg1, %dma_wait3A_21, %dma_wait3A_22] : memref<2x16x40x128xi32, #tpu.memory_space<hbm>> -> memref<1x1x40x128xi32, #tpu.memory_space<hbm>>
      %dma_wait3A_24 = tpu.memref_squeeze %dma_wait3A_23 : memref<1x1x40x128xi32, #tpu.memory_space<hbm>> -> memref<40x128xi32, #tpu.memory_space<hbm>>
      tpu.wait_dma2 semaphore(%run_scoped3A : memref<!tpu.dma_semaphore, #tpu.memory_space<semaphore_mem>>) src(%dma_wait3A_24 : memref<40x128xi32, #tpu.memory_space<hbm>>) dst(%arg6 : memref<40x128xi32, #tpu.memory_space<vmem>>)
      tpu.yield
    }) : () -> ()
    %barrier3A = arith.constant 0 : index
    tpu.barrier barrier_id(%barrier3A)
    %scan3A = arith.constant 0 : i32
    %scan3A_1 = arith.constant 0 : i32
    %scan3A_2 = arith.constant 40 : i32
    %scan3A_3 = arith.addi %scan3A_1, %scan3A_2 : i32
    %scan3A_4 = arith.constant 1 : i32
    scf.for %scan3A_11 = %scan3A_1 to %scan3A_3 step %scan3A_4  : i32 {
      "tpu.region"() ({
        %run_scoped3A = tpu.sem_alloc : memref<!tpu.dma_semaphore, #tpu.memory_space<semaphore_mem>>
        %dma_start3A = arith.constant 0 : i32
        %dma_start3A_12 = tpu.memref_slice %arg6[%scan3A_11, %dma_start3A] : memref<40x128xi32, #tpu.memory_space<vmem>> -> memref<1x128xi32, #tpu.memory_space<vmem>>
        %dma_start3A_13 = tpu.memref_squeeze %dma_start3A_12 : memref<1x128xi32, #tpu.memory_space<vmem>> -> memref<128xi32, #tpu.memory_space<vmem>>
        %dma_start3A_14 = arith.constant 0 : i32
        %dma_start3A_15 = arith.constant 0 : i32
        %dma_start3A_16 = tpu.memref_slice %arg8[%dma_start3A_14, %dma_start3A_15] : memref<10240x128xf32, #tpu.memory_space<vmem_shared>> -> memref<10240x128xf32, #tpu.memory_space<vmem_shared>>
        tpu.enqueue_indirect_dma source(%arg7 : memref<128x128xf32, #tpu.memory_space<vmem>>) target(%dma_start3A_16 : memref<10240x128xf32, #tpu.memory_space<vmem_shared>>) offsets(%dma_start3A_13 : memref<128xi32, #tpu.memory_space<vmem>>) semaphore(%run_scoped3A : memref<!tpu.dma_semaphore, #tpu.memory_space<semaphore_mem>>) {add = true}
        %dma_wait3A = arith.constant 0 : i32
        %dma_wait3A_17 = tpu.memref_slice %arg6[%scan3A_11, %dma_wait3A] : memref<40x128xi32, #tpu.memory_space<vmem>> -> memref<1x128xi32, #tpu.memory_space<vmem>>
        %dma_wait3A_18 = tpu.memref_squeeze %dma_wait3A_17 : memref<1x128xi32, #tpu.memory_space<vmem>> -> memref<128xi32, #tpu.memory_space<vmem>>
        %dma_wait3A_19 = arith.constant 0 : i32
        %dma_wait3A_20 = arith.constant 0 : i32
        %dma_wait3A_21 = tpu.memref_slice %arg8[%dma_wait3A_19, %dma_wait3A_20] : memref<10240x128xf32, #tpu.memory_space<vmem_shared>> -> memref<10240x128xf32, #tpu.memory_space<vmem_shared>>
        tpu.wait_indirect_dma semaphore(%run_scoped3A : memref<!tpu.dma_semaphore, #tpu.memory_space<semaphore_mem>>) src(%arg7 : memref<128x128xf32, #tpu.memory_space<vmem>>) dst(%dma_wait3A_21 : memref<10240x128xf32, #tpu.memory_space<vmem_shared>>)
        tpu.yield
      }) : () -> ()
    }
    %scan3A_5 = arith.constant 40 : i32
    %barrier3A_6 = arith.constant 0 : index
    tpu.barrier barrier_id(%barrier3A_6)
    %mul3A_7 = arith.constant 640 : i32
    %mul3A_8 = arith.muli %arg1, %mul3A_7 : i32
    %mul3A_9 = arith.constant 640 : i32
    %mul3A_10 = arith.muli %arg1, %mul3A_9 : i32
    "tpu.region"() ({
      %run_scoped3A = tpu.sem_alloc : memref<!tpu.dma_semaphore, #tpu.memory_space<semaphore_mem>>
      %dma_start3A = arith.constant 0 : i32
      %dma_start3A_11 = tpu.memref_slice %arg5[%arg0, %mul3A_10, %dma_start3A] : memref<2x10240x128xf32, #tpu.memory_space<hbm>> -> memref<1x640x128xf32, #tpu.memory_space<hbm>>
      %dma_start3A_12 = tpu.memref_squeeze %dma_start3A_11 : memref<1x640x128xf32, #tpu.memory_space<hbm>> -> memref<640x128xf32, #tpu.memory_space<hbm>>
      %dma_start3A_13 = arith.constant 0 : i32
      %dma_start3A_14 = tpu.memref_slice %arg8[%mul3A_8, %dma_start3A_13] : memref<10240x128xf32, #tpu.memory_space<vmem_shared>> -> memref<640x128xf32, #tpu.memory_space<vmem_shared>>
      tpu.enqueue_dma source(%dma_start3A_14 : memref<640x128xf32, #tpu.memory_space<vmem_shared>>) target(%dma_start3A_12 : memref<640x128xf32, #tpu.memory_space<hbm>>) target_semaphore(%run_scoped3A : memref<!tpu.dma_semaphore, #tpu.memory_space<semaphore_mem>>)
      %dma_wait3A = arith.constant 0 : i32
      %dma_wait3A_15 = tpu.memref_slice %arg5[%arg0, %mul3A_10, %dma_wait3A] : memref<2x10240x128xf32, #tpu.memory_space<hbm>> -> memref<1x640x128xf32, #tpu.memory_space<hbm>>
      %dma_wait3A_16 = tpu.memref_squeeze %dma_wait3A_15 : memref<1x640x128xf32, #tpu.memory_space<hbm>> -> memref<640x128xf32, #tpu.memory_space<hbm>>
      %dma_wait3A_17 = arith.constant 0 : i32
      %dma_wait3A_18 = tpu.memref_slice %arg8[%mul3A_8, %dma_wait3A_17] : memref<10240x128xf32, #tpu.memory_space<vmem_shared>> -> memref<640x128xf32, #tpu.memory_space<vmem_shared>>
      tpu.wait_dma2 semaphore(%run_scoped3A : memref<!tpu.dma_semaphore, #tpu.memory_space<semaphore_mem>>) src(%dma_wait3A_18 : memref<640x128xf32, #tpu.memory_space<vmem_shared>>) dst(%dma_wait3A_16 : memref<640x128xf32, #tpu.memory_space<hbm>>)
      tpu.yield
    }) : () -> ()
    return
  }
}

#map = affine_map<(d0, d1) -> (0, 0)>
#map1 = affine_map<(d0, d1) -> (0, 0, 0, 0)>
#map2 = affine_map<(d0, d1) -> (0, 0, 0)>
module attributes {stable_mosaic.version = 14 : i64} {
  func.func @_agg_body(%arg0: i32, %arg1: i32, %arg2: memref<20480x128xf32, #tpu.memory_space<hbm>>, %arg3: memref<2x16x40x128xi32, #tpu.memory_space<hbm>>, %arg4: memref<2x16x40x128xi32, #tpu.memory_space<hbm>>, %arg5: memref<2x16x40x128xi32, #tpu.memory_space<hbm>>, %arg6: memref<2x16x40x128xi32, #tpu.memory_space<hbm>>, %arg7: memref<640x128xf32, #tpu.memory_space<hbm>>, %arg8: memref<2x10240x128xf32, #tpu.memory_space<hbm>>, %arg9: memref<2x10240x128xf32, #tpu.memory_space<hbm>>, %arg10: memref<40x128xi32, #tpu.memory_space<vmem>>, %arg11: memref<40x128xi32, #tpu.memory_space<vmem>>, %arg12: memref<128x128xf32, #tpu.memory_space<vmem>>, %arg13: memref<128x128xf32, #tpu.memory_space<vmem>>, %arg14: memref<10240x128xf32, #tpu.memory_space<vmem_shared>>, %arg15: memref<!tpu.dma_semaphore, #tpu.memory_space<semaphore_mem>>, %arg16: memref<!tpu.dma_semaphore, #tpu.memory_space<semaphore_mem>>, %arg17: memref<!tpu.dma_semaphore, #tpu.memory_space<semaphore_mem>>, %arg18: memref<!tpu.dma_semaphore, #tpu.memory_space<semaphore_mem>>) attributes {dimension_semantics = [#tpu.dimension_semantics<core_parallel>, #tpu.dimension_semantics<subcore_parallel>], iteration_bounds = array<i64: 2, 16>, scalar_prefetch = 0 : i64, scratch_operands = 9 : i64, tpu.core_type = #tpu.core_type<sc_vector_subcore>, window_params = [{transform_indices = #map}, {transform_indices = #map1}, {transform_indices = #map1}, {transform_indices = #map1}, {transform_indices = #map1}, {transform_indices = #map}, {transform_indices = #map2}, {transform_indices = #map2}]} {
    %mul3A = arith.constant 640 : i32
    %mul3A_0 = arith.muli %arg1, %mul3A : i32
    "tpu.region"() ({
      %run_scoped3A = tpu.sem_alloc : memref<!tpu.dma_semaphore, #tpu.memory_space<semaphore_mem>>
      %dma_start3A_53 = arith.constant 0 : i32
      %dma_start3A_54 = tpu.memref_slice %arg14[%mul3A_0, %dma_start3A_53] : memref<10240x128xf32, #tpu.memory_space<vmem_shared>> -> memref<640x128xf32, #tpu.memory_space<vmem_shared>>
      tpu.enqueue_dma source(%arg7 : memref<640x128xf32, #tpu.memory_space<hbm>>) target(%dma_start3A_54 : memref<640x128xf32, #tpu.memory_space<vmem_shared>>) target_semaphore(%run_scoped3A : memref<!tpu.dma_semaphore, #tpu.memory_space<semaphore_mem>>)
      %dma_wait3A_55 = arith.constant 0 : i32
      %dma_wait3A_56 = tpu.memref_slice %arg14[%mul3A_0, %dma_wait3A_55] : memref<10240x128xf32, #tpu.memory_space<vmem_shared>> -> memref<640x128xf32, #tpu.memory_space<vmem_shared>>
      tpu.wait_dma2 semaphore(%run_scoped3A : memref<!tpu.dma_semaphore, #tpu.memory_space<semaphore_mem>>) src(%arg7 : memref<640x128xf32, #tpu.memory_space<hbm>>) dst(%dma_wait3A_56 : memref<640x128xf32, #tpu.memory_space<vmem_shared>>)
      tpu.yield
    }) : () -> ()
    "tpu.region"() ({
      %run_scoped3A = tpu.sem_alloc : memref<!tpu.dma_semaphore, #tpu.memory_space<semaphore_mem>>
      %dma_start3A_53 = arith.constant 0 : i32
      %dma_start3A_54 = arith.constant 0 : i32
      %dma_start3A_55 = tpu.memref_slice %arg3[%arg0, %arg1, %dma_start3A_53, %dma_start3A_54] : memref<2x16x40x128xi32, #tpu.memory_space<hbm>> -> memref<1x1x40x128xi32, #tpu.memory_space<hbm>>
      %dma_start3A_56 = tpu.memref_squeeze %dma_start3A_55 : memref<1x1x40x128xi32, #tpu.memory_space<hbm>> -> memref<40x128xi32, #tpu.memory_space<hbm>>
      %dma_start3A_57 = arith.constant 0 : i32
      %dma_start3A_58 = arith.constant 0 : i32
      %dma_start3A_59 = tpu.memref_slice %arg3[%arg0, %arg1, %dma_start3A_57, %dma_start3A_58] : memref<2x16x40x128xi32, #tpu.memory_space<hbm>> -> memref<1x1x40x128xi32, #tpu.memory_space<hbm>>
      %dma_start3A_60 = tpu.memref_squeeze %dma_start3A_59 : memref<1x1x40x128xi32, #tpu.memory_space<hbm>> -> memref<40x128xi32, #tpu.memory_space<hbm>>
      tpu.enqueue_dma source(%dma_start3A_60 : memref<40x128xi32, #tpu.memory_space<hbm>>) target(%arg10 : memref<40x128xi32, #tpu.memory_space<vmem>>) target_semaphore(%run_scoped3A : memref<!tpu.dma_semaphore, #tpu.memory_space<semaphore_mem>>)
      %dma_wait3A_61 = arith.constant 0 : i32
      %dma_wait3A_62 = arith.constant 0 : i32
      %dma_wait3A_63 = tpu.memref_slice %arg3[%arg0, %arg1, %dma_wait3A_61, %dma_wait3A_62] : memref<2x16x40x128xi32, #tpu.memory_space<hbm>> -> memref<1x1x40x128xi32, #tpu.memory_space<hbm>>
      %dma_wait3A_64 = tpu.memref_squeeze %dma_wait3A_63 : memref<1x1x40x128xi32, #tpu.memory_space<hbm>> -> memref<40x128xi32, #tpu.memory_space<hbm>>
      %dma_wait3A_65 = arith.constant 0 : i32
      %dma_wait3A_66 = arith.constant 0 : i32
      %dma_wait3A_67 = tpu.memref_slice %arg3[%arg0, %arg1, %dma_wait3A_65, %dma_wait3A_66] : memref<2x16x40x128xi32, #tpu.memory_space<hbm>> -> memref<1x1x40x128xi32, #tpu.memory_space<hbm>>
      %dma_wait3A_68 = tpu.memref_squeeze %dma_wait3A_67 : memref<1x1x40x128xi32, #tpu.memory_space<hbm>> -> memref<40x128xi32, #tpu.memory_space<hbm>>
      tpu.wait_dma2 semaphore(%run_scoped3A : memref<!tpu.dma_semaphore, #tpu.memory_space<semaphore_mem>>) src(%dma_wait3A_68 : memref<40x128xi32, #tpu.memory_space<hbm>>) dst(%arg10 : memref<40x128xi32, #tpu.memory_space<vmem>>)
      tpu.yield
    }) : () -> ()
    "tpu.region"() ({
      %run_scoped3A = tpu.sem_alloc : memref<!tpu.dma_semaphore, #tpu.memory_space<semaphore_mem>>
      %dma_start3A_53 = arith.constant 0 : i32
      %dma_start3A_54 = arith.constant 0 : i32
      %dma_start3A_55 = tpu.memref_slice %arg4[%arg0, %arg1, %dma_start3A_53, %dma_start3A_54] : memref<2x16x40x128xi32, #tpu.memory_space<hbm>> -> memref<1x1x40x128xi32, #tpu.memory_space<hbm>>
      %dma_start3A_56 = tpu.memref_squeeze %dma_start3A_55 : memref<1x1x40x128xi32, #tpu.memory_space<hbm>> -> memref<40x128xi32, #tpu.memory_space<hbm>>
      %dma_start3A_57 = arith.constant 0 : i32
      %dma_start3A_58 = arith.constant 0 : i32
      %dma_start3A_59 = tpu.memref_slice %arg4[%arg0, %arg1, %dma_start3A_57, %dma_start3A_58] : memref<2x16x40x128xi32, #tpu.memory_space<hbm>> -> memref<1x1x40x128xi32, #tpu.memory_space<hbm>>
      %dma_start3A_60 = tpu.memref_squeeze %dma_start3A_59 : memref<1x1x40x128xi32, #tpu.memory_space<hbm>> -> memref<40x128xi32, #tpu.memory_space<hbm>>
      tpu.enqueue_dma source(%dma_start3A_60 : memref<40x128xi32, #tpu.memory_space<hbm>>) target(%arg11 : memref<40x128xi32, #tpu.memory_space<vmem>>) target_semaphore(%run_scoped3A : memref<!tpu.dma_semaphore, #tpu.memory_space<semaphore_mem>>)
      %dma_wait3A_61 = arith.constant 0 : i32
      %dma_wait3A_62 = arith.constant 0 : i32
      %dma_wait3A_63 = tpu.memref_slice %arg4[%arg0, %arg1, %dma_wait3A_61, %dma_wait3A_62] : memref<2x16x40x128xi32, #tpu.memory_space<hbm>> -> memref<1x1x40x128xi32, #tpu.memory_space<hbm>>
      %dma_wait3A_64 = tpu.memref_squeeze %dma_wait3A_63 : memref<1x1x40x128xi32, #tpu.memory_space<hbm>> -> memref<40x128xi32, #tpu.memory_space<hbm>>
      %dma_wait3A_65 = arith.constant 0 : i32
      %dma_wait3A_66 = arith.constant 0 : i32
      %dma_wait3A_67 = tpu.memref_slice %arg4[%arg0, %arg1, %dma_wait3A_65, %dma_wait3A_66] : memref<2x16x40x128xi32, #tpu.memory_space<hbm>> -> memref<1x1x40x128xi32, #tpu.memory_space<hbm>>
      %dma_wait3A_68 = tpu.memref_squeeze %dma_wait3A_67 : memref<1x1x40x128xi32, #tpu.memory_space<hbm>> -> memref<40x128xi32, #tpu.memory_space<hbm>>
      tpu.wait_dma2 semaphore(%run_scoped3A : memref<!tpu.dma_semaphore, #tpu.memory_space<semaphore_mem>>) src(%dma_wait3A_68 : memref<40x128xi32, #tpu.memory_space<hbm>>) dst(%arg11 : memref<40x128xi32, #tpu.memory_space<vmem>>)
      tpu.yield
    }) : () -> ()
    %barrier3A = arith.constant 0 : index
    tpu.barrier barrier_id(%barrier3A)
    %dma_start3A = arith.constant 0 : i32
    %dma_start3A_1 = arith.constant 0 : i32
    %dma_start3A_2 = tpu.memref_slice %arg10[%dma_start3A, %dma_start3A_1] : memref<40x128xi32, #tpu.memory_space<vmem>> -> memref<1x128xi32, #tpu.memory_space<vmem>>
    %dma_start3A_3 = tpu.memref_squeeze %dma_start3A_2 : memref<1x128xi32, #tpu.memory_space<vmem>> -> memref<128xi32, #tpu.memory_space<vmem>>
    %dma_start3A_4 = arith.constant 0 : i32
    %dma_start3A_5 = arith.constant 0 : i32
    %dma_start3A_6 = tpu.memref_slice %arg2[%dma_start3A_4, %dma_start3A_5] : memref<20480x128xf32, #tpu.memory_space<hbm>> -> memref<20480x128xf32, #tpu.memory_space<hbm>>
    tpu.enqueue_indirect_dma source(%dma_start3A_6 : memref<20480x128xf32, #tpu.memory_space<hbm>>) target(%arg12 : memref<128x128xf32, #tpu.memory_space<vmem>>) offsets(%dma_start3A_3 : memref<128xi32, #tpu.memory_space<vmem>>) semaphore(%arg15 : memref<!tpu.dma_semaphore, #tpu.memory_space<semaphore_mem>>)
    %scan3A = arith.constant 0 : i32
    %scan3A_7 = arith.constant 0 : i32
    %scan3A_8 = arith.constant 20 : i32
    %scan3A_9 = arith.addi %scan3A_7, %scan3A_8 : i32
    %scan3A_10 = arith.constant 1 : i32
    scf.for %scan3A_53 = %scan3A_7 to %scan3A_9 step %scan3A_10  : i32 {
      %mul3A_54 = arith.constant 2 : i32
      %mul3A_55 = arith.muli %mul3A_54, %scan3A_53 : i32
      %add3A = arith.constant 1 : i32
      %add3A_56 = arith.addi %mul3A_55, %add3A : i32
      %gt3A = arith.constant 0 : i32
      %gt3A_57 = arith.cmpi sgt, %scan3A_53, %gt3A : i32
      %convert_element_type3A = arith.extui %gt3A_57 : i1 to i32
      %cond3A = arith.constant 0 : i32
      %cond3A_58 = arith.cmpi ne, %convert_element_type3A, %cond3A : i32
      scf.if %cond3A_58 {
        %sub3A = arith.constant 1 : i32
        %sub3A_99 = arith.subi %mul3A_55, %sub3A : i32
        %dma_wait3A_100 = arith.constant 0 : i32
        %dma_wait3A_101 = tpu.memref_slice %arg11[%sub3A_99, %dma_wait3A_100] : memref<40x128xi32, #tpu.memory_space<vmem>> -> memref<1x128xi32, #tpu.memory_space<vmem>>
        %dma_wait3A_102 = tpu.memref_squeeze %dma_wait3A_101 : memref<1x128xi32, #tpu.memory_space<vmem>> -> memref<128xi32, #tpu.memory_space<vmem>>
        %dma_wait3A_103 = arith.constant 0 : i32
        %dma_wait3A_104 = arith.constant 0 : i32
        %dma_wait3A_105 = tpu.memref_slice %arg14[%dma_wait3A_103, %dma_wait3A_104] : memref<10240x128xf32, #tpu.memory_space<vmem_shared>> -> memref<10240x128xf32, #tpu.memory_space<vmem_shared>>
        tpu.wait_indirect_dma semaphore(%arg18 : memref<!tpu.dma_semaphore, #tpu.memory_space<semaphore_mem>>) src(%arg13 : memref<128x128xf32, #tpu.memory_space<vmem>>) dst(%dma_wait3A_105 : memref<10240x128xf32, #tpu.memory_space<vmem_shared>>)
      } else {
      }
      %dma_start3A_59 = arith.constant 0 : i32
      %dma_start3A_60 = tpu.memref_slice %arg10[%add3A_56, %dma_start3A_59] : memref<40x128xi32, #tpu.memory_space<vmem>> -> memref<1x128xi32, #tpu.memory_space<vmem>>
      %dma_start3A_61 = tpu.memref_squeeze %dma_start3A_60 : memref<1x128xi32, #tpu.memory_space<vmem>> -> memref<128xi32, #tpu.memory_space<vmem>>
      %dma_start3A_62 = arith.constant 0 : i32
      %dma_start3A_63 = arith.constant 0 : i32
      %dma_start3A_64 = tpu.memref_slice %arg2[%dma_start3A_62, %dma_start3A_63] : memref<20480x128xf32, #tpu.memory_space<hbm>> -> memref<20480x128xf32, #tpu.memory_space<hbm>>
      tpu.enqueue_indirect_dma source(%dma_start3A_64 : memref<20480x128xf32, #tpu.memory_space<hbm>>) target(%arg13 : memref<128x128xf32, #tpu.memory_space<vmem>>) offsets(%dma_start3A_61 : memref<128xi32, #tpu.memory_space<vmem>>) semaphore(%arg16 : memref<!tpu.dma_semaphore, #tpu.memory_space<semaphore_mem>>)
      %dma_wait3A_65 = arith.constant 0 : i32
      %dma_wait3A_66 = tpu.memref_slice %arg10[%mul3A_55, %dma_wait3A_65] : memref<40x128xi32, #tpu.memory_space<vmem>> -> memref<1x128xi32, #tpu.memory_space<vmem>>
      %dma_wait3A_67 = tpu.memref_squeeze %dma_wait3A_66 : memref<1x128xi32, #tpu.memory_space<vmem>> -> memref<128xi32, #tpu.memory_space<vmem>>
      %dma_wait3A_68 = arith.constant 0 : i32
      %dma_wait3A_69 = arith.constant 0 : i32
      %dma_wait3A_70 = tpu.memref_slice %arg2[%dma_wait3A_68, %dma_wait3A_69] : memref<20480x128xf32, #tpu.memory_space<hbm>> -> memref<20480x128xf32, #tpu.memory_space<hbm>>
      tpu.wait_indirect_dma semaphore(%arg15 : memref<!tpu.dma_semaphore, #tpu.memory_space<semaphore_mem>>) src(%dma_wait3A_70 : memref<20480x128xf32, #tpu.memory_space<hbm>>) dst(%arg12 : memref<128x128xf32, #tpu.memory_space<vmem>>)
      %dma_start3A_71 = arith.constant 0 : i32
      %dma_start3A_72 = tpu.memref_slice %arg11[%mul3A_55, %dma_start3A_71] : memref<40x128xi32, #tpu.memory_space<vmem>> -> memref<1x128xi32, #tpu.memory_space<vmem>>
      %dma_start3A_73 = tpu.memref_squeeze %dma_start3A_72 : memref<1x128xi32, #tpu.memory_space<vmem>> -> memref<128xi32, #tpu.memory_space<vmem>>
      %dma_start3A_74 = arith.constant 0 : i32
      %dma_start3A_75 = arith.constant 0 : i32
      %dma_start3A_76 = tpu.memref_slice %arg14[%dma_start3A_74, %dma_start3A_75] : memref<10240x128xf32, #tpu.memory_space<vmem_shared>> -> memref<10240x128xf32, #tpu.memory_space<vmem_shared>>
      tpu.enqueue_indirect_dma source(%arg12 : memref<128x128xf32, #tpu.memory_space<vmem>>) target(%dma_start3A_76 : memref<10240x128xf32, #tpu.memory_space<vmem_shared>>) offsets(%dma_start3A_73 : memref<128xi32, #tpu.memory_space<vmem>>) semaphore(%arg17 : memref<!tpu.dma_semaphore, #tpu.memory_space<semaphore_mem>>) {add = true}
      %dma_wait3A_77 = arith.constant 0 : i32
      %dma_wait3A_78 = tpu.memref_slice %arg11[%mul3A_55, %dma_wait3A_77] : memref<40x128xi32, #tpu.memory_space<vmem>> -> memref<1x128xi32, #tpu.memory_space<vmem>>
      %dma_wait3A_79 = tpu.memref_squeeze %dma_wait3A_78 : memref<1x128xi32, #tpu.memory_space<vmem>> -> memref<128xi32, #tpu.memory_space<vmem>>
      %dma_wait3A_80 = arith.constant 0 : i32
      %dma_wait3A_81 = arith.constant 0 : i32
      %dma_wait3A_82 = tpu.memref_slice %arg14[%dma_wait3A_80, %dma_wait3A_81] : memref<10240x128xf32, #tpu.memory_space<vmem_shared>> -> memref<10240x128xf32, #tpu.memory_space<vmem_shared>>
      tpu.wait_indirect_dma semaphore(%arg17 : memref<!tpu.dma_semaphore, #tpu.memory_space<semaphore_mem>>) src(%arg12 : memref<128x128xf32, #tpu.memory_space<vmem>>) dst(%dma_wait3A_82 : memref<10240x128xf32, #tpu.memory_space<vmem_shared>>)
      %lt3A = arith.constant 19 : i32
      %lt3A_83 = arith.cmpi slt, %scan3A_53, %lt3A : i32
      %convert_element_type3A_84 = arith.extui %lt3A_83 : i1 to i32
      %cond3A_85 = arith.constant 0 : i32
      %cond3A_86 = arith.cmpi ne, %convert_element_type3A_84, %cond3A_85 : i32
      scf.if %cond3A_86 {
        %add3A_99 = arith.constant 2 : i32
        %add3A_100 = arith.addi %mul3A_55, %add3A_99 : i32
        %dma_start3A_101 = arith.constant 0 : i32
        %dma_start3A_102 = tpu.memref_slice %arg10[%add3A_100, %dma_start3A_101] : memref<40x128xi32, #tpu.memory_space<vmem>> -> memref<1x128xi32, #tpu.memory_space<vmem>>
        %dma_start3A_103 = tpu.memref_squeeze %dma_start3A_102 : memref<1x128xi32, #tpu.memory_space<vmem>> -> memref<128xi32, #tpu.memory_space<vmem>>
        %dma_start3A_104 = arith.constant 0 : i32
        %dma_start3A_105 = arith.constant 0 : i32
        %dma_start3A_106 = tpu.memref_slice %arg2[%dma_start3A_104, %dma_start3A_105] : memref<20480x128xf32, #tpu.memory_space<hbm>> -> memref<20480x128xf32, #tpu.memory_space<hbm>>
        tpu.enqueue_indirect_dma source(%dma_start3A_106 : memref<20480x128xf32, #tpu.memory_space<hbm>>) target(%arg12 : memref<128x128xf32, #tpu.memory_space<vmem>>) offsets(%dma_start3A_103 : memref<128xi32, #tpu.memory_space<vmem>>) semaphore(%arg15 : memref<!tpu.dma_semaphore, #tpu.memory_space<semaphore_mem>>)
      } else {
      }
      %dma_wait3A_87 = arith.constant 0 : i32
      %dma_wait3A_88 = tpu.memref_slice %arg10[%add3A_56, %dma_wait3A_87] : memref<40x128xi32, #tpu.memory_space<vmem>> -> memref<1x128xi32, #tpu.memory_space<vmem>>
      %dma_wait3A_89 = tpu.memref_squeeze %dma_wait3A_88 : memref<1x128xi32, #tpu.memory_space<vmem>> -> memref<128xi32, #tpu.memory_space<vmem>>
      %dma_wait3A_90 = arith.constant 0 : i32
      %dma_wait3A_91 = arith.constant 0 : i32
      %dma_wait3A_92 = tpu.memref_slice %arg2[%dma_wait3A_90, %dma_wait3A_91] : memref<20480x128xf32, #tpu.memory_space<hbm>> -> memref<20480x128xf32, #tpu.memory_space<hbm>>
      tpu.wait_indirect_dma semaphore(%arg16 : memref<!tpu.dma_semaphore, #tpu.memory_space<semaphore_mem>>) src(%dma_wait3A_92 : memref<20480x128xf32, #tpu.memory_space<hbm>>) dst(%arg13 : memref<128x128xf32, #tpu.memory_space<vmem>>)
      %dma_start3A_93 = arith.constant 0 : i32
      %dma_start3A_94 = tpu.memref_slice %arg11[%add3A_56, %dma_start3A_93] : memref<40x128xi32, #tpu.memory_space<vmem>> -> memref<1x128xi32, #tpu.memory_space<vmem>>
      %dma_start3A_95 = tpu.memref_squeeze %dma_start3A_94 : memref<1x128xi32, #tpu.memory_space<vmem>> -> memref<128xi32, #tpu.memory_space<vmem>>
      %dma_start3A_96 = arith.constant 0 : i32
      %dma_start3A_97 = arith.constant 0 : i32
      %dma_start3A_98 = tpu.memref_slice %arg14[%dma_start3A_96, %dma_start3A_97] : memref<10240x128xf32, #tpu.memory_space<vmem_shared>> -> memref<10240x128xf32, #tpu.memory_space<vmem_shared>>
      tpu.enqueue_indirect_dma source(%arg13 : memref<128x128xf32, #tpu.memory_space<vmem>>) target(%dma_start3A_98 : memref<10240x128xf32, #tpu.memory_space<vmem_shared>>) offsets(%dma_start3A_95 : memref<128xi32, #tpu.memory_space<vmem>>) semaphore(%arg18 : memref<!tpu.dma_semaphore, #tpu.memory_space<semaphore_mem>>) {add = true}
    }
    %scan3A_11 = arith.constant 20 : i32
    %dma_wait3A = arith.constant 39 : i32
    %dma_wait3A_12 = arith.constant 0 : i32
    %dma_wait3A_13 = tpu.memref_slice %arg11[%dma_wait3A, %dma_wait3A_12] : memref<40x128xi32, #tpu.memory_space<vmem>> -> memref<1x128xi32, #tpu.memory_space<vmem>>
    %dma_wait3A_14 = tpu.memref_squeeze %dma_wait3A_13 : memref<1x128xi32, #tpu.memory_space<vmem>> -> memref<128xi32, #tpu.memory_space<vmem>>
    %dma_wait3A_15 = arith.constant 0 : i32
    %dma_wait3A_16 = arith.constant 0 : i32
    %dma_wait3A_17 = tpu.memref_slice %arg14[%dma_wait3A_15, %dma_wait3A_16] : memref<10240x128xf32, #tpu.memory_space<vmem_shared>> -> memref<10240x128xf32, #tpu.memory_space<vmem_shared>>
    tpu.wait_indirect_dma semaphore(%arg18 : memref<!tpu.dma_semaphore, #tpu.memory_space<semaphore_mem>>) src(%arg13 : memref<128x128xf32, #tpu.memory_space<vmem>>) dst(%dma_wait3A_17 : memref<10240x128xf32, #tpu.memory_space<vmem_shared>>)
    %barrier3A_18 = arith.constant 0 : index
    tpu.barrier barrier_id(%barrier3A_18)
    %mul3A_19 = arith.constant 640 : i32
    %mul3A_20 = arith.muli %arg1, %mul3A_19 : i32
    %mul3A_21 = arith.constant 640 : i32
    %mul3A_22 = arith.muli %arg1, %mul3A_21 : i32
    "tpu.region"() ({
      %run_scoped3A = tpu.sem_alloc : memref<!tpu.dma_semaphore, #tpu.memory_space<semaphore_mem>>
      %dma_start3A_53 = arith.constant 0 : i32
      %dma_start3A_54 = tpu.memref_slice %arg8[%arg0, %mul3A_22, %dma_start3A_53] : memref<2x10240x128xf32, #tpu.memory_space<hbm>> -> memref<1x640x128xf32, #tpu.memory_space<hbm>>
      %dma_start3A_55 = tpu.memref_squeeze %dma_start3A_54 : memref<1x640x128xf32, #tpu.memory_space<hbm>> -> memref<640x128xf32, #tpu.memory_space<hbm>>
      %dma_start3A_56 = arith.constant 0 : i32
      %dma_start3A_57 = tpu.memref_slice %arg14[%mul3A_20, %dma_start3A_56] : memref<10240x128xf32, #tpu.memory_space<vmem_shared>> -> memref<640x128xf32, #tpu.memory_space<vmem_shared>>
      tpu.enqueue_dma source(%dma_start3A_57 : memref<640x128xf32, #tpu.memory_space<vmem_shared>>) target(%dma_start3A_55 : memref<640x128xf32, #tpu.memory_space<hbm>>) target_semaphore(%run_scoped3A : memref<!tpu.dma_semaphore, #tpu.memory_space<semaphore_mem>>)
      %dma_wait3A_58 = arith.constant 0 : i32
      %dma_wait3A_59 = tpu.memref_slice %arg8[%arg0, %mul3A_22, %dma_wait3A_58] : memref<2x10240x128xf32, #tpu.memory_space<hbm>> -> memref<1x640x128xf32, #tpu.memory_space<hbm>>
      %dma_wait3A_60 = tpu.memref_squeeze %dma_wait3A_59 : memref<1x640x128xf32, #tpu.memory_space<hbm>> -> memref<640x128xf32, #tpu.memory_space<hbm>>
      %dma_wait3A_61 = arith.constant 0 : i32
      %dma_wait3A_62 = tpu.memref_slice %arg14[%mul3A_20, %dma_wait3A_61] : memref<10240x128xf32, #tpu.memory_space<vmem_shared>> -> memref<640x128xf32, #tpu.memory_space<vmem_shared>>
      tpu.wait_dma2 semaphore(%run_scoped3A : memref<!tpu.dma_semaphore, #tpu.memory_space<semaphore_mem>>) src(%dma_wait3A_62 : memref<640x128xf32, #tpu.memory_space<vmem_shared>>) dst(%dma_wait3A_60 : memref<640x128xf32, #tpu.memory_space<hbm>>)
      tpu.yield
    }) : () -> ()
    %barrier3A_23 = arith.constant 0 : index
    tpu.barrier barrier_id(%barrier3A_23)
    %mul3A_24 = arith.constant 640 : i32
    %mul3A_25 = arith.muli %arg1, %mul3A_24 : i32
    "tpu.region"() ({
      %run_scoped3A = tpu.sem_alloc : memref<!tpu.dma_semaphore, #tpu.memory_space<semaphore_mem>>
      %dma_start3A_53 = arith.constant 0 : i32
      %dma_start3A_54 = tpu.memref_slice %arg14[%mul3A_25, %dma_start3A_53] : memref<10240x128xf32, #tpu.memory_space<vmem_shared>> -> memref<640x128xf32, #tpu.memory_space<vmem_shared>>
      tpu.enqueue_dma source(%arg7 : memref<640x128xf32, #tpu.memory_space<hbm>>) target(%dma_start3A_54 : memref<640x128xf32, #tpu.memory_space<vmem_shared>>) target_semaphore(%run_scoped3A : memref<!tpu.dma_semaphore, #tpu.memory_space<semaphore_mem>>)
      %dma_wait3A_55 = arith.constant 0 : i32
      %dma_wait3A_56 = tpu.memref_slice %arg14[%mul3A_25, %dma_wait3A_55] : memref<10240x128xf32, #tpu.memory_space<vmem_shared>> -> memref<640x128xf32, #tpu.memory_space<vmem_shared>>
      tpu.wait_dma2 semaphore(%run_scoped3A : memref<!tpu.dma_semaphore, #tpu.memory_space<semaphore_mem>>) src(%arg7 : memref<640x128xf32, #tpu.memory_space<hbm>>) dst(%dma_wait3A_56 : memref<640x128xf32, #tpu.memory_space<vmem_shared>>)
      tpu.yield
    }) : () -> ()
    "tpu.region"() ({
      %run_scoped3A = tpu.sem_alloc : memref<!tpu.dma_semaphore, #tpu.memory_space<semaphore_mem>>
      %dma_start3A_53 = arith.constant 0 : i32
      %dma_start3A_54 = arith.constant 0 : i32
      %dma_start3A_55 = tpu.memref_slice %arg5[%arg0, %arg1, %dma_start3A_53, %dma_start3A_54] : memref<2x16x40x128xi32, #tpu.memory_space<hbm>> -> memref<1x1x40x128xi32, #tpu.memory_space<hbm>>
      %dma_start3A_56 = tpu.memref_squeeze %dma_start3A_55 : memref<1x1x40x128xi32, #tpu.memory_space<hbm>> -> memref<40x128xi32, #tpu.memory_space<hbm>>
      %dma_start3A_57 = arith.constant 0 : i32
      %dma_start3A_58 = arith.constant 0 : i32
      %dma_start3A_59 = tpu.memref_slice %arg5[%arg0, %arg1, %dma_start3A_57, %dma_start3A_58] : memref<2x16x40x128xi32, #tpu.memory_space<hbm>> -> memref<1x1x40x128xi32, #tpu.memory_space<hbm>>
      %dma_start3A_60 = tpu.memref_squeeze %dma_start3A_59 : memref<1x1x40x128xi32, #tpu.memory_space<hbm>> -> memref<40x128xi32, #tpu.memory_space<hbm>>
      tpu.enqueue_dma source(%dma_start3A_60 : memref<40x128xi32, #tpu.memory_space<hbm>>) target(%arg10 : memref<40x128xi32, #tpu.memory_space<vmem>>) target_semaphore(%run_scoped3A : memref<!tpu.dma_semaphore, #tpu.memory_space<semaphore_mem>>)
      %dma_wait3A_61 = arith.constant 0 : i32
      %dma_wait3A_62 = arith.constant 0 : i32
      %dma_wait3A_63 = tpu.memref_slice %arg5[%arg0, %arg1, %dma_wait3A_61, %dma_wait3A_62] : memref<2x16x40x128xi32, #tpu.memory_space<hbm>> -> memref<1x1x40x128xi32, #tpu.memory_space<hbm>>
      %dma_wait3A_64 = tpu.memref_squeeze %dma_wait3A_63 : memref<1x1x40x128xi32, #tpu.memory_space<hbm>> -> memref<40x128xi32, #tpu.memory_space<hbm>>
      %dma_wait3A_65 = arith.constant 0 : i32
      %dma_wait3A_66 = arith.constant 0 : i32
      %dma_wait3A_67 = tpu.memref_slice %arg5[%arg0, %arg1, %dma_wait3A_65, %dma_wait3A_66] : memref<2x16x40x128xi32, #tpu.memory_space<hbm>> -> memref<1x1x40x128xi32, #tpu.memory_space<hbm>>
      %dma_wait3A_68 = tpu.memref_squeeze %dma_wait3A_67 : memref<1x1x40x128xi32, #tpu.memory_space<hbm>> -> memref<40x128xi32, #tpu.memory_space<hbm>>
      tpu.wait_dma2 semaphore(%run_scoped3A : memref<!tpu.dma_semaphore, #tpu.memory_space<semaphore_mem>>) src(%dma_wait3A_68 : memref<40x128xi32, #tpu.memory_space<hbm>>) dst(%arg10 : memref<40x128xi32, #tpu.memory_space<vmem>>)
      tpu.yield
    }) : () -> ()
    "tpu.region"() ({
      %run_scoped3A = tpu.sem_alloc : memref<!tpu.dma_semaphore, #tpu.memory_space<semaphore_mem>>
      %dma_start3A_53 = arith.constant 0 : i32
      %dma_start3A_54 = arith.constant 0 : i32
      %dma_start3A_55 = tpu.memref_slice %arg6[%arg0, %arg1, %dma_start3A_53, %dma_start3A_54] : memref<2x16x40x128xi32, #tpu.memory_space<hbm>> -> memref<1x1x40x128xi32, #tpu.memory_space<hbm>>
      %dma_start3A_56 = tpu.memref_squeeze %dma_start3A_55 : memref<1x1x40x128xi32, #tpu.memory_space<hbm>> -> memref<40x128xi32, #tpu.memory_space<hbm>>
      %dma_start3A_57 = arith.constant 0 : i32
      %dma_start3A_58 = arith.constant 0 : i32
      %dma_start3A_59 = tpu.memref_slice %arg6[%arg0, %arg1, %dma_start3A_57, %dma_start3A_58] : memref<2x16x40x128xi32, #tpu.memory_space<hbm>> -> memref<1x1x40x128xi32, #tpu.memory_space<hbm>>
      %dma_start3A_60 = tpu.memref_squeeze %dma_start3A_59 : memref<1x1x40x128xi32, #tpu.memory_space<hbm>> -> memref<40x128xi32, #tpu.memory_space<hbm>>
      tpu.enqueue_dma source(%dma_start3A_60 : memref<40x128xi32, #tpu.memory_space<hbm>>) target(%arg11 : memref<40x128xi32, #tpu.memory_space<vmem>>) target_semaphore(%run_scoped3A : memref<!tpu.dma_semaphore, #tpu.memory_space<semaphore_mem>>)
      %dma_wait3A_61 = arith.constant 0 : i32
      %dma_wait3A_62 = arith.constant 0 : i32
      %dma_wait3A_63 = tpu.memref_slice %arg6[%arg0, %arg1, %dma_wait3A_61, %dma_wait3A_62] : memref<2x16x40x128xi32, #tpu.memory_space<hbm>> -> memref<1x1x40x128xi32, #tpu.memory_space<hbm>>
      %dma_wait3A_64 = tpu.memref_squeeze %dma_wait3A_63 : memref<1x1x40x128xi32, #tpu.memory_space<hbm>> -> memref<40x128xi32, #tpu.memory_space<hbm>>
      %dma_wait3A_65 = arith.constant 0 : i32
      %dma_wait3A_66 = arith.constant 0 : i32
      %dma_wait3A_67 = tpu.memref_slice %arg6[%arg0, %arg1, %dma_wait3A_65, %dma_wait3A_66] : memref<2x16x40x128xi32, #tpu.memory_space<hbm>> -> memref<1x1x40x128xi32, #tpu.memory_space<hbm>>
      %dma_wait3A_68 = tpu.memref_squeeze %dma_wait3A_67 : memref<1x1x40x128xi32, #tpu.memory_space<hbm>> -> memref<40x128xi32, #tpu.memory_space<hbm>>
      tpu.wait_dma2 semaphore(%run_scoped3A : memref<!tpu.dma_semaphore, #tpu.memory_space<semaphore_mem>>) src(%dma_wait3A_68 : memref<40x128xi32, #tpu.memory_space<hbm>>) dst(%arg11 : memref<40x128xi32, #tpu.memory_space<vmem>>)
      tpu.yield
    }) : () -> ()
    %barrier3A_26 = arith.constant 0 : index
    tpu.barrier barrier_id(%barrier3A_26)
    %dma_start3A_27 = arith.constant 0 : i32
    %dma_start3A_28 = arith.constant 0 : i32
    %dma_start3A_29 = tpu.memref_slice %arg10[%dma_start3A_27, %dma_start3A_28] : memref<40x128xi32, #tpu.memory_space<vmem>> -> memref<1x128xi32, #tpu.memory_space<vmem>>
    %dma_start3A_30 = tpu.memref_squeeze %dma_start3A_29 : memref<1x128xi32, #tpu.memory_space<vmem>> -> memref<128xi32, #tpu.memory_space<vmem>>
    %dma_start3A_31 = arith.constant 0 : i32
    %dma_start3A_32 = arith.constant 0 : i32
    %dma_start3A_33 = tpu.memref_slice %arg2[%dma_start3A_31, %dma_start3A_32] : memref<20480x128xf32, #tpu.memory_space<hbm>> -> memref<20480x128xf32, #tpu.memory_space<hbm>>
    tpu.enqueue_indirect_dma source(%dma_start3A_33 : memref<20480x128xf32, #tpu.memory_space<hbm>>) target(%arg12 : memref<128x128xf32, #tpu.memory_space<vmem>>) offsets(%dma_start3A_30 : memref<128xi32, #tpu.memory_space<vmem>>) semaphore(%arg15 : memref<!tpu.dma_semaphore, #tpu.memory_space<semaphore_mem>>)
    %scan3A_34 = arith.constant 0 : i32
    %scan3A_35 = arith.constant 0 : i32
    %scan3A_36 = arith.constant 20 : i32
    %scan3A_37 = arith.addi %scan3A_35, %scan3A_36 : i32
    %scan3A_38 = arith.constant 1 : i32
    scf.for %scan3A_53 = %scan3A_35 to %scan3A_37 step %scan3A_38  : i32 {
      %mul3A_54 = arith.constant 2 : i32
      %mul3A_55 = arith.muli %mul3A_54, %scan3A_53 : i32
      %add3A = arith.constant 1 : i32
      %add3A_56 = arith.addi %mul3A_55, %add3A : i32
      %gt3A = arith.constant 0 : i32
      %gt3A_57 = arith.cmpi sgt, %scan3A_53, %gt3A : i32
      %convert_element_type3A = arith.extui %gt3A_57 : i1 to i32
      %cond3A = arith.constant 0 : i32
      %cond3A_58 = arith.cmpi ne, %convert_element_type3A, %cond3A : i32
      scf.if %cond3A_58 {
        %sub3A = arith.constant 1 : i32
        %sub3A_99 = arith.subi %mul3A_55, %sub3A : i32
        %dma_wait3A_100 = arith.constant 0 : i32
        %dma_wait3A_101 = tpu.memref_slice %arg11[%sub3A_99, %dma_wait3A_100] : memref<40x128xi32, #tpu.memory_space<vmem>> -> memref<1x128xi32, #tpu.memory_space<vmem>>
        %dma_wait3A_102 = tpu.memref_squeeze %dma_wait3A_101 : memref<1x128xi32, #tpu.memory_space<vmem>> -> memref<128xi32, #tpu.memory_space<vmem>>
        %dma_wait3A_103 = arith.constant 0 : i32
        %dma_wait3A_104 = arith.constant 0 : i32
        %dma_wait3A_105 = tpu.memref_slice %arg14[%dma_wait3A_103, %dma_wait3A_104] : memref<10240x128xf32, #tpu.memory_space<vmem_shared>> -> memref<10240x128xf32, #tpu.memory_space<vmem_shared>>
        tpu.wait_indirect_dma semaphore(%arg18 : memref<!tpu.dma_semaphore, #tpu.memory_space<semaphore_mem>>) src(%arg13 : memref<128x128xf32, #tpu.memory_space<vmem>>) dst(%dma_wait3A_105 : memref<10240x128xf32, #tpu.memory_space<vmem_shared>>)
      } else {
      }
      %dma_start3A_59 = arith.constant 0 : i32
      %dma_start3A_60 = tpu.memref_slice %arg10[%add3A_56, %dma_start3A_59] : memref<40x128xi32, #tpu.memory_space<vmem>> -> memref<1x128xi32, #tpu.memory_space<vmem>>
      %dma_start3A_61 = tpu.memref_squeeze %dma_start3A_60 : memref<1x128xi32, #tpu.memory_space<vmem>> -> memref<128xi32, #tpu.memory_space<vmem>>
      %dma_start3A_62 = arith.constant 0 : i32
      %dma_start3A_63 = arith.constant 0 : i32
      %dma_start3A_64 = tpu.memref_slice %arg2[%dma_start3A_62, %dma_start3A_63] : memref<20480x128xf32, #tpu.memory_space<hbm>> -> memref<20480x128xf32, #tpu.memory_space<hbm>>
      tpu.enqueue_indirect_dma source(%dma_start3A_64 : memref<20480x128xf32, #tpu.memory_space<hbm>>) target(%arg13 : memref<128x128xf32, #tpu.memory_space<vmem>>) offsets(%dma_start3A_61 : memref<128xi32, #tpu.memory_space<vmem>>) semaphore(%arg16 : memref<!tpu.dma_semaphore, #tpu.memory_space<semaphore_mem>>)
      %dma_wait3A_65 = arith.constant 0 : i32
      %dma_wait3A_66 = tpu.memref_slice %arg10[%mul3A_55, %dma_wait3A_65] : memref<40x128xi32, #tpu.memory_space<vmem>> -> memref<1x128xi32, #tpu.memory_space<vmem>>
      %dma_wait3A_67 = tpu.memref_squeeze %dma_wait3A_66 : memref<1x128xi32, #tpu.memory_space<vmem>> -> memref<128xi32, #tpu.memory_space<vmem>>
      %dma_wait3A_68 = arith.constant 0 : i32
      %dma_wait3A_69 = arith.constant 0 : i32
      %dma_wait3A_70 = tpu.memref_slice %arg2[%dma_wait3A_68, %dma_wait3A_69] : memref<20480x128xf32, #tpu.memory_space<hbm>> -> memref<20480x128xf32, #tpu.memory_space<hbm>>
      tpu.wait_indirect_dma semaphore(%arg15 : memref<!tpu.dma_semaphore, #tpu.memory_space<semaphore_mem>>) src(%dma_wait3A_70 : memref<20480x128xf32, #tpu.memory_space<hbm>>) dst(%arg12 : memref<128x128xf32, #tpu.memory_space<vmem>>)
      %dma_start3A_71 = arith.constant 0 : i32
      %dma_start3A_72 = tpu.memref_slice %arg11[%mul3A_55, %dma_start3A_71] : memref<40x128xi32, #tpu.memory_space<vmem>> -> memref<1x128xi32, #tpu.memory_space<vmem>>
      %dma_start3A_73 = tpu.memref_squeeze %dma_start3A_72 : memref<1x128xi32, #tpu.memory_space<vmem>> -> memref<128xi32, #tpu.memory_space<vmem>>
      %dma_start3A_74 = arith.constant 0 : i32
      %dma_start3A_75 = arith.constant 0 : i32
      %dma_start3A_76 = tpu.memref_slice %arg14[%dma_start3A_74, %dma_start3A_75] : memref<10240x128xf32, #tpu.memory_space<vmem_shared>> -> memref<10240x128xf32, #tpu.memory_space<vmem_shared>>
      tpu.enqueue_indirect_dma source(%arg12 : memref<128x128xf32, #tpu.memory_space<vmem>>) target(%dma_start3A_76 : memref<10240x128xf32, #tpu.memory_space<vmem_shared>>) offsets(%dma_start3A_73 : memref<128xi32, #tpu.memory_space<vmem>>) semaphore(%arg17 : memref<!tpu.dma_semaphore, #tpu.memory_space<semaphore_mem>>) {add = true}
      %dma_wait3A_77 = arith.constant 0 : i32
      %dma_wait3A_78 = tpu.memref_slice %arg11[%mul3A_55, %dma_wait3A_77] : memref<40x128xi32, #tpu.memory_space<vmem>> -> memref<1x128xi32, #tpu.memory_space<vmem>>
      %dma_wait3A_79 = tpu.memref_squeeze %dma_wait3A_78 : memref<1x128xi32, #tpu.memory_space<vmem>> -> memref<128xi32, #tpu.memory_space<vmem>>
      %dma_wait3A_80 = arith.constant 0 : i32
      %dma_wait3A_81 = arith.constant 0 : i32
      %dma_wait3A_82 = tpu.memref_slice %arg14[%dma_wait3A_80, %dma_wait3A_81] : memref<10240x128xf32, #tpu.memory_space<vmem_shared>> -> memref<10240x128xf32, #tpu.memory_space<vmem_shared>>
      tpu.wait_indirect_dma semaphore(%arg17 : memref<!tpu.dma_semaphore, #tpu.memory_space<semaphore_mem>>) src(%arg12 : memref<128x128xf32, #tpu.memory_space<vmem>>) dst(%dma_wait3A_82 : memref<10240x128xf32, #tpu.memory_space<vmem_shared>>)
      %lt3A = arith.constant 19 : i32
      %lt3A_83 = arith.cmpi slt, %scan3A_53, %lt3A : i32
      %convert_element_type3A_84 = arith.extui %lt3A_83 : i1 to i32
      %cond3A_85 = arith.constant 0 : i32
      %cond3A_86 = arith.cmpi ne, %convert_element_type3A_84, %cond3A_85 : i32
      scf.if %cond3A_86 {
        %add3A_99 = arith.constant 2 : i32
        %add3A_100 = arith.addi %mul3A_55, %add3A_99 : i32
        %dma_start3A_101 = arith.constant 0 : i32
        %dma_start3A_102 = tpu.memref_slice %arg10[%add3A_100, %dma_start3A_101] : memref<40x128xi32, #tpu.memory_space<vmem>> -> memref<1x128xi32, #tpu.memory_space<vmem>>
        %dma_start3A_103 = tpu.memref_squeeze %dma_start3A_102 : memref<1x128xi32, #tpu.memory_space<vmem>> -> memref<128xi32, #tpu.memory_space<vmem>>
        %dma_start3A_104 = arith.constant 0 : i32
        %dma_start3A_105 = arith.constant 0 : i32
        %dma_start3A_106 = tpu.memref_slice %arg2[%dma_start3A_104, %dma_start3A_105] : memref<20480x128xf32, #tpu.memory_space<hbm>> -> memref<20480x128xf32, #tpu.memory_space<hbm>>
        tpu.enqueue_indirect_dma source(%dma_start3A_106 : memref<20480x128xf32, #tpu.memory_space<hbm>>) target(%arg12 : memref<128x128xf32, #tpu.memory_space<vmem>>) offsets(%dma_start3A_103 : memref<128xi32, #tpu.memory_space<vmem>>) semaphore(%arg15 : memref<!tpu.dma_semaphore, #tpu.memory_space<semaphore_mem>>)
      } else {
      }
      %dma_wait3A_87 = arith.constant 0 : i32
      %dma_wait3A_88 = tpu.memref_slice %arg10[%add3A_56, %dma_wait3A_87] : memref<40x128xi32, #tpu.memory_space<vmem>> -> memref<1x128xi32, #tpu.memory_space<vmem>>
      %dma_wait3A_89 = tpu.memref_squeeze %dma_wait3A_88 : memref<1x128xi32, #tpu.memory_space<vmem>> -> memref<128xi32, #tpu.memory_space<vmem>>
      %dma_wait3A_90 = arith.constant 0 : i32
      %dma_wait3A_91 = arith.constant 0 : i32
      %dma_wait3A_92 = tpu.memref_slice %arg2[%dma_wait3A_90, %dma_wait3A_91] : memref<20480x128xf32, #tpu.memory_space<hbm>> -> memref<20480x128xf32, #tpu.memory_space<hbm>>
      tpu.wait_indirect_dma semaphore(%arg16 : memref<!tpu.dma_semaphore, #tpu.memory_space<semaphore_mem>>) src(%dma_wait3A_92 : memref<20480x128xf32, #tpu.memory_space<hbm>>) dst(%arg13 : memref<128x128xf32, #tpu.memory_space<vmem>>)
      %dma_start3A_93 = arith.constant 0 : i32
      %dma_start3A_94 = tpu.memref_slice %arg11[%add3A_56, %dma_start3A_93] : memref<40x128xi32, #tpu.memory_space<vmem>> -> memref<1x128xi32, #tpu.memory_space<vmem>>
      %dma_start3A_95 = tpu.memref_squeeze %dma_start3A_94 : memref<1x128xi32, #tpu.memory_space<vmem>> -> memref<128xi32, #tpu.memory_space<vmem>>
      %dma_start3A_96 = arith.constant 0 : i32
      %dma_start3A_97 = arith.constant 0 : i32
      %dma_start3A_98 = tpu.memref_slice %arg14[%dma_start3A_96, %dma_start3A_97] : memref<10240x128xf32, #tpu.memory_space<vmem_shared>> -> memref<10240x128xf32, #tpu.memory_space<vmem_shared>>
      tpu.enqueue_indirect_dma source(%arg13 : memref<128x128xf32, #tpu.memory_space<vmem>>) target(%dma_start3A_98 : memref<10240x128xf32, #tpu.memory_space<vmem_shared>>) offsets(%dma_start3A_95 : memref<128xi32, #tpu.memory_space<vmem>>) semaphore(%arg18 : memref<!tpu.dma_semaphore, #tpu.memory_space<semaphore_mem>>) {add = true}
    }
    %scan3A_39 = arith.constant 20 : i32
    %dma_wait3A_40 = arith.constant 39 : i32
    %dma_wait3A_41 = arith.constant 0 : i32
    %dma_wait3A_42 = tpu.memref_slice %arg11[%dma_wait3A_40, %dma_wait3A_41] : memref<40x128xi32, #tpu.memory_space<vmem>> -> memref<1x128xi32, #tpu.memory_space<vmem>>
    %dma_wait3A_43 = tpu.memref_squeeze %dma_wait3A_42 : memref<1x128xi32, #tpu.memory_space<vmem>> -> memref<128xi32, #tpu.memory_space<vmem>>
    %dma_wait3A_44 = arith.constant 0 : i32
    %dma_wait3A_45 = arith.constant 0 : i32
    %dma_wait3A_46 = tpu.memref_slice %arg14[%dma_wait3A_44, %dma_wait3A_45] : memref<10240x128xf32, #tpu.memory_space<vmem_shared>> -> memref<10240x128xf32, #tpu.memory_space<vmem_shared>>
    tpu.wait_indirect_dma semaphore(%arg18 : memref<!tpu.dma_semaphore, #tpu.memory_space<semaphore_mem>>) src(%arg13 : memref<128x128xf32, #tpu.memory_space<vmem>>) dst(%dma_wait3A_46 : memref<10240x128xf32, #tpu.memory_space<vmem_shared>>)
    %barrier3A_47 = arith.constant 0 : index
    tpu.barrier barrier_id(%barrier3A_47)
    %mul3A_48 = arith.constant 640 : i32
    %mul3A_49 = arith.muli %arg1, %mul3A_48 : i32
    %mul3A_50 = arith.constant 640 : i32
    %mul3A_51 = arith.muli %arg1, %mul3A_50 : i32
    "tpu.region"() ({
      %run_scoped3A = tpu.sem_alloc : memref<!tpu.dma_semaphore, #tpu.memory_space<semaphore_mem>>
      %dma_start3A_53 = arith.constant 0 : i32
      %dma_start3A_54 = tpu.memref_slice %arg9[%arg0, %mul3A_51, %dma_start3A_53] : memref<2x10240x128xf32, #tpu.memory_space<hbm>> -> memref<1x640x128xf32, #tpu.memory_space<hbm>>
      %dma_start3A_55 = tpu.memref_squeeze %dma_start3A_54 : memref<1x640x128xf32, #tpu.memory_space<hbm>> -> memref<640x128xf32, #tpu.memory_space<hbm>>
      %dma_start3A_56 = arith.constant 0 : i32
      %dma_start3A_57 = tpu.memref_slice %arg14[%mul3A_49, %dma_start3A_56] : memref<10240x128xf32, #tpu.memory_space<vmem_shared>> -> memref<640x128xf32, #tpu.memory_space<vmem_shared>>
      tpu.enqueue_dma source(%dma_start3A_57 : memref<640x128xf32, #tpu.memory_space<vmem_shared>>) target(%dma_start3A_55 : memref<640x128xf32, #tpu.memory_space<hbm>>) target_semaphore(%run_scoped3A : memref<!tpu.dma_semaphore, #tpu.memory_space<semaphore_mem>>)
      %dma_wait3A_58 = arith.constant 0 : i32
      %dma_wait3A_59 = tpu.memref_slice %arg9[%arg0, %mul3A_51, %dma_wait3A_58] : memref<2x10240x128xf32, #tpu.memory_space<hbm>> -> memref<1x640x128xf32, #tpu.memory_space<hbm>>
      %dma_wait3A_60 = tpu.memref_squeeze %dma_wait3A_59 : memref<1x640x128xf32, #tpu.memory_space<hbm>> -> memref<640x128xf32, #tpu.memory_space<hbm>>
      %dma_wait3A_61 = arith.constant 0 : i32
      %dma_wait3A_62 = tpu.memref_slice %arg14[%mul3A_49, %dma_wait3A_61] : memref<10240x128xf32, #tpu.memory_space<vmem_shared>> -> memref<640x128xf32, #tpu.memory_space<vmem_shared>>
      tpu.wait_dma2 semaphore(%run_scoped3A : memref<!tpu.dma_semaphore, #tpu.memory_space<semaphore_mem>>) src(%dma_wait3A_62 : memref<640x128xf32, #tpu.memory_space<vmem_shared>>) dst(%dma_wait3A_60 : memref<640x128xf32, #tpu.memory_space<hbm>>)
      tpu.yield
    }) : () -> ()
    %barrier3A_52 = arith.constant 0 : index
    tpu.barrier barrier_id(%barrier3A_52)
    return
  }
}

#map = affine_map<(d0, d1) -> (0, 0)>
#map1 = affine_map<(d0, d1) -> (0, 0, 0, 0)>
#map2 = affine_map<(d0, d1) -> (0, 0, 0)>
module attributes {stable_mosaic.version = 14 : i64} {
  func.func @_agg_body(%arg0: i32, %arg1: i32, %arg2: memref<20480x128xf32, #tpu.memory_space<hbm>>, %arg3: memref<2x16x40x128xi32, #tpu.memory_space<hbm>>, %arg4: memref<2x16x40x128xi32, #tpu.memory_space<hbm>>, %arg5: memref<2x16x40x128xi32, #tpu.memory_space<hbm>>, %arg6: memref<2x16x40x128xi32, #tpu.memory_space<hbm>>, %arg7: memref<640x128xf32, #tpu.memory_space<hbm>>, %arg8: memref<2x10240x128xf32, #tpu.memory_space<hbm>>, %arg9: memref<2x10240x128xf32, #tpu.memory_space<hbm>>, %arg10: memref<40x128xi32, #tpu.memory_space<vmem>>, %arg11: memref<40x128xi32, #tpu.memory_space<vmem>>, %arg12: memref<128x128xf32, #tpu.memory_space<vmem>>, %arg13: memref<128x128xf32, #tpu.memory_space<vmem>>, %arg14: memref<10240x128xf32, #tpu.memory_space<vmem_shared>>, %arg15: memref<!tpu.dma_semaphore, #tpu.memory_space<semaphore_mem>>, %arg16: memref<!tpu.dma_semaphore, #tpu.memory_space<semaphore_mem>>, %arg17: memref<!tpu.dma_semaphore, #tpu.memory_space<semaphore_mem>>, %arg18: memref<!tpu.dma_semaphore, #tpu.memory_space<semaphore_mem>>) attributes {dimension_semantics = [#tpu.dimension_semantics<core_parallel>, #tpu.dimension_semantics<subcore_parallel>], iteration_bounds = array<i64: 2, 16>, scalar_prefetch = 0 : i64, scratch_operands = 9 : i64, tpu.core_type = #tpu.core_type<sc_vector_subcore>, window_params = [{transform_indices = #map}, {transform_indices = #map1}, {transform_indices = #map1}, {transform_indices = #map1}, {transform_indices = #map1}, {transform_indices = #map}, {transform_indices = #map2}, {transform_indices = #map2}]} {
    %mul3A = arith.constant 640 : i32
    %mul3A_0 = arith.muli %arg1, %mul3A : i32
    "tpu.region"() ({
      %run_scoped3A = tpu.sem_alloc : memref<!tpu.dma_semaphore, #tpu.memory_space<semaphore_mem>>
      %dma_start3A_53 = arith.constant 0 : i32
      %dma_start3A_54 = tpu.memref_slice %arg14[%mul3A_0, %dma_start3A_53] : memref<10240x128xf32, #tpu.memory_space<vmem_shared>> -> memref<640x128xf32, #tpu.memory_space<vmem_shared>>
      tpu.enqueue_dma source(%arg7 : memref<640x128xf32, #tpu.memory_space<hbm>>) target(%dma_start3A_54 : memref<640x128xf32, #tpu.memory_space<vmem_shared>>) target_semaphore(%run_scoped3A : memref<!tpu.dma_semaphore, #tpu.memory_space<semaphore_mem>>)
      %dma_wait3A_55 = arith.constant 0 : i32
      %dma_wait3A_56 = tpu.memref_slice %arg14[%mul3A_0, %dma_wait3A_55] : memref<10240x128xf32, #tpu.memory_space<vmem_shared>> -> memref<640x128xf32, #tpu.memory_space<vmem_shared>>
      tpu.wait_dma2 semaphore(%run_scoped3A : memref<!tpu.dma_semaphore, #tpu.memory_space<semaphore_mem>>) src(%arg7 : memref<640x128xf32, #tpu.memory_space<hbm>>) dst(%dma_wait3A_56 : memref<640x128xf32, #tpu.memory_space<vmem_shared>>)
      tpu.yield
    }) : () -> ()
    "tpu.region"() ({
      %run_scoped3A = tpu.sem_alloc : memref<!tpu.dma_semaphore, #tpu.memory_space<semaphore_mem>>
      %dma_start3A_53 = arith.constant 0 : i32
      %dma_start3A_54 = arith.constant 0 : i32
      %dma_start3A_55 = tpu.memref_slice %arg3[%arg0, %arg1, %dma_start3A_53, %dma_start3A_54] : memref<2x16x40x128xi32, #tpu.memory_space<hbm>> -> memref<1x1x40x128xi32, #tpu.memory_space<hbm>>
      %dma_start3A_56 = tpu.memref_squeeze %dma_start3A_55 : memref<1x1x40x128xi32, #tpu.memory_space<hbm>> -> memref<40x128xi32, #tpu.memory_space<hbm>>
      %dma_start3A_57 = arith.constant 0 : i32
      %dma_start3A_58 = arith.constant 0 : i32
      %dma_start3A_59 = tpu.memref_slice %arg3[%arg0, %arg1, %dma_start3A_57, %dma_start3A_58] : memref<2x16x40x128xi32, #tpu.memory_space<hbm>> -> memref<1x1x40x128xi32, #tpu.memory_space<hbm>>
      %dma_start3A_60 = tpu.memref_squeeze %dma_start3A_59 : memref<1x1x40x128xi32, #tpu.memory_space<hbm>> -> memref<40x128xi32, #tpu.memory_space<hbm>>
      tpu.enqueue_dma source(%dma_start3A_60 : memref<40x128xi32, #tpu.memory_space<hbm>>) target(%arg10 : memref<40x128xi32, #tpu.memory_space<vmem>>) target_semaphore(%run_scoped3A : memref<!tpu.dma_semaphore, #tpu.memory_space<semaphore_mem>>)
      %dma_wait3A_61 = arith.constant 0 : i32
      %dma_wait3A_62 = arith.constant 0 : i32
      %dma_wait3A_63 = tpu.memref_slice %arg3[%arg0, %arg1, %dma_wait3A_61, %dma_wait3A_62] : memref<2x16x40x128xi32, #tpu.memory_space<hbm>> -> memref<1x1x40x128xi32, #tpu.memory_space<hbm>>
      %dma_wait3A_64 = tpu.memref_squeeze %dma_wait3A_63 : memref<1x1x40x128xi32, #tpu.memory_space<hbm>> -> memref<40x128xi32, #tpu.memory_space<hbm>>
      %dma_wait3A_65 = arith.constant 0 : i32
      %dma_wait3A_66 = arith.constant 0 : i32
      %dma_wait3A_67 = tpu.memref_slice %arg3[%arg0, %arg1, %dma_wait3A_65, %dma_wait3A_66] : memref<2x16x40x128xi32, #tpu.memory_space<hbm>> -> memref<1x1x40x128xi32, #tpu.memory_space<hbm>>
      %dma_wait3A_68 = tpu.memref_squeeze %dma_wait3A_67 : memref<1x1x40x128xi32, #tpu.memory_space<hbm>> -> memref<40x128xi32, #tpu.memory_space<hbm>>
      tpu.wait_dma2 semaphore(%run_scoped3A : memref<!tpu.dma_semaphore, #tpu.memory_space<semaphore_mem>>) src(%dma_wait3A_68 : memref<40x128xi32, #tpu.memory_space<hbm>>) dst(%arg10 : memref<40x128xi32, #tpu.memory_space<vmem>>)
      tpu.yield
    }) : () -> ()
    "tpu.region"() ({
      %run_scoped3A = tpu.sem_alloc : memref<!tpu.dma_semaphore, #tpu.memory_space<semaphore_mem>>
      %dma_start3A_53 = arith.constant 0 : i32
      %dma_start3A_54 = arith.constant 0 : i32
      %dma_start3A_55 = tpu.memref_slice %arg4[%arg0, %arg1, %dma_start3A_53, %dma_start3A_54] : memref<2x16x40x128xi32, #tpu.memory_space<hbm>> -> memref<1x1x40x128xi32, #tpu.memory_space<hbm>>
      %dma_start3A_56 = tpu.memref_squeeze %dma_start3A_55 : memref<1x1x40x128xi32, #tpu.memory_space<hbm>> -> memref<40x128xi32, #tpu.memory_space<hbm>>
      %dma_start3A_57 = arith.constant 0 : i32
      %dma_start3A_58 = arith.constant 0 : i32
      %dma_start3A_59 = tpu.memref_slice %arg4[%arg0, %arg1, %dma_start3A_57, %dma_start3A_58] : memref<2x16x40x128xi32, #tpu.memory_space<hbm>> -> memref<1x1x40x128xi32, #tpu.memory_space<hbm>>
      %dma_start3A_60 = tpu.memref_squeeze %dma_start3A_59 : memref<1x1x40x128xi32, #tpu.memory_space<hbm>> -> memref<40x128xi32, #tpu.memory_space<hbm>>
      tpu.enqueue_dma source(%dma_start3A_60 : memref<40x128xi32, #tpu.memory_space<hbm>>) target(%arg11 : memref<40x128xi32, #tpu.memory_space<vmem>>) target_semaphore(%run_scoped3A : memref<!tpu.dma_semaphore, #tpu.memory_space<semaphore_mem>>)
      %dma_wait3A_61 = arith.constant 0 : i32
      %dma_wait3A_62 = arith.constant 0 : i32
      %dma_wait3A_63 = tpu.memref_slice %arg4[%arg0, %arg1, %dma_wait3A_61, %dma_wait3A_62] : memref<2x16x40x128xi32, #tpu.memory_space<hbm>> -> memref<1x1x40x128xi32, #tpu.memory_space<hbm>>
      %dma_wait3A_64 = tpu.memref_squeeze %dma_wait3A_63 : memref<1x1x40x128xi32, #tpu.memory_space<hbm>> -> memref<40x128xi32, #tpu.memory_space<hbm>>
      %dma_wait3A_65 = arith.constant 0 : i32
      %dma_wait3A_66 = arith.constant 0 : i32
      %dma_wait3A_67 = tpu.memref_slice %arg4[%arg0, %arg1, %dma_wait3A_65, %dma_wait3A_66] : memref<2x16x40x128xi32, #tpu.memory_space<hbm>> -> memref<1x1x40x128xi32, #tpu.memory_space<hbm>>
      %dma_wait3A_68 = tpu.memref_squeeze %dma_wait3A_67 : memref<1x1x40x128xi32, #tpu.memory_space<hbm>> -> memref<40x128xi32, #tpu.memory_space<hbm>>
      tpu.wait_dma2 semaphore(%run_scoped3A : memref<!tpu.dma_semaphore, #tpu.memory_space<semaphore_mem>>) src(%dma_wait3A_68 : memref<40x128xi32, #tpu.memory_space<hbm>>) dst(%arg11 : memref<40x128xi32, #tpu.memory_space<vmem>>)
      tpu.yield
    }) : () -> ()
    %barrier3A = arith.constant 0 : index
    tpu.barrier barrier_id(%barrier3A)
    %dma_start3A = arith.constant 0 : i32
    %dma_start3A_1 = arith.constant 0 : i32
    %dma_start3A_2 = tpu.memref_slice %arg10[%dma_start3A, %dma_start3A_1] : memref<40x128xi32, #tpu.memory_space<vmem>> -> memref<1x128xi32, #tpu.memory_space<vmem>>
    %dma_start3A_3 = tpu.memref_squeeze %dma_start3A_2 : memref<1x128xi32, #tpu.memory_space<vmem>> -> memref<128xi32, #tpu.memory_space<vmem>>
    %dma_start3A_4 = arith.constant 0 : i32
    %dma_start3A_5 = arith.constant 0 : i32
    %dma_start3A_6 = tpu.memref_slice %arg2[%dma_start3A_4, %dma_start3A_5] : memref<20480x128xf32, #tpu.memory_space<hbm>> -> memref<20480x128xf32, #tpu.memory_space<hbm>>
    tpu.enqueue_indirect_dma source(%dma_start3A_6 : memref<20480x128xf32, #tpu.memory_space<hbm>>) target(%arg12 : memref<128x128xf32, #tpu.memory_space<vmem>>) offsets(%dma_start3A_3 : memref<128xi32, #tpu.memory_space<vmem>>) semaphore(%arg15 : memref<!tpu.dma_semaphore, #tpu.memory_space<semaphore_mem>>)
    %scan3A = arith.constant 0 : i32
    %scan3A_7 = arith.constant 0 : i32
    %scan3A_8 = arith.constant 20 : i32
    %scan3A_9 = arith.addi %scan3A_7, %scan3A_8 : i32
    %scan3A_10 = arith.constant 1 : i32
    scf.for %scan3A_53 = %scan3A_7 to %scan3A_9 step %scan3A_10  : i32 {
      %mul3A_54 = arith.constant 2 : i32
      %mul3A_55 = arith.muli %mul3A_54, %scan3A_53 : i32
      %add3A = arith.constant 1 : i32
      %add3A_56 = arith.addi %mul3A_55, %add3A : i32
      %gt3A = arith.constant 0 : i32
      %gt3A_57 = arith.cmpi sgt, %scan3A_53, %gt3A : i32
      %convert_element_type3A = arith.extui %gt3A_57 : i1 to i32
      %cond3A = arith.constant 0 : i32
      %cond3A_58 = arith.cmpi ne, %convert_element_type3A, %cond3A : i32
      scf.if %cond3A_58 {
        %sub3A = arith.constant 1 : i32
        %sub3A_99 = arith.subi %mul3A_55, %sub3A : i32
        %dma_wait3A_100 = arith.constant 0 : i32
        %dma_wait3A_101 = tpu.memref_slice %arg11[%sub3A_99, %dma_wait3A_100] : memref<40x128xi32, #tpu.memory_space<vmem>> -> memref<1x128xi32, #tpu.memory_space<vmem>>
        %dma_wait3A_102 = tpu.memref_squeeze %dma_wait3A_101 : memref<1x128xi32, #tpu.memory_space<vmem>> -> memref<128xi32, #tpu.memory_space<vmem>>
        %dma_wait3A_103 = arith.constant 0 : i32
        %dma_wait3A_104 = arith.constant 0 : i32
        %dma_wait3A_105 = tpu.memref_slice %arg14[%dma_wait3A_103, %dma_wait3A_104] : memref<10240x128xf32, #tpu.memory_space<vmem_shared>> -> memref<10240x128xf32, #tpu.memory_space<vmem_shared>>
        tpu.wait_indirect_dma semaphore(%arg18 : memref<!tpu.dma_semaphore, #tpu.memory_space<semaphore_mem>>) src(%arg13 : memref<128x128xf32, #tpu.memory_space<vmem>>) dst(%dma_wait3A_105 : memref<10240x128xf32, #tpu.memory_space<vmem_shared>>)
      } else {
      }
      %dma_start3A_59 = arith.constant 0 : i32
      %dma_start3A_60 = tpu.memref_slice %arg10[%add3A_56, %dma_start3A_59] : memref<40x128xi32, #tpu.memory_space<vmem>> -> memref<1x128xi32, #tpu.memory_space<vmem>>
      %dma_start3A_61 = tpu.memref_squeeze %dma_start3A_60 : memref<1x128xi32, #tpu.memory_space<vmem>> -> memref<128xi32, #tpu.memory_space<vmem>>
      %dma_start3A_62 = arith.constant 0 : i32
      %dma_start3A_63 = arith.constant 0 : i32
      %dma_start3A_64 = tpu.memref_slice %arg2[%dma_start3A_62, %dma_start3A_63] : memref<20480x128xf32, #tpu.memory_space<hbm>> -> memref<20480x128xf32, #tpu.memory_space<hbm>>
      tpu.enqueue_indirect_dma source(%dma_start3A_64 : memref<20480x128xf32, #tpu.memory_space<hbm>>) target(%arg13 : memref<128x128xf32, #tpu.memory_space<vmem>>) offsets(%dma_start3A_61 : memref<128xi32, #tpu.memory_space<vmem>>) semaphore(%arg16 : memref<!tpu.dma_semaphore, #tpu.memory_space<semaphore_mem>>)
      %dma_wait3A_65 = arith.constant 0 : i32
      %dma_wait3A_66 = tpu.memref_slice %arg10[%mul3A_55, %dma_wait3A_65] : memref<40x128xi32, #tpu.memory_space<vmem>> -> memref<1x128xi32, #tpu.memory_space<vmem>>
      %dma_wait3A_67 = tpu.memref_squeeze %dma_wait3A_66 : memref<1x128xi32, #tpu.memory_space<vmem>> -> memref<128xi32, #tpu.memory_space<vmem>>
      %dma_wait3A_68 = arith.constant 0 : i32
      %dma_wait3A_69 = arith.constant 0 : i32
      %dma_wait3A_70 = tpu.memref_slice %arg2[%dma_wait3A_68, %dma_wait3A_69] : memref<20480x128xf32, #tpu.memory_space<hbm>> -> memref<20480x128xf32, #tpu.memory_space<hbm>>
      tpu.wait_indirect_dma semaphore(%arg15 : memref<!tpu.dma_semaphore, #tpu.memory_space<semaphore_mem>>) src(%dma_wait3A_70 : memref<20480x128xf32, #tpu.memory_space<hbm>>) dst(%arg12 : memref<128x128xf32, #tpu.memory_space<vmem>>)
      %dma_start3A_71 = arith.constant 0 : i32
      %dma_start3A_72 = tpu.memref_slice %arg11[%mul3A_55, %dma_start3A_71] : memref<40x128xi32, #tpu.memory_space<vmem>> -> memref<1x128xi32, #tpu.memory_space<vmem>>
      %dma_start3A_73 = tpu.memref_squeeze %dma_start3A_72 : memref<1x128xi32, #tpu.memory_space<vmem>> -> memref<128xi32, #tpu.memory_space<vmem>>
      %dma_start3A_74 = arith.constant 0 : i32
      %dma_start3A_75 = arith.constant 0 : i32
      %dma_start3A_76 = tpu.memref_slice %arg14[%dma_start3A_74, %dma_start3A_75] : memref<10240x128xf32, #tpu.memory_space<vmem_shared>> -> memref<10240x128xf32, #tpu.memory_space<vmem_shared>>
      tpu.enqueue_indirect_dma source(%arg12 : memref<128x128xf32, #tpu.memory_space<vmem>>) target(%dma_start3A_76 : memref<10240x128xf32, #tpu.memory_space<vmem_shared>>) offsets(%dma_start3A_73 : memref<128xi32, #tpu.memory_space<vmem>>) semaphore(%arg17 : memref<!tpu.dma_semaphore, #tpu.memory_space<semaphore_mem>>) {add = true}
      %dma_wait3A_77 = arith.constant 0 : i32
      %dma_wait3A_78 = tpu.memref_slice %arg11[%mul3A_55, %dma_wait3A_77] : memref<40x128xi32, #tpu.memory_space<vmem>> -> memref<1x128xi32, #tpu.memory_space<vmem>>
      %dma_wait3A_79 = tpu.memref_squeeze %dma_wait3A_78 : memref<1x128xi32, #tpu.memory_space<vmem>> -> memref<128xi32, #tpu.memory_space<vmem>>
      %dma_wait3A_80 = arith.constant 0 : i32
      %dma_wait3A_81 = arith.constant 0 : i32
      %dma_wait3A_82 = tpu.memref_slice %arg14[%dma_wait3A_80, %dma_wait3A_81] : memref<10240x128xf32, #tpu.memory_space<vmem_shared>> -> memref<10240x128xf32, #tpu.memory_space<vmem_shared>>
      tpu.wait_indirect_dma semaphore(%arg17 : memref<!tpu.dma_semaphore, #tpu.memory_space<semaphore_mem>>) src(%arg12 : memref<128x128xf32, #tpu.memory_space<vmem>>) dst(%dma_wait3A_82 : memref<10240x128xf32, #tpu.memory_space<vmem_shared>>)
      %lt3A = arith.constant 19 : i32
      %lt3A_83 = arith.cmpi slt, %scan3A_53, %lt3A : i32
      %convert_element_type3A_84 = arith.extui %lt3A_83 : i1 to i32
      %cond3A_85 = arith.constant 0 : i32
      %cond3A_86 = arith.cmpi ne, %convert_element_type3A_84, %cond3A_85 : i32
      scf.if %cond3A_86 {
        %add3A_99 = arith.constant 2 : i32
        %add3A_100 = arith.addi %mul3A_55, %add3A_99 : i32
        %dma_start3A_101 = arith.constant 0 : i32
        %dma_start3A_102 = tpu.memref_slice %arg10[%add3A_100, %dma_start3A_101] : memref<40x128xi32, #tpu.memory_space<vmem>> -> memref<1x128xi32, #tpu.memory_space<vmem>>
        %dma_start3A_103 = tpu.memref_squeeze %dma_start3A_102 : memref<1x128xi32, #tpu.memory_space<vmem>> -> memref<128xi32, #tpu.memory_space<vmem>>
        %dma_start3A_104 = arith.constant 0 : i32
        %dma_start3A_105 = arith.constant 0 : i32
        %dma_start3A_106 = tpu.memref_slice %arg2[%dma_start3A_104, %dma_start3A_105] : memref<20480x128xf32, #tpu.memory_space<hbm>> -> memref<20480x128xf32, #tpu.memory_space<hbm>>
        tpu.enqueue_indirect_dma source(%dma_start3A_106 : memref<20480x128xf32, #tpu.memory_space<hbm>>) target(%arg12 : memref<128x128xf32, #tpu.memory_space<vmem>>) offsets(%dma_start3A_103 : memref<128xi32, #tpu.memory_space<vmem>>) semaphore(%arg15 : memref<!tpu.dma_semaphore, #tpu.memory_space<semaphore_mem>>)
      } else {
      }
      %dma_wait3A_87 = arith.constant 0 : i32
      %dma_wait3A_88 = tpu.memref_slice %arg10[%add3A_56, %dma_wait3A_87] : memref<40x128xi32, #tpu.memory_space<vmem>> -> memref<1x128xi32, #tpu.memory_space<vmem>>
      %dma_wait3A_89 = tpu.memref_squeeze %dma_wait3A_88 : memref<1x128xi32, #tpu.memory_space<vmem>> -> memref<128xi32, #tpu.memory_space<vmem>>
      %dma_wait3A_90 = arith.constant 0 : i32
      %dma_wait3A_91 = arith.constant 0 : i32
      %dma_wait3A_92 = tpu.memref_slice %arg2[%dma_wait3A_90, %dma_wait3A_91] : memref<20480x128xf32, #tpu.memory_space<hbm>> -> memref<20480x128xf32, #tpu.memory_space<hbm>>
      tpu.wait_indirect_dma semaphore(%arg16 : memref<!tpu.dma_semaphore, #tpu.memory_space<semaphore_mem>>) src(%dma_wait3A_92 : memref<20480x128xf32, #tpu.memory_space<hbm>>) dst(%arg13 : memref<128x128xf32, #tpu.memory_space<vmem>>)
      %dma_start3A_93 = arith.constant 0 : i32
      %dma_start3A_94 = tpu.memref_slice %arg11[%add3A_56, %dma_start3A_93] : memref<40x128xi32, #tpu.memory_space<vmem>> -> memref<1x128xi32, #tpu.memory_space<vmem>>
      %dma_start3A_95 = tpu.memref_squeeze %dma_start3A_94 : memref<1x128xi32, #tpu.memory_space<vmem>> -> memref<128xi32, #tpu.memory_space<vmem>>
      %dma_start3A_96 = arith.constant 0 : i32
      %dma_start3A_97 = arith.constant 0 : i32
      %dma_start3A_98 = tpu.memref_slice %arg14[%dma_start3A_96, %dma_start3A_97] : memref<10240x128xf32, #tpu.memory_space<vmem_shared>> -> memref<10240x128xf32, #tpu.memory_space<vmem_shared>>
      tpu.enqueue_indirect_dma source(%arg13 : memref<128x128xf32, #tpu.memory_space<vmem>>) target(%dma_start3A_98 : memref<10240x128xf32, #tpu.memory_space<vmem_shared>>) offsets(%dma_start3A_95 : memref<128xi32, #tpu.memory_space<vmem>>) semaphore(%arg18 : memref<!tpu.dma_semaphore, #tpu.memory_space<semaphore_mem>>) {add = true}
    }
    %scan3A_11 = arith.constant 20 : i32
    %dma_wait3A = arith.constant 39 : i32
    %dma_wait3A_12 = arith.constant 0 : i32
    %dma_wait3A_13 = tpu.memref_slice %arg11[%dma_wait3A, %dma_wait3A_12] : memref<40x128xi32, #tpu.memory_space<vmem>> -> memref<1x128xi32, #tpu.memory_space<vmem>>
    %dma_wait3A_14 = tpu.memref_squeeze %dma_wait3A_13 : memref<1x128xi32, #tpu.memory_space<vmem>> -> memref<128xi32, #tpu.memory_space<vmem>>
    %dma_wait3A_15 = arith.constant 0 : i32
    %dma_wait3A_16 = arith.constant 0 : i32
    %dma_wait3A_17 = tpu.memref_slice %arg14[%dma_wait3A_15, %dma_wait3A_16] : memref<10240x128xf32, #tpu.memory_space<vmem_shared>> -> memref<10240x128xf32, #tpu.memory_space<vmem_shared>>
    tpu.wait_indirect_dma semaphore(%arg18 : memref<!tpu.dma_semaphore, #tpu.memory_space<semaphore_mem>>) src(%arg13 : memref<128x128xf32, #tpu.memory_space<vmem>>) dst(%dma_wait3A_17 : memref<10240x128xf32, #tpu.memory_space<vmem_shared>>)
    %barrier3A_18 = arith.constant 0 : index
    tpu.barrier barrier_id(%barrier3A_18)
    %mul3A_19 = arith.constant 640 : i32
    %mul3A_20 = arith.muli %arg1, %mul3A_19 : i32
    %mul3A_21 = arith.constant 640 : i32
    %mul3A_22 = arith.muli %arg1, %mul3A_21 : i32
    "tpu.region"() ({
      %run_scoped3A = tpu.sem_alloc : memref<!tpu.dma_semaphore, #tpu.memory_space<semaphore_mem>>
      %dma_start3A_53 = arith.constant 0 : i32
      %dma_start3A_54 = tpu.memref_slice %arg8[%arg0, %mul3A_22, %dma_start3A_53] : memref<2x10240x128xf32, #tpu.memory_space<hbm>> -> memref<1x640x128xf32, #tpu.memory_space<hbm>>
      %dma_start3A_55 = tpu.memref_squeeze %dma_start3A_54 : memref<1x640x128xf32, #tpu.memory_space<hbm>> -> memref<640x128xf32, #tpu.memory_space<hbm>>
      %dma_start3A_56 = arith.constant 0 : i32
      %dma_start3A_57 = tpu.memref_slice %arg14[%mul3A_20, %dma_start3A_56] : memref<10240x128xf32, #tpu.memory_space<vmem_shared>> -> memref<640x128xf32, #tpu.memory_space<vmem_shared>>
      tpu.enqueue_dma source(%dma_start3A_57 : memref<640x128xf32, #tpu.memory_space<vmem_shared>>) target(%dma_start3A_55 : memref<640x128xf32, #tpu.memory_space<hbm>>) target_semaphore(%run_scoped3A : memref<!tpu.dma_semaphore, #tpu.memory_space<semaphore_mem>>)
      %dma_wait3A_58 = arith.constant 0 : i32
      %dma_wait3A_59 = tpu.memref_slice %arg8[%arg0, %mul3A_22, %dma_wait3A_58] : memref<2x10240x128xf32, #tpu.memory_space<hbm>> -> memref<1x640x128xf32, #tpu.memory_space<hbm>>
      %dma_wait3A_60 = tpu.memref_squeeze %dma_wait3A_59 : memref<1x640x128xf32, #tpu.memory_space<hbm>> -> memref<640x128xf32, #tpu.memory_space<hbm>>
      %dma_wait3A_61 = arith.constant 0 : i32
      %dma_wait3A_62 = tpu.memref_slice %arg14[%mul3A_20, %dma_wait3A_61] : memref<10240x128xf32, #tpu.memory_space<vmem_shared>> -> memref<640x128xf32, #tpu.memory_space<vmem_shared>>
      tpu.wait_dma2 semaphore(%run_scoped3A : memref<!tpu.dma_semaphore, #tpu.memory_space<semaphore_mem>>) src(%dma_wait3A_62 : memref<640x128xf32, #tpu.memory_space<vmem_shared>>) dst(%dma_wait3A_60 : memref<640x128xf32, #tpu.memory_space<hbm>>)
      tpu.yield
    }) : () -> ()
    %barrier3A_23 = arith.constant 0 : index
    tpu.barrier barrier_id(%barrier3A_23)
    %mul3A_24 = arith.constant 640 : i32
    %mul3A_25 = arith.muli %arg1, %mul3A_24 : i32
    "tpu.region"() ({
      %run_scoped3A = tpu.sem_alloc : memref<!tpu.dma_semaphore, #tpu.memory_space<semaphore_mem>>
      %dma_start3A_53 = arith.constant 0 : i32
      %dma_start3A_54 = tpu.memref_slice %arg14[%mul3A_25, %dma_start3A_53] : memref<10240x128xf32, #tpu.memory_space<vmem_shared>> -> memref<640x128xf32, #tpu.memory_space<vmem_shared>>
      tpu.enqueue_dma source(%arg7 : memref<640x128xf32, #tpu.memory_space<hbm>>) target(%dma_start3A_54 : memref<640x128xf32, #tpu.memory_space<vmem_shared>>) target_semaphore(%run_scoped3A : memref<!tpu.dma_semaphore, #tpu.memory_space<semaphore_mem>>)
      %dma_wait3A_55 = arith.constant 0 : i32
      %dma_wait3A_56 = tpu.memref_slice %arg14[%mul3A_25, %dma_wait3A_55] : memref<10240x128xf32, #tpu.memory_space<vmem_shared>> -> memref<640x128xf32, #tpu.memory_space<vmem_shared>>
      tpu.wait_dma2 semaphore(%run_scoped3A : memref<!tpu.dma_semaphore, #tpu.memory_space<semaphore_mem>>) src(%arg7 : memref<640x128xf32, #tpu.memory_space<hbm>>) dst(%dma_wait3A_56 : memref<640x128xf32, #tpu.memory_space<vmem_shared>>)
      tpu.yield
    }) : () -> ()
    "tpu.region"() ({
      %run_scoped3A = tpu.sem_alloc : memref<!tpu.dma_semaphore, #tpu.memory_space<semaphore_mem>>
      %dma_start3A_53 = arith.constant 0 : i32
      %dma_start3A_54 = arith.constant 0 : i32
      %dma_start3A_55 = tpu.memref_slice %arg5[%arg0, %arg1, %dma_start3A_53, %dma_start3A_54] : memref<2x16x40x128xi32, #tpu.memory_space<hbm>> -> memref<1x1x40x128xi32, #tpu.memory_space<hbm>>
      %dma_start3A_56 = tpu.memref_squeeze %dma_start3A_55 : memref<1x1x40x128xi32, #tpu.memory_space<hbm>> -> memref<40x128xi32, #tpu.memory_space<hbm>>
      %dma_start3A_57 = arith.constant 0 : i32
      %dma_start3A_58 = arith.constant 0 : i32
      %dma_start3A_59 = tpu.memref_slice %arg5[%arg0, %arg1, %dma_start3A_57, %dma_start3A_58] : memref<2x16x40x128xi32, #tpu.memory_space<hbm>> -> memref<1x1x40x128xi32, #tpu.memory_space<hbm>>
      %dma_start3A_60 = tpu.memref_squeeze %dma_start3A_59 : memref<1x1x40x128xi32, #tpu.memory_space<hbm>> -> memref<40x128xi32, #tpu.memory_space<hbm>>
      tpu.enqueue_dma source(%dma_start3A_60 : memref<40x128xi32, #tpu.memory_space<hbm>>) target(%arg10 : memref<40x128xi32, #tpu.memory_space<vmem>>) target_semaphore(%run_scoped3A : memref<!tpu.dma_semaphore, #tpu.memory_space<semaphore_mem>>)
      %dma_wait3A_61 = arith.constant 0 : i32
      %dma_wait3A_62 = arith.constant 0 : i32
      %dma_wait3A_63 = tpu.memref_slice %arg5[%arg0, %arg1, %dma_wait3A_61, %dma_wait3A_62] : memref<2x16x40x128xi32, #tpu.memory_space<hbm>> -> memref<1x1x40x128xi32, #tpu.memory_space<hbm>>
      %dma_wait3A_64 = tpu.memref_squeeze %dma_wait3A_63 : memref<1x1x40x128xi32, #tpu.memory_space<hbm>> -> memref<40x128xi32, #tpu.memory_space<hbm>>
      %dma_wait3A_65 = arith.constant 0 : i32
      %dma_wait3A_66 = arith.constant 0 : i32
      %dma_wait3A_67 = tpu.memref_slice %arg5[%arg0, %arg1, %dma_wait3A_65, %dma_wait3A_66] : memref<2x16x40x128xi32, #tpu.memory_space<hbm>> -> memref<1x1x40x128xi32, #tpu.memory_space<hbm>>
      %dma_wait3A_68 = tpu.memref_squeeze %dma_wait3A_67 : memref<1x1x40x128xi32, #tpu.memory_space<hbm>> -> memref<40x128xi32, #tpu.memory_space<hbm>>
      tpu.wait_dma2 semaphore(%run_scoped3A : memref<!tpu.dma_semaphore, #tpu.memory_space<semaphore_mem>>) src(%dma_wait3A_68 : memref<40x128xi32, #tpu.memory_space<hbm>>) dst(%arg10 : memref<40x128xi32, #tpu.memory_space<vmem>>)
      tpu.yield
    }) : () -> ()
    "tpu.region"() ({
      %run_scoped3A = tpu.sem_alloc : memref<!tpu.dma_semaphore, #tpu.memory_space<semaphore_mem>>
      %dma_start3A_53 = arith.constant 0 : i32
      %dma_start3A_54 = arith.constant 0 : i32
      %dma_start3A_55 = tpu.memref_slice %arg6[%arg0, %arg1, %dma_start3A_53, %dma_start3A_54] : memref<2x16x40x128xi32, #tpu.memory_space<hbm>> -> memref<1x1x40x128xi32, #tpu.memory_space<hbm>>
      %dma_start3A_56 = tpu.memref_squeeze %dma_start3A_55 : memref<1x1x40x128xi32, #tpu.memory_space<hbm>> -> memref<40x128xi32, #tpu.memory_space<hbm>>
      %dma_start3A_57 = arith.constant 0 : i32
      %dma_start3A_58 = arith.constant 0 : i32
      %dma_start3A_59 = tpu.memref_slice %arg6[%arg0, %arg1, %dma_start3A_57, %dma_start3A_58] : memref<2x16x40x128xi32, #tpu.memory_space<hbm>> -> memref<1x1x40x128xi32, #tpu.memory_space<hbm>>
      %dma_start3A_60 = tpu.memref_squeeze %dma_start3A_59 : memref<1x1x40x128xi32, #tpu.memory_space<hbm>> -> memref<40x128xi32, #tpu.memory_space<hbm>>
      tpu.enqueue_dma source(%dma_start3A_60 : memref<40x128xi32, #tpu.memory_space<hbm>>) target(%arg11 : memref<40x128xi32, #tpu.memory_space<vmem>>) target_semaphore(%run_scoped3A : memref<!tpu.dma_semaphore, #tpu.memory_space<semaphore_mem>>)
      %dma_wait3A_61 = arith.constant 0 : i32
      %dma_wait3A_62 = arith.constant 0 : i32
      %dma_wait3A_63 = tpu.memref_slice %arg6[%arg0, %arg1, %dma_wait3A_61, %dma_wait3A_62] : memref<2x16x40x128xi32, #tpu.memory_space<hbm>> -> memref<1x1x40x128xi32, #tpu.memory_space<hbm>>
      %dma_wait3A_64 = tpu.memref_squeeze %dma_wait3A_63 : memref<1x1x40x128xi32, #tpu.memory_space<hbm>> -> memref<40x128xi32, #tpu.memory_space<hbm>>
      %dma_wait3A_65 = arith.constant 0 : i32
      %dma_wait3A_66 = arith.constant 0 : i32
      %dma_wait3A_67 = tpu.memref_slice %arg6[%arg0, %arg1, %dma_wait3A_65, %dma_wait3A_66] : memref<2x16x40x128xi32, #tpu.memory_space<hbm>> -> memref<1x1x40x128xi32, #tpu.memory_space<hbm>>
      %dma_wait3A_68 = tpu.memref_squeeze %dma_wait3A_67 : memref<1x1x40x128xi32, #tpu.memory_space<hbm>> -> memref<40x128xi32, #tpu.memory_space<hbm>>
      tpu.wait_dma2 semaphore(%run_scoped3A : memref<!tpu.dma_semaphore, #tpu.memory_space<semaphore_mem>>) src(%dma_wait3A_68 : memref<40x128xi32, #tpu.memory_space<hbm>>) dst(%arg11 : memref<40x128xi32, #tpu.memory_space<vmem>>)
      tpu.yield
    }) : () -> ()
    %barrier3A_26 = arith.constant 0 : index
    tpu.barrier barrier_id(%barrier3A_26)
    %dma_start3A_27 = arith.constant 0 : i32
    %dma_start3A_28 = arith.constant 0 : i32
    %dma_start3A_29 = tpu.memref_slice %arg10[%dma_start3A_27, %dma_start3A_28] : memref<40x128xi32, #tpu.memory_space<vmem>> -> memref<1x128xi32, #tpu.memory_space<vmem>>
    %dma_start3A_30 = tpu.memref_squeeze %dma_start3A_29 : memref<1x128xi32, #tpu.memory_space<vmem>> -> memref<128xi32, #tpu.memory_space<vmem>>
    %dma_start3A_31 = arith.constant 0 : i32
    %dma_start3A_32 = arith.constant 0 : i32
    %dma_start3A_33 = tpu.memref_slice %arg2[%dma_start3A_31, %dma_start3A_32] : memref<20480x128xf32, #tpu.memory_space<hbm>> -> memref<20480x128xf32, #tpu.memory_space<hbm>>
    tpu.enqueue_indirect_dma source(%dma_start3A_33 : memref<20480x128xf32, #tpu.memory_space<hbm>>) target(%arg12 : memref<128x128xf32, #tpu.memory_space<vmem>>) offsets(%dma_start3A_30 : memref<128xi32, #tpu.memory_space<vmem>>) semaphore(%arg15 : memref<!tpu.dma_semaphore, #tpu.memory_space<semaphore_mem>>)
    %scan3A_34 = arith.constant 0 : i32
    %scan3A_35 = arith.constant 0 : i32
    %scan3A_36 = arith.constant 20 : i32
    %scan3A_37 = arith.addi %scan3A_35, %scan3A_36 : i32
    %scan3A_38 = arith.constant 1 : i32
    scf.for %scan3A_53 = %scan3A_35 to %scan3A_37 step %scan3A_38  : i32 {
      %mul3A_54 = arith.constant 2 : i32
      %mul3A_55 = arith.muli %mul3A_54, %scan3A_53 : i32
      %add3A = arith.constant 1 : i32
      %add3A_56 = arith.addi %mul3A_55, %add3A : i32
      %gt3A = arith.constant 0 : i32
      %gt3A_57 = arith.cmpi sgt, %scan3A_53, %gt3A : i32
      %convert_element_type3A = arith.extui %gt3A_57 : i1 to i32
      %cond3A = arith.constant 0 : i32
      %cond3A_58 = arith.cmpi ne, %convert_element_type3A, %cond3A : i32
      scf.if %cond3A_58 {
        %sub3A = arith.constant 1 : i32
        %sub3A_99 = arith.subi %mul3A_55, %sub3A : i32
        %dma_wait3A_100 = arith.constant 0 : i32
        %dma_wait3A_101 = tpu.memref_slice %arg11[%sub3A_99, %dma_wait3A_100] : memref<40x128xi32, #tpu.memory_space<vmem>> -> memref<1x128xi32, #tpu.memory_space<vmem>>
        %dma_wait3A_102 = tpu.memref_squeeze %dma_wait3A_101 : memref<1x128xi32, #tpu.memory_space<vmem>> -> memref<128xi32, #tpu.memory_space<vmem>>
        %dma_wait3A_103 = arith.constant 0 : i32
        %dma_wait3A_104 = arith.constant 0 : i32
        %dma_wait3A_105 = tpu.memref_slice %arg14[%dma_wait3A_103, %dma_wait3A_104] : memref<10240x128xf32, #tpu.memory_space<vmem_shared>> -> memref<10240x128xf32, #tpu.memory_space<vmem_shared>>
        tpu.wait_indirect_dma semaphore(%arg18 : memref<!tpu.dma_semaphore, #tpu.memory_space<semaphore_mem>>) src(%arg13 : memref<128x128xf32, #tpu.memory_space<vmem>>) dst(%dma_wait3A_105 : memref<10240x128xf32, #tpu.memory_space<vmem_shared>>)
      } else {
      }
      %dma_start3A_59 = arith.constant 0 : i32
      %dma_start3A_60 = tpu.memref_slice %arg10[%add3A_56, %dma_start3A_59] : memref<40x128xi32, #tpu.memory_space<vmem>> -> memref<1x128xi32, #tpu.memory_space<vmem>>
      %dma_start3A_61 = tpu.memref_squeeze %dma_start3A_60 : memref<1x128xi32, #tpu.memory_space<vmem>> -> memref<128xi32, #tpu.memory_space<vmem>>
      %dma_start3A_62 = arith.constant 0 : i32
      %dma_start3A_63 = arith.constant 0 : i32
      %dma_start3A_64 = tpu.memref_slice %arg2[%dma_start3A_62, %dma_start3A_63] : memref<20480x128xf32, #tpu.memory_space<hbm>> -> memref<20480x128xf32, #tpu.memory_space<hbm>>
      tpu.enqueue_indirect_dma source(%dma_start3A_64 : memref<20480x128xf32, #tpu.memory_space<hbm>>) target(%arg13 : memref<128x128xf32, #tpu.memory_space<vmem>>) offsets(%dma_start3A_61 : memref<128xi32, #tpu.memory_space<vmem>>) semaphore(%arg16 : memref<!tpu.dma_semaphore, #tpu.memory_space<semaphore_mem>>)
      %dma_wait3A_65 = arith.constant 0 : i32
      %dma_wait3A_66 = tpu.memref_slice %arg10[%mul3A_55, %dma_wait3A_65] : memref<40x128xi32, #tpu.memory_space<vmem>> -> memref<1x128xi32, #tpu.memory_space<vmem>>
      %dma_wait3A_67 = tpu.memref_squeeze %dma_wait3A_66 : memref<1x128xi32, #tpu.memory_space<vmem>> -> memref<128xi32, #tpu.memory_space<vmem>>
      %dma_wait3A_68 = arith.constant 0 : i32
      %dma_wait3A_69 = arith.constant 0 : i32
      %dma_wait3A_70 = tpu.memref_slice %arg2[%dma_wait3A_68, %dma_wait3A_69] : memref<20480x128xf32, #tpu.memory_space<hbm>> -> memref<20480x128xf32, #tpu.memory_space<hbm>>
      tpu.wait_indirect_dma semaphore(%arg15 : memref<!tpu.dma_semaphore, #tpu.memory_space<semaphore_mem>>) src(%dma_wait3A_70 : memref<20480x128xf32, #tpu.memory_space<hbm>>) dst(%arg12 : memref<128x128xf32, #tpu.memory_space<vmem>>)
      %dma_start3A_71 = arith.constant 0 : i32
      %dma_start3A_72 = tpu.memref_slice %arg11[%mul3A_55, %dma_start3A_71] : memref<40x128xi32, #tpu.memory_space<vmem>> -> memref<1x128xi32, #tpu.memory_space<vmem>>
      %dma_start3A_73 = tpu.memref_squeeze %dma_start3A_72 : memref<1x128xi32, #tpu.memory_space<vmem>> -> memref<128xi32, #tpu.memory_space<vmem>>
      %dma_start3A_74 = arith.constant 0 : i32
      %dma_start3A_75 = arith.constant 0 : i32
      %dma_start3A_76 = tpu.memref_slice %arg14[%dma_start3A_74, %dma_start3A_75] : memref<10240x128xf32, #tpu.memory_space<vmem_shared>> -> memref<10240x128xf32, #tpu.memory_space<vmem_shared>>
      tpu.enqueue_indirect_dma source(%arg12 : memref<128x128xf32, #tpu.memory_space<vmem>>) target(%dma_start3A_76 : memref<10240x128xf32, #tpu.memory_space<vmem_shared>>) offsets(%dma_start3A_73 : memref<128xi32, #tpu.memory_space<vmem>>) semaphore(%arg17 : memref<!tpu.dma_semaphore, #tpu.memory_space<semaphore_mem>>) {add = true}
      %dma_wait3A_77 = arith.constant 0 : i32
      %dma_wait3A_78 = tpu.memref_slice %arg11[%mul3A_55, %dma_wait3A_77] : memref<40x128xi32, #tpu.memory_space<vmem>> -> memref<1x128xi32, #tpu.memory_space<vmem>>
      %dma_wait3A_79 = tpu.memref_squeeze %dma_wait3A_78 : memref<1x128xi32, #tpu.memory_space<vmem>> -> memref<128xi32, #tpu.memory_space<vmem>>
      %dma_wait3A_80 = arith.constant 0 : i32
      %dma_wait3A_81 = arith.constant 0 : i32
      %dma_wait3A_82 = tpu.memref_slice %arg14[%dma_wait3A_80, %dma_wait3A_81] : memref<10240x128xf32, #tpu.memory_space<vmem_shared>> -> memref<10240x128xf32, #tpu.memory_space<vmem_shared>>
      tpu.wait_indirect_dma semaphore(%arg17 : memref<!tpu.dma_semaphore, #tpu.memory_space<semaphore_mem>>) src(%arg12 : memref<128x128xf32, #tpu.memory_space<vmem>>) dst(%dma_wait3A_82 : memref<10240x128xf32, #tpu.memory_space<vmem_shared>>)
      %lt3A = arith.constant 19 : i32
      %lt3A_83 = arith.cmpi slt, %scan3A_53, %lt3A : i32
      %convert_element_type3A_84 = arith.extui %lt3A_83 : i1 to i32
      %cond3A_85 = arith.constant 0 : i32
      %cond3A_86 = arith.cmpi ne, %convert_element_type3A_84, %cond3A_85 : i32
      scf.if %cond3A_86 {
        %add3A_99 = arith.constant 2 : i32
        %add3A_100 = arith.addi %mul3A_55, %add3A_99 : i32
        %dma_start3A_101 = arith.constant 0 : i32
        %dma_start3A_102 = tpu.memref_slice %arg10[%add3A_100, %dma_start3A_101] : memref<40x128xi32, #tpu.memory_space<vmem>> -> memref<1x128xi32, #tpu.memory_space<vmem>>
        %dma_start3A_103 = tpu.memref_squeeze %dma_start3A_102 : memref<1x128xi32, #tpu.memory_space<vmem>> -> memref<128xi32, #tpu.memory_space<vmem>>
        %dma_start3A_104 = arith.constant 0 : i32
        %dma_start3A_105 = arith.constant 0 : i32
        %dma_start3A_106 = tpu.memref_slice %arg2[%dma_start3A_104, %dma_start3A_105] : memref<20480x128xf32, #tpu.memory_space<hbm>> -> memref<20480x128xf32, #tpu.memory_space<hbm>>
        tpu.enqueue_indirect_dma source(%dma_start3A_106 : memref<20480x128xf32, #tpu.memory_space<hbm>>) target(%arg12 : memref<128x128xf32, #tpu.memory_space<vmem>>) offsets(%dma_start3A_103 : memref<128xi32, #tpu.memory_space<vmem>>) semaphore(%arg15 : memref<!tpu.dma_semaphore, #tpu.memory_space<semaphore_mem>>)
      } else {
      }
      %dma_wait3A_87 = arith.constant 0 : i32
      %dma_wait3A_88 = tpu.memref_slice %arg10[%add3A_56, %dma_wait3A_87] : memref<40x128xi32, #tpu.memory_space<vmem>> -> memref<1x128xi32, #tpu.memory_space<vmem>>
      %dma_wait3A_89 = tpu.memref_squeeze %dma_wait3A_88 : memref<1x128xi32, #tpu.memory_space<vmem>> -> memref<128xi32, #tpu.memory_space<vmem>>
      %dma_wait3A_90 = arith.constant 0 : i32
      %dma_wait3A_91 = arith.constant 0 : i32
      %dma_wait3A_92 = tpu.memref_slice %arg2[%dma_wait3A_90, %dma_wait3A_91] : memref<20480x128xf32, #tpu.memory_space<hbm>> -> memref<20480x128xf32, #tpu.memory_space<hbm>>
      tpu.wait_indirect_dma semaphore(%arg16 : memref<!tpu.dma_semaphore, #tpu.memory_space<semaphore_mem>>) src(%dma_wait3A_92 : memref<20480x128xf32, #tpu.memory_space<hbm>>) dst(%arg13 : memref<128x128xf32, #tpu.memory_space<vmem>>)
      %dma_start3A_93 = arith.constant 0 : i32
      %dma_start3A_94 = tpu.memref_slice %arg11[%add3A_56, %dma_start3A_93] : memref<40x128xi32, #tpu.memory_space<vmem>> -> memref<1x128xi32, #tpu.memory_space<vmem>>
      %dma_start3A_95 = tpu.memref_squeeze %dma_start3A_94 : memref<1x128xi32, #tpu.memory_space<vmem>> -> memref<128xi32, #tpu.memory_space<vmem>>
      %dma_start3A_96 = arith.constant 0 : i32
      %dma_start3A_97 = arith.constant 0 : i32
      %dma_start3A_98 = tpu.memref_slice %arg14[%dma_start3A_96, %dma_start3A_97] : memref<10240x128xf32, #tpu.memory_space<vmem_shared>> -> memref<10240x128xf32, #tpu.memory_space<vmem_shared>>
      tpu.enqueue_indirect_dma source(%arg13 : memref<128x128xf32, #tpu.memory_space<vmem>>) target(%dma_start3A_98 : memref<10240x128xf32, #tpu.memory_space<vmem_shared>>) offsets(%dma_start3A_95 : memref<128xi32, #tpu.memory_space<vmem>>) semaphore(%arg18 : memref<!tpu.dma_semaphore, #tpu.memory_space<semaphore_mem>>) {add = true}
    }
    %scan3A_39 = arith.constant 20 : i32
    %dma_wait3A_40 = arith.constant 39 : i32
    %dma_wait3A_41 = arith.constant 0 : i32
    %dma_wait3A_42 = tpu.memref_slice %arg11[%dma_wait3A_40, %dma_wait3A_41] : memref<40x128xi32, #tpu.memory_space<vmem>> -> memref<1x128xi32, #tpu.memory_space<vmem>>
    %dma_wait3A_43 = tpu.memref_squeeze %dma_wait3A_42 : memref<1x128xi32, #tpu.memory_space<vmem>> -> memref<128xi32, #tpu.memory_space<vmem>>
    %dma_wait3A_44 = arith.constant 0 : i32
    %dma_wait3A_45 = arith.constant 0 : i32
    %dma_wait3A_46 = tpu.memref_slice %arg14[%dma_wait3A_44, %dma_wait3A_45] : memref<10240x128xf32, #tpu.memory_space<vmem_shared>> -> memref<10240x128xf32, #tpu.memory_space<vmem_shared>>
    tpu.wait_indirect_dma semaphore(%arg18 : memref<!tpu.dma_semaphore, #tpu.memory_space<semaphore_mem>>) src(%arg13 : memref<128x128xf32, #tpu.memory_space<vmem>>) dst(%dma_wait3A_46 : memref<10240x128xf32, #tpu.memory_space<vmem_shared>>)
    %barrier3A_47 = arith.constant 0 : index
    tpu.barrier barrier_id(%barrier3A_47)
    %mul3A_48 = arith.constant 640 : i32
    %mul3A_49 = arith.muli %arg1, %mul3A_48 : i32
    %mul3A_50 = arith.constant 640 : i32
    %mul3A_51 = arith.muli %arg1, %mul3A_50 : i32
    "tpu.region"() ({
      %run_scoped3A = tpu.sem_alloc : memref<!tpu.dma_semaphore, #tpu.memory_space<semaphore_mem>>
      %dma_start3A_53 = arith.constant 0 : i32
      %dma_start3A_54 = tpu.memref_slice %arg9[%arg0, %mul3A_51, %dma_start3A_53] : memref<2x10240x128xf32, #tpu.memory_space<hbm>> -> memref<1x640x128xf32, #tpu.memory_space<hbm>>
      %dma_start3A_55 = tpu.memref_squeeze %dma_start3A_54 : memref<1x640x128xf32, #tpu.memory_space<hbm>> -> memref<640x128xf32, #tpu.memory_space<hbm>>
      %dma_start3A_56 = arith.constant 0 : i32
      %dma_start3A_57 = tpu.memref_slice %arg14[%mul3A_49, %dma_start3A_56] : memref<10240x128xf32, #tpu.memory_space<vmem_shared>> -> memref<640x128xf32, #tpu.memory_space<vmem_shared>>
      tpu.enqueue_dma source(%dma_start3A_57 : memref<640x128xf32, #tpu.memory_space<vmem_shared>>) target(%dma_start3A_55 : memref<640x128xf32, #tpu.memory_space<hbm>>) target_semaphore(%run_scoped3A : memref<!tpu.dma_semaphore, #tpu.memory_space<semaphore_mem>>)
      %dma_wait3A_58 = arith.constant 0 : i32
      %dma_wait3A_59 = tpu.memref_slice %arg9[%arg0, %mul3A_51, %dma_wait3A_58] : memref<2x10240x128xf32, #tpu.memory_space<hbm>> -> memref<1x640x128xf32, #tpu.memory_space<hbm>>
      %dma_wait3A_60 = tpu.memref_squeeze %dma_wait3A_59 : memref<1x640x128xf32, #tpu.memory_space<hbm>> -> memref<640x128xf32, #tpu.memory_space<hbm>>
      %dma_wait3A_61 = arith.constant 0 : i32
      %dma_wait3A_62 = tpu.memref_slice %arg14[%mul3A_49, %dma_wait3A_61] : memref<10240x128xf32, #tpu.memory_space<vmem_shared>> -> memref<640x128xf32, #tpu.memory_space<vmem_shared>>
      tpu.wait_dma2 semaphore(%run_scoped3A : memref<!tpu.dma_semaphore, #tpu.memory_space<semaphore_mem>>) src(%dma_wait3A_62 : memref<640x128xf32, #tpu.memory_space<vmem_shared>>) dst(%dma_wait3A_60 : memref<640x128xf32, #tpu.memory_space<hbm>>)
      tpu.yield
    }) : () -> ()
    %barrier3A_52 = arith.constant 0 : index
    tpu.barrier barrier_id(%barrier3A_52)
    return
  }
}

module attributes {stable_mosaic.version = 14 : i64} {
  func.func @_embed_body(%arg0: i32, %arg1: memref<2048x128xf32, #tpu.memory_space<vmem>>, %arg2: memref<128x256xf32, #tpu.memory_space<vmem>>, %arg3: memref<1x256xf32, #tpu.memory_space<vmem>>, %arg4: memref<2x2048x128xf32, #tpu.memory_space<vmem>>) attributes {dimension_semantics = [#tpu.dimension_semantics<arbitrary>], iteration_bounds = array<i64: 5>, scalar_prefetch = 0 : i64, scratch_operands = 0 : i64, tpu.core_type = #tpu.core_type<tc>, window_params = [{transform_indices = @transform_0, window_bounds = array<i64: 2048, 128>}, {pipeline_mode = #tpu.pipeline_mode<synchronous>, transform_indices = @transform_1, window_bounds = array<i64: 128, 256>}, {pipeline_mode = #tpu.pipeline_mode<synchronous>, transform_indices = @transform_2, window_bounds = array<i64: 1, 256>}, {transform_indices = @transform_3, window_bounds = array<i64: 2, 2048, 128>}]} {
    %get3A = arith.constant 0 : index
    %get3A_0 = arith.constant 0 : index
    %get3A_1 = vector.load %arg1[%get3A, %get3A_0] : memref<2048x128xf32, #tpu.memory_space<vmem>>, vector<2048x128xf32>
    %get3A_2 = arith.constant 0 : index
    %get3A_3 = arith.constant 0 : index
    %get3A_4 = vector.load %arg2[%get3A_2, %get3A_3] : memref<128x256xf32, #tpu.memory_space<vmem>>, vector<128x256xf32>
    %dot_general3A = arith.constant dense<0.000000e+00> : vector<2048x256xf32>
    %dot_general3A_5 = tpu.matmul %get3A_1, %get3A_4, %dot_general3A {dimension_numbers = #tpu.dot_dimension_numbers<[1], [0], [0], [1], [0, 0, 1, 1], [], []>, transpose_lhs_hint = false} : vector<2048x128xf32>, vector<128x256xf32>, vector<2048x256xf32> -> vector<2048x256xf32>
    %get3A_6 = arith.constant 0 : index
    %get3A_7 = arith.constant 0 : index
    %get3A_8 = vector.load %arg3[%get3A_6, %get3A_7] : memref<1x256xf32, #tpu.memory_space<vmem>>, vector<1x256xf32>
    %add3A = vector.broadcast %get3A_8 : vector<1x256xf32> to vector<2048x256xf32>
    %add3A_9 = arith.addf %dot_general3A_5, %add3A : vector<2048x256xf32>
    %slice3A = vector.extract_strided_slice %add3A_9 {offsets = [0, 0], sizes = [2048, 128], strides = [1, 1]} : vector<2048x256xf32> to vector<2048x128xf32>
    %swap3A = arith.constant 0 : index
    %swap3A_10 = arith.constant 0 : index
    %swap3A_11 = arith.constant 0 : index
    %swap3A_12 = vector.load %arg4[%swap3A, %swap3A_10, %swap3A_11] : memref<2x2048x128xf32, #tpu.memory_space<vmem>>, vector<1x2048x128xf32>
    %swap3A_13 = vector.shape_cast %swap3A_12 : vector<1x2048x128xf32> to vector<2048x128xf32>
    %swap3A_14 = vector.shape_cast %slice3A : vector<2048x128xf32> to vector<1x2048x128xf32>
    tpu.vector_store %arg4[%swap3A, %swap3A_10, %swap3A_11], %swap3A_14 {strides = array<i32>} : memref<2x2048x128xf32, #tpu.memory_space<vmem>>, vector<1x2048x128xf32>,
    %slice3A_15 = vector.extract_strided_slice %add3A_9 {offsets = [0, 128], sizes = [2048, 128], strides = [1, 1]} : vector<2048x256xf32> to vector<2048x128xf32>
    %swap3A_16 = arith.constant 1 : index
    %swap3A_17 = arith.constant 0 : index
    %swap3A_18 = arith.constant 0 : index
    %swap3A_19 = vector.load %arg4[%swap3A_16, %swap3A_17, %swap3A_18] : memref<2x2048x128xf32, #tpu.memory_space<vmem>>, vector<1x2048x128xf32>
    %swap3A_20 = vector.shape_cast %swap3A_19 : vector<1x2048x128xf32> to vector<2048x128xf32>
    %swap3A_21 = vector.shape_cast %slice3A_15 : vector<2048x128xf32> to vector<1x2048x128xf32>
    tpu.vector_store %arg4[%swap3A_16, %swap3A_17, %swap3A_18], %swap3A_21 {strides = array<i32>} : memref<2x2048x128xf32, #tpu.memory_space<vmem>>, vector<1x2048x128xf32>,
    return
  }
  func.func @transform_0(%arg0: i32) -> (i32, i32) {
    %c0_i32 = arith.constant 0 : i32
    %c0_i32_0 = arith.constant 0 : i32
    return %arg0, %c0_i32 : i32, i32
  }
  func.func @transform_1(%arg0: i32) -> (i32, i32) {
    %c0_i32 = arith.constant 0 : i32
    %c0_i32_0 = arith.constant 0 : i32
    %c0_i32_1 = arith.constant 0 : i32
    return %c0_i32, %c0_i32_0 : i32, i32
  }
  func.func @transform_2(%arg0: i32) -> (i32, i32) {
    %c0_i32 = arith.constant 0 : i32
    %c0_i32_0 = arith.constant 0 : i32
    %c0_i32_1 = arith.constant 0 : i32
    return %c0_i32, %c0_i32_0 : i32, i32
  }
  func.func @transform_3(%arg0: i32) -> (i32, i32, i32) {
    %c0_i32 = arith.constant 0 : i32
    %c0_i32_0 = arith.constant 0 : i32
    %c0_i32_1 = arith.constant 0 : i32
    return %c0_i32, %arg0, %c0_i32_0 : i32, i32, i32
  }
}

module attributes {stable_mosaic.version = 14 : i64} {
  func.func @_combine_body(%arg0: i32, %arg1: memref<2x2048x128xf32, #tpu.memory_space<vmem>>, %arg2: memref<2x2048x128xf32, #tpu.memory_space<vmem>>, %arg3: memref<2x2048x128xf32, #tpu.memory_space<vmem>>, %arg4: memref<2x2048x128xf32, #tpu.memory_space<vmem>>, %arg5: memref<256x256xf32, #tpu.memory_space<vmem>>, %arg6: memref<256x256xf32, #tpu.memory_space<vmem>>, %arg7: memref<256x256xf32, #tpu.memory_space<vmem>>, %arg8: memref<1x256xf32, #tpu.memory_space<vmem>>, %arg9: memref<2x2048x128xf32, #tpu.memory_space<vmem>>) attributes {dimension_semantics = [#tpu.dimension_semantics<arbitrary>], iteration_bounds = array<i64: 5>, scalar_prefetch = 0 : i64, scratch_operands = 0 : i64, tpu.core_type = #tpu.core_type<tc>, window_params = [{transform_indices = @transform_0, window_bounds = array<i64: 2, 2048, 128>}, {transform_indices = @transform_1, window_bounds = array<i64: 2, 2048, 128>}, {transform_indices = @transform_2, window_bounds = array<i64: 2, 2048, 128>}, {transform_indices = @transform_3, window_bounds = array<i64: 2, 2048, 128>}, {pipeline_mode = #tpu.pipeline_mode<synchronous>, transform_indices = @transform_4, window_bounds = array<i64: 256, 256>}, {pipeline_mode = #tpu.pipeline_mode<synchronous>, transform_indices = @transform_5, window_bounds = array<i64: 256, 256>}, {pipeline_mode = #tpu.pipeline_mode<synchronous>, transform_indices = @transform_6, window_bounds = array<i64: 256, 256>}, {pipeline_mode = #tpu.pipeline_mode<synchronous>, transform_indices = @transform_7, window_bounds = array<i64: 1, 256>}, {transform_indices = @transform_8, window_bounds = array<i64: 2, 2048, 128>}]} {
    %get3A = arith.constant 0 : index
    %get3A_0 = arith.constant 0 : index
    %get3A_1 = arith.constant 0 : index
    %get3A_2 = vector.load %arg4[%get3A, %get3A_0, %get3A_1] : memref<2x2048x128xf32, #tpu.memory_space<vmem>>, vector<1x2048x1xf32>
    %get3A_3 = vector.shape_cast %get3A_2 : vector<1x2048x1xf32> to vector<2048x1xf32>
    %max3A = arith.constant 1.000000e+00 : f32
    %max3A_4 = vector.broadcast %max3A : f32 to vector<2048x1xf32>
    %max3A_5 = arith.maximumf %get3A_3, %max3A_4 : vector<2048x1xf32>
    %div3A = arith.constant 1.000000e+00 : f32
    %div3A_6 = vector.broadcast %div3A : f32 to vector<2048x1xf32>
    %div3A_7 = arith.divf %div3A_6, %max3A_5 : vector<2048x1xf32>
    %get3A_8 = arith.constant 1 : index
    %get3A_9 = arith.constant 0 : index
    %get3A_10 = arith.constant 0 : index
    %get3A_11 = vector.load %arg4[%get3A_8, %get3A_9, %get3A_10] : memref<2x2048x128xf32, #tpu.memory_space<vmem>>, vector<1x2048x1xf32>
    %get3A_12 = vector.shape_cast %get3A_11 : vector<1x2048x1xf32> to vector<2048x1xf32>
    %max3A_13 = arith.constant 1.000000e+00 : f32
    %max3A_14 = vector.broadcast %max3A_13 : f32 to vector<2048x1xf32>
    %max3A_15 = arith.maximumf %get3A_12, %max3A_14 : vector<2048x1xf32>
    %div3A_16 = arith.constant 1.000000e+00 : f32
    %div3A_17 = vector.broadcast %div3A_16 : f32 to vector<2048x1xf32>
    %div3A_18 = arith.divf %div3A_17, %max3A_15 : vector<2048x1xf32>
    %get3A_19 = arith.constant 0 : index
    %get3A_20 = arith.constant 0 : index
    %get3A_21 = arith.constant 0 : index
    %get3A_22 = vector.load %arg1[%get3A_19, %get3A_20, %get3A_21] : memref<2x2048x128xf32, #tpu.memory_space<vmem>>, vector<1x2048x128xf32>
    %get3A_23 = vector.shape_cast %get3A_22 : vector<1x2048x128xf32> to vector<2048x128xf32>
    %get3A_24 = arith.constant 0 : index
    %get3A_25 = arith.constant 0 : index
    %get3A_26 = vector.load %arg5[%get3A_24, %get3A_25] : memref<256x256xf32, #tpu.memory_space<vmem>>, vector<128x256xf32>
    %dot_general3A = arith.constant dense<0.000000e+00> : vector<2048x256xf32>
    %dot_general3A_27 = tpu.matmul %get3A_23, %get3A_26, %dot_general3A {dimension_numbers = #tpu.dot_dimension_numbers<[1], [0], [0], [1], [0, 0, 1, 1], [], []>, transpose_lhs_hint = false} : vector<2048x128xf32>, vector<128x256xf32>, vector<2048x256xf32> -> vector<2048x256xf32>
    %get3A_28 = arith.constant 1 : index
    %get3A_29 = arith.constant 0 : index
    %get3A_30 = arith.constant 0 : index
    %get3A_31 = vector.load %arg1[%get3A_28, %get3A_29, %get3A_30] : memref<2x2048x128xf32, #tpu.memory_space<vmem>>, vector<1x2048x128xf32>
    %get3A_32 = vector.shape_cast %get3A_31 : vector<1x2048x128xf32> to vector<2048x128xf32>
    %get3A_33 = arith.constant 128 : index
    %get3A_34 = arith.constant 0 : index
    %get3A_35 = vector.load %arg5[%get3A_33, %get3A_34] : memref<256x256xf32, #tpu.memory_space<vmem>>, vector<128x256xf32>
    %dot_general3A_36 = arith.constant dense<0.000000e+00> : vector<2048x256xf32>
    %dot_general3A_37 = tpu.matmul %get3A_32, %get3A_35, %dot_general3A_36 {dimension_numbers = #tpu.dot_dimension_numbers<[1], [0], [0], [1], [0, 0, 1, 1], [], []>, transpose_lhs_hint = false} : vector<2048x128xf32>, vector<128x256xf32>, vector<2048x256xf32> -> vector<2048x256xf32>
    %add3A = arith.addf %dot_general3A_27, %dot_general3A_37 : vector<2048x256xf32>
    %get3A_38 = arith.constant 0 : index
    %get3A_39 = arith.constant 0 : index
    %get3A_40 = arith.constant 0 : index
    %get3A_41 = vector.load %arg2[%get3A_38, %get3A_39, %get3A_40] : memref<2x2048x128xf32, #tpu.memory_space<vmem>>, vector<1x2048x128xf32>
    %get3A_42 = vector.shape_cast %get3A_41 : vector<1x2048x128xf32> to vector<2048x128xf32>
    %mul3A = vector.broadcast %div3A_7 : vector<2048x1xf32> to vector<2048x128xf32>
    %mul3A_43 = arith.mulf %get3A_42, %mul3A : vector<2048x128xf32>
    %get3A_44 = arith.constant 0 : index
    %get3A_45 = arith.constant 0 : index
    %get3A_46 = vector.load %arg6[%get3A_44, %get3A_45] : memref<256x256xf32, #tpu.memory_space<vmem>>, vector<128x256xf32>
    %dot_general3A_47 = arith.constant dense<0.000000e+00> : vector<2048x256xf32>
    %dot_general3A_48 = tpu.matmul %mul3A_43, %get3A_46, %dot_general3A_47 {dimension_numbers = #tpu.dot_dimension_numbers<[1], [0], [0], [1], [0, 0, 1, 1], [], []>, transpose_lhs_hint = false} : vector<2048x128xf32>, vector<128x256xf32>, vector<2048x256xf32> -> vector<2048x256xf32>
    %add3A_49 = arith.addf %add3A, %dot_general3A_48 : vector<2048x256xf32>
    %get3A_50 = arith.constant 1 : index
    %get3A_51 = arith.constant 0 : index
    %get3A_52 = arith.constant 0 : index
    %get3A_53 = vector.load %arg2[%get3A_50, %get3A_51, %get3A_52] : memref<2x2048x128xf32, #tpu.memory_space<vmem>>, vector<1x2048x128xf32>
    %get3A_54 = vector.shape_cast %get3A_53 : vector<1x2048x128xf32> to vector<2048x128xf32>
    %mul3A_55 = vector.broadcast %div3A_7 : vector<2048x1xf32> to vector<2048x128xf32>
    %mul3A_56 = arith.mulf %get3A_54, %mul3A_55 : vector<2048x128xf32>
    %get3A_57 = arith.constant 128 : index
    %get3A_58 = arith.constant 0 : index
    %get3A_59 = vector.load %arg6[%get3A_57, %get3A_58] : memref<256x256xf32, #tpu.memory_space<vmem>>, vector<128x256xf32>
    %dot_general3A_60 = arith.constant dense<0.000000e+00> : vector<2048x256xf32>
    %dot_general3A_61 = tpu.matmul %mul3A_56, %get3A_59, %dot_general3A_60 {dimension_numbers = #tpu.dot_dimension_numbers<[1], [0], [0], [1], [0, 0, 1, 1], [], []>, transpose_lhs_hint = false} : vector<2048x128xf32>, vector<128x256xf32>, vector<2048x256xf32> -> vector<2048x256xf32>
    %add3A_62 = arith.addf %add3A_49, %dot_general3A_61 : vector<2048x256xf32>
    %get3A_63 = arith.constant 0 : index
    %get3A_64 = arith.constant 0 : index
    %get3A_65 = arith.constant 0 : index
    %get3A_66 = vector.load %arg3[%get3A_63, %get3A_64, %get3A_65] : memref<2x2048x128xf32, #tpu.memory_space<vmem>>, vector<1x2048x128xf32>
    %get3A_67 = vector.shape_cast %get3A_66 : vector<1x2048x128xf32> to vector<2048x128xf32>
    %mul3A_68 = vector.broadcast %div3A_18 : vector<2048x1xf32> to vector<2048x128xf32>
    %mul3A_69 = arith.mulf %get3A_67, %mul3A_68 : vector<2048x128xf32>
    %get3A_70 = arith.constant 0 : index
    %get3A_71 = arith.constant 0 : index
    %get3A_72 = vector.load %arg7[%get3A_70, %get3A_71] : memref<256x256xf32, #tpu.memory_space<vmem>>, vector<128x256xf32>
    %dot_general3A_73 = arith.constant dense<0.000000e+00> : vector<2048x256xf32>
    %dot_general3A_74 = tpu.matmul %mul3A_69, %get3A_72, %dot_general3A_73 {dimension_numbers = #tpu.dot_dimension_numbers<[1], [0], [0], [1], [0, 0, 1, 1], [], []>, transpose_lhs_hint = false} : vector<2048x128xf32>, vector<128x256xf32>, vector<2048x256xf32> -> vector<2048x256xf32>
    %add3A_75 = arith.addf %add3A_62, %dot_general3A_74 : vector<2048x256xf32>
    %get3A_76 = arith.constant 1 : index
    %get3A_77 = arith.constant 0 : index
    %get3A_78 = arith.constant 0 : index
    %get3A_79 = vector.load %arg3[%get3A_76, %get3A_77, %get3A_78] : memref<2x2048x128xf32, #tpu.memory_space<vmem>>, vector<1x2048x128xf32>
    %get3A_80 = vector.shape_cast %get3A_79 : vector<1x2048x128xf32> to vector<2048x128xf32>
    %mul3A_81 = vector.broadcast %div3A_18 : vector<2048x1xf32> to vector<2048x128xf32>
    %mul3A_82 = arith.mulf %get3A_80, %mul3A_81 : vector<2048x128xf32>
    %get3A_83 = arith.constant 128 : index
    %get3A_84 = arith.constant 0 : index
    %get3A_85 = vector.load %arg7[%get3A_83, %get3A_84] : memref<256x256xf32, #tpu.memory_space<vmem>>, vector<128x256xf32>
    %dot_general3A_86 = arith.constant dense<0.000000e+00> : vector<2048x256xf32>
    %dot_general3A_87 = tpu.matmul %mul3A_82, %get3A_85, %dot_general3A_86 {dimension_numbers = #tpu.dot_dimension_numbers<[1], [0], [0], [1], [0, 0, 1, 1], [], []>, transpose_lhs_hint = false} : vector<2048x128xf32>, vector<128x256xf32>, vector<2048x256xf32> -> vector<2048x256xf32>
    %add3A_88 = arith.addf %add3A_75, %dot_general3A_87 : vector<2048x256xf32>
    %get3A_89 = arith.constant 0 : index
    %get3A_90 = arith.constant 0 : index
    %get3A_91 = vector.load %arg8[%get3A_89, %get3A_90] : memref<1x256xf32, #tpu.memory_space<vmem>>, vector<1x256xf32>
    %add3A_92 = vector.broadcast %get3A_91 : vector<1x256xf32> to vector<2048x256xf32>
    %add3A_93 = arith.addf %add3A_88, %add3A_92 : vector<2048x256xf32>
    %max3A_94 = arith.constant 0.000000e+00 : f32
    %max3A_95 = vector.broadcast %max3A_94 : f32 to vector<2048x256xf32>
    %max3A_96 = arith.maximumf %add3A_93, %max3A_95 : vector<2048x256xf32>
    %slice3A = vector.extract_strided_slice %max3A_96 {offsets = [0, 0], sizes = [2048, 128], strides = [1, 1]} : vector<2048x256xf32> to vector<2048x128xf32>
    %swap3A = arith.constant 0 : index
    %swap3A_97 = arith.constant 0 : index
    %swap3A_98 = arith.constant 0 : index
    %swap3A_99 = vector.load %arg9[%swap3A, %swap3A_97, %swap3A_98] : memref<2x2048x128xf32, #tpu.memory_space<vmem>>, vector<1x2048x128xf32>
    %swap3A_100 = vector.shape_cast %swap3A_99 : vector<1x2048x128xf32> to vector<2048x128xf32>
    %swap3A_101 = vector.shape_cast %slice3A : vector<2048x128xf32> to vector<1x2048x128xf32>
    tpu.vector_store %arg9[%swap3A, %swap3A_97, %swap3A_98], %swap3A_101 {strides = array<i32>} : memref<2x2048x128xf32, #tpu.memory_space<vmem>>, vector<1x2048x128xf32>,
    %slice3A_102 = vector.extract_strided_slice %max3A_96 {offsets = [0, 128], sizes = [2048, 128], strides = [1, 1]} : vector<2048x256xf32> to vector<2048x128xf32>
    %swap3A_103 = arith.constant 1 : index
    %swap3A_104 = arith.constant 0 : index
    %swap3A_105 = arith.constant 0 : index
    %swap3A_106 = vector.load %arg9[%swap3A_103, %swap3A_104, %swap3A_105] : memref<2x2048x128xf32, #tpu.memory_space<vmem>>, vector<1x2048x128xf32>
    %swap3A_107 = vector.shape_cast %swap3A_106 : vector<1x2048x128xf32> to vector<2048x128xf32>
    %swap3A_108 = vector.shape_cast %slice3A_102 : vector<2048x128xf32> to vector<1x2048x128xf32>
    tpu.vector_store %arg9[%swap3A_103, %swap3A_104, %swap3A_105], %swap3A_108 {strides = array<i32>} : memref<2x2048x128xf32, #tpu.memory_space<vmem>>, vector<1x2048x128xf32>,
    return
  }
  func.func @transform_0(%arg0: i32) -> (i32, i32, i32) {
    %c0_i32 = arith.constant 0 : i32
    %c0_i32_0 = arith.constant 0 : i32
    %c0_i32_1 = arith.constant 0 : i32
    return %c0_i32, %arg0, %c0_i32_0 : i32, i32, i32
  }
  func.func @transform_1(%arg0: i32) -> (i32, i32, i32) {
    %c0_i32 = arith.constant 0 : i32
    %c0_i32_0 = arith.constant 0 : i32
    %c0_i32_1 = arith.constant 0 : i32
    return %c0_i32, %arg0, %c0_i32_0 : i32, i32, i32
  }
  func.func @transform_2(%arg0: i32) -> (i32, i32, i32) {
    %c0_i32 = arith.constant 0 : i32
    %c0_i32_0 = arith.constant 0 : i32
    %c0_i32_1 = arith.constant 0 : i32
    return %c0_i32, %arg0, %c0_i32_0 : i32, i32, i32
  }
  func.func @transform_3(%arg0: i32) -> (i32, i32, i32) {
    %c0_i32 = arith.constant 0 : i32
    %c0_i32_0 = arith.constant 0 : i32
    %c0_i32_1 = arith.constant 0 : i32
    return %c0_i32, %arg0, %c0_i32_0 : i32, i32, i32
  }
  func.func @transform_4(%arg0: i32) -> (i32, i32) {
    %c0_i32 = arith.constant 0 : i32
    %c0_i32_0 = arith.constant 0 : i32
    %c0_i32_1 = arith.constant 0 : i32
    return %c0_i32, %c0_i32_0 : i32, i32
  }
  func.func @transform_5(%arg0: i32) -> (i32, i32) {
    %c0_i32 = arith.constant 0 : i32
    %c0_i32_0 = arith.constant 0 : i32
    %c0_i32_1 = arith.constant 0 : i32
    return %c0_i32, %c0_i32_0 : i32, i32
  }
  func.func @transform_6(%arg0: i32) -> (i32, i32) {
    %c0_i32 = arith.constant 0 : i32
    %c0_i32_0 = arith.constant 0 : i32
    %c0_i32_1 = arith.constant 0 : i32
    return %c0_i32, %c0_i32_0 : i32, i32
  }
  func.func @transform_7(%arg0: i32) -> (i32, i32) {
    %c0_i32 = arith.constant 0 : i32
    %c0_i32_0 = arith.constant 0 : i32
    %c0_i32_1 = arith.constant 0 : i32
    return %c0_i32, %c0_i32_0 : i32, i32
  }
  func.func @transform_8(%arg0: i32) -> (i32, i32, i32) {
    %c0_i32 = arith.constant 0 : i32
    %c0_i32_0 = arith.constant 0 : i32
    %c0_i32_1 = arith.constant 0 : i32
    return %c0_i32, %arg0, %c0_i32_0 : i32, i32, i32
  }
}

module attributes {stable_mosaic.version = 14 : i64} {
  func.func @_combine_pool_body(%arg0: i32, %arg1: memref<2x2048x128xf32, #tpu.memory_space<vmem>>, %arg2: memref<2x2048x128xf32, #tpu.memory_space<vmem>>, %arg3: memref<2x2048x128xf32, #tpu.memory_space<vmem>>, %arg4: memref<2x2048x128xf32, #tpu.memory_space<vmem>>, %arg5: memref<256x256xf32, #tpu.memory_space<vmem>>, %arg6: memref<256x256xf32, #tpu.memory_space<vmem>>, %arg7: memref<256x256xf32, #tpu.memory_space<vmem>>, %arg8: memref<1x256xf32, #tpu.memory_space<vmem>>, %arg9: memref<256x32xf32, #tpu.memory_space<vmem>>, %arg10: memref<1x32xf32, #tpu.memory_space<vmem>>, %arg11: memref<256x64xf32, #tpu.memory_space<vmem>>, %arg12: memref<1x64xf32, #tpu.memory_space<vmem>>, %arg13: memref<2x2048x128xf32, #tpu.memory_space<vmem>>, %arg14: memref<2048x32xf32, #tpu.memory_space<vmem>>, %arg15: memref<32x64xf32, #tpu.memory_space<vmem>>) attributes {dimension_semantics = [#tpu.dimension_semantics<arbitrary>], iteration_bounds = array<i64: 5>, scalar_prefetch = 0 : i64, scratch_operands = 0 : i64, tpu.core_type = #tpu.core_type<tc>, window_params = [{transform_indices = @transform_0, window_bounds = array<i64: 2, 2048, 128>}, {transform_indices = @transform_1, window_bounds = array<i64: 2, 2048, 128>}, {transform_indices = @transform_2, window_bounds = array<i64: 2, 2048, 128>}, {transform_indices = @transform_3, window_bounds = array<i64: 2, 2048, 128>}, {pipeline_mode = #tpu.pipeline_mode<synchronous>, transform_indices = @transform_4, window_bounds = array<i64: 256, 256>}, {pipeline_mode = #tpu.pipeline_mode<synchronous>, transform_indices = @transform_5, window_bounds = array<i64: 256, 256>}, {pipeline_mode = #tpu.pipeline_mode<synchronous>, transform_indices = @transform_6, window_bounds = array<i64: 256, 256>}, {pipeline_mode = #tpu.pipeline_mode<synchronous>, transform_indices = @transform_7, window_bounds = array<i64: 1, 256>}, {pipeline_mode = #tpu.pipeline_mode<synchronous>, transform_indices = @transform_8, window_bounds = array<i64: 256, 32>}, {pipeline_mode = #tpu.pipeline_mode<synchronous>, transform_indices = @transform_9, window_bounds = array<i64: 1, 32>}, {pipeline_mode = #tpu.pipeline_mode<synchronous>, transform_indices = @transform_10, window_bounds = array<i64: 256, 64>}, {pipeline_mode = #tpu.pipeline_mode<synchronous>, transform_indices = @transform_11, window_bounds = array<i64: 1, 64>}, {transform_indices = @transform_12, window_bounds = array<i64: 2, 2048, 128>}, {transform_indices = @transform_13, window_bounds = array<i64: 2048, 32>}, {pipeline_mode = #tpu.pipeline_mode<synchronous>, transform_indices = @transform_14, window_bounds = array<i64: 32, 64>}]} {
    %get3A = arith.constant 0 : index
    %get3A_0 = arith.constant 0 : index
    %get3A_1 = arith.constant 0 : index
    %get3A_2 = vector.load %arg4[%get3A, %get3A_0, %get3A_1] : memref<2x2048x128xf32, #tpu.memory_space<vmem>>, vector<1x2048x1xf32>
    %get3A_3 = vector.shape_cast %get3A_2 : vector<1x2048x1xf32> to vector<2048x1xf32>
    %max3A = arith.constant 1.000000e+00 : f32
    %max3A_4 = vector.broadcast %max3A : f32 to vector<2048x1xf32>
    %max3A_5 = arith.maximumf %get3A_3, %max3A_4 : vector<2048x1xf32>
    %div3A = arith.constant 1.000000e+00 : f32
    %div3A_6 = vector.broadcast %div3A : f32 to vector<2048x1xf32>
    %div3A_7 = arith.divf %div3A_6, %max3A_5 : vector<2048x1xf32>
    %get3A_8 = arith.constant 1 : index
    %get3A_9 = arith.constant 0 : index
    %get3A_10 = arith.constant 0 : index
    %get3A_11 = vector.load %arg4[%get3A_8, %get3A_9, %get3A_10] : memref<2x2048x128xf32, #tpu.memory_space<vmem>>, vector<1x2048x1xf32>
    %get3A_12 = vector.shape_cast %get3A_11 : vector<1x2048x1xf32> to vector<2048x1xf32>
    %max3A_13 = arith.constant 1.000000e+00 : f32
    %max3A_14 = vector.broadcast %max3A_13 : f32 to vector<2048x1xf32>
    %max3A_15 = arith.maximumf %get3A_12, %max3A_14 : vector<2048x1xf32>
    %div3A_16 = arith.constant 1.000000e+00 : f32
    %div3A_17 = vector.broadcast %div3A_16 : f32 to vector<2048x1xf32>
    %div3A_18 = arith.divf %div3A_17, %max3A_15 : vector<2048x1xf32>
    %get3A_19 = arith.constant 0 : index
    %get3A_20 = arith.constant 0 : index
    %get3A_21 = arith.constant 0 : index
    %get3A_22 = vector.load %arg1[%get3A_19, %get3A_20, %get3A_21] : memref<2x2048x128xf32, #tpu.memory_space<vmem>>, vector<1x2048x128xf32>
    %get3A_23 = vector.shape_cast %get3A_22 : vector<1x2048x128xf32> to vector<2048x128xf32>
    %get3A_24 = arith.constant 0 : index
    %get3A_25 = arith.constant 0 : index
    %get3A_26 = vector.load %arg5[%get3A_24, %get3A_25] : memref<256x256xf32, #tpu.memory_space<vmem>>, vector<128x256xf32>
    %dot_general3A = arith.constant dense<0.000000e+00> : vector<2048x256xf32>
    %dot_general3A_27 = tpu.matmul %get3A_23, %get3A_26, %dot_general3A {dimension_numbers = #tpu.dot_dimension_numbers<[1], [0], [0], [1], [0, 0, 1, 1], [], []>, transpose_lhs_hint = false} : vector<2048x128xf32>, vector<128x256xf32>, vector<2048x256xf32> -> vector<2048x256xf32>
    %get3A_28 = arith.constant 1 : index
    %get3A_29 = arith.constant 0 : index
    %get3A_30 = arith.constant 0 : index
    %get3A_31 = vector.load %arg1[%get3A_28, %get3A_29, %get3A_30] : memref<2x2048x128xf32, #tpu.memory_space<vmem>>, vector<1x2048x128xf32>
    %get3A_32 = vector.shape_cast %get3A_31 : vector<1x2048x128xf32> to vector<2048x128xf32>
    %get3A_33 = arith.constant 128 : index
    %get3A_34 = arith.constant 0 : index
    %get3A_35 = vector.load %arg5[%get3A_33, %get3A_34] : memref<256x256xf32, #tpu.memory_space<vmem>>, vector<128x256xf32>
    %dot_general3A_36 = arith.constant dense<0.000000e+00> : vector<2048x256xf32>
    %dot_general3A_37 = tpu.matmul %get3A_32, %get3A_35, %dot_general3A_36 {dimension_numbers = #tpu.dot_dimension_numbers<[1], [0], [0], [1], [0, 0, 1, 1], [], []>, transpose_lhs_hint = false} : vector<2048x128xf32>, vector<128x256xf32>, vector<2048x256xf32> -> vector<2048x256xf32>
    %add3A = arith.addf %dot_general3A_27, %dot_general3A_37 : vector<2048x256xf32>
    %get3A_38 = arith.constant 0 : index
    %get3A_39 = arith.constant 0 : index
    %get3A_40 = arith.constant 0 : index
    %get3A_41 = vector.load %arg2[%get3A_38, %get3A_39, %get3A_40] : memref<2x2048x128xf32, #tpu.memory_space<vmem>>, vector<1x2048x128xf32>
    %get3A_42 = vector.shape_cast %get3A_41 : vector<1x2048x128xf32> to vector<2048x128xf32>
    %mul3A = vector.broadcast %div3A_7 : vector<2048x1xf32> to vector<2048x128xf32>
    %mul3A_43 = arith.mulf %get3A_42, %mul3A : vector<2048x128xf32>
    %get3A_44 = arith.constant 0 : index
    %get3A_45 = arith.constant 0 : index
    %get3A_46 = vector.load %arg6[%get3A_44, %get3A_45] : memref<256x256xf32, #tpu.memory_space<vmem>>, vector<128x256xf32>
    %dot_general3A_47 = arith.constant dense<0.000000e+00> : vector<2048x256xf32>
    %dot_general3A_48 = tpu.matmul %mul3A_43, %get3A_46, %dot_general3A_47 {dimension_numbers = #tpu.dot_dimension_numbers<[1], [0], [0], [1], [0, 0, 1, 1], [], []>, transpose_lhs_hint = false} : vector<2048x128xf32>, vector<128x256xf32>, vector<2048x256xf32> -> vector<2048x256xf32>
    %add3A_49 = arith.addf %add3A, %dot_general3A_48 : vector<2048x256xf32>
    %get3A_50 = arith.constant 1 : index
    %get3A_51 = arith.constant 0 : index
    %get3A_52 = arith.constant 0 : index
    %get3A_53 = vector.load %arg2[%get3A_50, %get3A_51, %get3A_52] : memref<2x2048x128xf32, #tpu.memory_space<vmem>>, vector<1x2048x128xf32>
    %get3A_54 = vector.shape_cast %get3A_53 : vector<1x2048x128xf32> to vector<2048x128xf32>
    %mul3A_55 = vector.broadcast %div3A_7 : vector<2048x1xf32> to vector<2048x128xf32>
    %mul3A_56 = arith.mulf %get3A_54, %mul3A_55 : vector<2048x128xf32>
    %get3A_57 = arith.constant 128 : index
    %get3A_58 = arith.constant 0 : index
    %get3A_59 = vector.load %arg6[%get3A_57, %get3A_58] : memref<256x256xf32, #tpu.memory_space<vmem>>, vector<128x256xf32>
    %dot_general3A_60 = arith.constant dense<0.000000e+00> : vector<2048x256xf32>
    %dot_general3A_61 = tpu.matmul %mul3A_56, %get3A_59, %dot_general3A_60 {dimension_numbers = #tpu.dot_dimension_numbers<[1], [0], [0], [1], [0, 0, 1, 1], [], []>, transpose_lhs_hint = false} : vector<2048x128xf32>, vector<128x256xf32>, vector<2048x256xf32> -> vector<2048x256xf32>
    %add3A_62 = arith.addf %add3A_49, %dot_general3A_61 : vector<2048x256xf32>
    %get3A_63 = arith.constant 0 : index
    %get3A_64 = arith.constant 0 : index
    %get3A_65 = arith.constant 0 : index
    %get3A_66 = vector.load %arg3[%get3A_63, %get3A_64, %get3A_65] : memref<2x2048x128xf32, #tpu.memory_space<vmem>>, vector<1x2048x128xf32>
    %get3A_67 = vector.shape_cast %get3A_66 : vector<1x2048x128xf32> to vector<2048x128xf32>
    %mul3A_68 = vector.broadcast %div3A_18 : vector<2048x1xf32> to vector<2048x128xf32>
    %mul3A_69 = arith.mulf %get3A_67, %mul3A_68 : vector<2048x128xf32>
    %get3A_70 = arith.constant 0 : index
    %get3A_71 = arith.constant 0 : index
    %get3A_72 = vector.load %arg7[%get3A_70, %get3A_71] : memref<256x256xf32, #tpu.memory_space<vmem>>, vector<128x256xf32>
    %dot_general3A_73 = arith.constant dense<0.000000e+00> : vector<2048x256xf32>
    %dot_general3A_74 = tpu.matmul %mul3A_69, %get3A_72, %dot_general3A_73 {dimension_numbers = #tpu.dot_dimension_numbers<[1], [0], [0], [1], [0, 0, 1, 1], [], []>, transpose_lhs_hint = false} : vector<2048x128xf32>, vector<128x256xf32>, vector<2048x256xf32> -> vector<2048x256xf32>
    %add3A_75 = arith.addf %add3A_62, %dot_general3A_74 : vector<2048x256xf32>
    %get3A_76 = arith.constant 1 : index
    %get3A_77 = arith.constant 0 : index
    %get3A_78 = arith.constant 0 : index
    %get3A_79 = vector.load %arg3[%get3A_76, %get3A_77, %get3A_78] : memref<2x2048x128xf32, #tpu.memory_space<vmem>>, vector<1x2048x128xf32>
    %get3A_80 = vector.shape_cast %get3A_79 : vector<1x2048x128xf32> to vector<2048x128xf32>
    %mul3A_81 = vector.broadcast %div3A_18 : vector<2048x1xf32> to vector<2048x128xf32>
    %mul3A_82 = arith.mulf %get3A_80, %mul3A_81 : vector<2048x128xf32>
    %get3A_83 = arith.constant 128 : index
    %get3A_84 = arith.constant 0 : index
    %get3A_85 = vector.load %arg7[%get3A_83, %get3A_84] : memref<256x256xf32, #tpu.memory_space<vmem>>, vector<128x256xf32>
    %dot_general3A_86 = arith.constant dense<0.000000e+00> : vector<2048x256xf32>
    %dot_general3A_87 = tpu.matmul %mul3A_82, %get3A_85, %dot_general3A_86 {dimension_numbers = #tpu.dot_dimension_numbers<[1], [0], [0], [1], [0, 0, 1, 1], [], []>, transpose_lhs_hint = false} : vector<2048x128xf32>, vector<128x256xf32>, vector<2048x256xf32> -> vector<2048x256xf32>
    %add3A_88 = arith.addf %add3A_75, %dot_general3A_87 : vector<2048x256xf32>
    %get3A_89 = arith.constant 0 : index
    %get3A_90 = arith.constant 0 : index
    %get3A_91 = vector.load %arg8[%get3A_89, %get3A_90] : memref<1x256xf32, #tpu.memory_space<vmem>>, vector<1x256xf32>
    %add3A_92 = vector.broadcast %get3A_91 : vector<1x256xf32> to vector<2048x256xf32>
    %add3A_93 = arith.addf %add3A_88, %add3A_92 : vector<2048x256xf32>
    %max3A_94 = arith.constant 0.000000e+00 : f32
    %max3A_95 = vector.broadcast %max3A_94 : f32 to vector<2048x256xf32>
    %max3A_96 = arith.maximumf %add3A_93, %max3A_95 : vector<2048x256xf32>
    %slice3A = vector.extract_strided_slice %max3A_96 {offsets = [0, 0], sizes = [2048, 128], strides = [1, 1]} : vector<2048x256xf32> to vector<2048x128xf32>
    %swap3A = arith.constant 0 : index
    %swap3A_97 = arith.constant 0 : index
    %swap3A_98 = arith.constant 0 : index
    %swap3A_99 = vector.load %arg13[%swap3A, %swap3A_97, %swap3A_98] : memref<2x2048x128xf32, #tpu.memory_space<vmem>>, vector<1x2048x128xf32>
    %swap3A_100 = vector.shape_cast %swap3A_99 : vector<1x2048x128xf32> to vector<2048x128xf32>
    %swap3A_101 = vector.shape_cast %slice3A : vector<2048x128xf32> to vector<1x2048x128xf32>
    tpu.vector_store %arg13[%swap3A, %swap3A_97, %swap3A_98], %swap3A_101 {strides = array<i32>} : memref<2x2048x128xf32, #tpu.memory_space<vmem>>, vector<1x2048x128xf32>,
    %slice3A_102 = vector.extract_strided_slice %max3A_96 {offsets = [0, 128], sizes = [2048, 128], strides = [1, 1]} : vector<2048x256xf32> to vector<2048x128xf32>
    %swap3A_103 = arith.constant 1 : index
    %swap3A_104 = arith.constant 0 : index
    %swap3A_105 = arith.constant 0 : index
    %swap3A_106 = vector.load %arg13[%swap3A_103, %swap3A_104, %swap3A_105] : memref<2x2048x128xf32, #tpu.memory_space<vmem>>, vector<1x2048x128xf32>
    %swap3A_107 = vector.shape_cast %swap3A_106 : vector<1x2048x128xf32> to vector<2048x128xf32>
    %swap3A_108 = vector.shape_cast %slice3A_102 : vector<2048x128xf32> to vector<1x2048x128xf32>
    tpu.vector_store %arg13[%swap3A_103, %swap3A_104, %swap3A_105], %swap3A_108 {strides = array<i32>} : memref<2x2048x128xf32, #tpu.memory_space<vmem>>, vector<1x2048x128xf32>,
    %get3A_109 = arith.constant 0 : index
    %get3A_110 = arith.constant 0 : index
    %get3A_111 = vector.load %arg9[%get3A_109, %get3A_110] : memref<256x32xf32, #tpu.memory_space<vmem>>, vector<256x32xf32>
    %dot_general3A_112 = arith.constant dense<0.000000e+00> : vector<2048x32xf32>
    %dot_general3A_113 = tpu.matmul %max3A_96, %get3A_111, %dot_general3A_112 {dimension_numbers = #tpu.dot_dimension_numbers<[1], [0], [0], [1], [0, 0, 1, 1], [], []>, transpose_lhs_hint = false} : vector<2048x256xf32>, vector<256x32xf32>, vector<2048x32xf32> -> vector<2048x32xf32>
    %get3A_114 = arith.constant 0 : index
    %get3A_115 = arith.constant 0 : index
    %get3A_116 = vector.load %arg10[%get3A_114, %get3A_115] : memref<1x32xf32, #tpu.memory_space<vmem>>, vector<1x32xf32>
    %add3A_117 = vector.broadcast %get3A_116 : vector<1x32xf32> to vector<2048x32xf32>
    %add3A_118 = arith.addf %dot_general3A_113, %add3A_117 : vector<2048x32xf32>
    %reduce_max3A = arith.constant dense<0xFF800000> : vector<2048xf32>
    %reduce_max3A_119 = vector.multi_reduction <maximumf>, %add3A_118, %reduce_max3A [1] : vector<2048x32xf32> to vector<2048xf32>
    %max3A_120 = arith.constant 0xFF800000 : f32
    %max3A_121 = vector.broadcast %max3A_120 : f32 to vector<2048xf32>
    %max3A_122 = arith.maximumf %max3A_121, %reduce_max3A_119 : vector<2048xf32>
    %broadcast_in_dim3A = vector.shape_cast %max3A_122 : vector<2048xf32> to vector<2048x1xf32>
    %sub3A = vector.broadcast %broadcast_in_dim3A : vector<2048x1xf32> to vector<2048x32xf32>
    %sub3A_123 = arith.subf %add3A_118, %sub3A : vector<2048x32xf32>
    %exp3A = math.exp %sub3A_123 : vector<2048x32xf32>
    %reduce_sum3A = arith.constant dense<0.000000e+00> : vector<2048xf32>
    %reduce_sum3A_124 = vector.multi_reduction <add>, %exp3A, %reduce_sum3A [1] : vector<2048x32xf32> to vector<2048xf32>
    %broadcast_in_dim3A_125 = vector.shape_cast %reduce_sum3A_124 : vector<2048xf32> to vector<2048x1xf32>
    %div3A_126 = vector.broadcast %broadcast_in_dim3A_125 : vector<2048x1xf32> to vector<2048x32xf32>
    %div3A_127 = arith.divf %exp3A, %div3A_126 : vector<2048x32xf32>
    %get3A_128 = arith.constant 0 : index
    %get3A_129 = arith.constant 0 : index
    %get3A_130 = vector.load %arg11[%get3A_128, %get3A_129] : memref<256x64xf32, #tpu.memory_space<vmem>>, vector<256x64xf32>
    %dot_general3A_131 = arith.constant dense<0.000000e+00> : vector<2048x64xf32>
    %dot_general3A_132 = tpu.matmul %max3A_96, %get3A_130, %dot_general3A_131 {dimension_numbers = #tpu.dot_dimension_numbers<[1], [0], [0], [1], [0, 0, 1, 1], [], []>, transpose_lhs_hint = false} : vector<2048x256xf32>, vector<256x64xf32>, vector<2048x64xf32> -> vector<2048x64xf32>
    %get3A_133 = arith.constant 0 : index
    %get3A_134 = arith.constant 0 : index
    %get3A_135 = vector.load %arg12[%get3A_133, %get3A_134] : memref<1x64xf32, #tpu.memory_space<vmem>>, vector<1x64xf32>
    %add3A_136 = vector.broadcast %get3A_135 : vector<1x64xf32> to vector<2048x64xf32>
    %add3A_137 = arith.addf %dot_general3A_132, %add3A_136 : vector<2048x64xf32>
    %swap3A_138 = arith.constant 0 : index
    %swap3A_139 = arith.constant 0 : index
    %swap3A_140 = vector.load %arg14[%swap3A_138, %swap3A_139] : memref<2048x32xf32, #tpu.memory_space<vmem>>, vector<2048x32xf32>
    tpu.vector_store %arg14[%swap3A_138, %swap3A_139], %div3A_127 {strides = array<i32>} : memref<2048x32xf32, #tpu.memory_space<vmem>>, vector<2048x32xf32>,
    %iota3A = tpu.iota {dimensions = array<i32: 0>} : vector<2048x1xi32>
    %mul3A_141 = arith.constant 2048 : i32
    %mul3A_142 = arith.muli %arg0, %mul3A_141 : i32
    %add3A_143 = vector.broadcast %mul3A_142 : i32 to vector<2048x1xi32>
    %add3A_144 = arith.addi %iota3A, %add3A_143 : vector<2048x1xi32>
    %lt3A = arith.constant 10000 : i32
    %lt3A_145 = vector.broadcast %lt3A : i32 to vector<2048x1xi32>
    %lt3A_146 = arith.cmpi slt, %add3A_144, %lt3A_145 : vector<2048x1xi32>
    %jit3A = arith.constant 0.000000e+00 : f32
    %broadcast_in_dim3A_147 = vector.shape_cast %lt3A_146 : vector<2048x1xi1> to vector<2048x1xi1>
    %broadcast_in_dim3A_148 = vector.broadcast %broadcast_in_dim3A_147 : vector<2048x1xi1> to vector<2048x32xi1>
    %broadcast_in_dim3A_149 = vector.broadcast %jit3A : f32 to vector<2048x32xf32>
    %select_n3A = arith.select %broadcast_in_dim3A_148, %div3A_127, %broadcast_in_dim3A_149 : vector<2048x32xi1>, vector<2048x32xf32>
    %dot_general3A_150 = arith.constant dense<0.000000e+00> : vector<32x64xf32>
    %dot_general3A_151 = tpu.matmul %select_n3A, %add3A_137, %dot_general3A_150 {dimension_numbers = #tpu.dot_dimension_numbers<[0], [0], [1], [1], [0, 1, 1, 1], [], []>, transpose_lhs_hint = false} : vector<2048x32xf32>, vector<2048x64xf32>, vector<32x64xf32> -> vector<32x64xf32>
    %eq3A = arith.constant 0 : i32
    %eq3A_152 = arith.cmpi eq, %arg0, %eq3A : i32
    %convert_element_type3A = arith.extui %eq3A_152 : i1 to i32
    %cond3A = arith.constant 0 : i32
    %cond3A_153 = arith.cmpi ne, %convert_element_type3A, %cond3A : i32
    scf.if %cond3A_153 {
      %broadcast_in_dim3A_161 = arith.constant 0.000000e+00 : f32
      %broadcast_in_dim3A_162 = vector.broadcast %broadcast_in_dim3A_161 : f32 to vector<32x64xf32>
      %swap3A_163 = arith.constant 0 : index
      %swap3A_164 = arith.constant 0 : index
      %swap3A_165 = vector.load %arg15[%swap3A_163, %swap3A_164] : memref<32x64xf32, #tpu.memory_space<vmem>>, vector<32x64xf32>
      tpu.vector_store %arg15[%swap3A_163, %swap3A_164], %broadcast_in_dim3A_162 {strides = array<i32>} : memref<32x64xf32, #tpu.memory_space<vmem>>, vector<32x64xf32>,
    } else {
    }
    %get3A_154 = arith.constant 0 : index
    %get3A_155 = arith.constant 0 : index
    %get3A_156 = vector.load %arg15[%get3A_154, %get3A_155] : memref<32x64xf32, #tpu.memory_space<vmem>>, vector<32x64xf32>
    %add3A_157 = arith.addf %get3A_156, %dot_general3A_151 : vector<32x64xf32>
    %swap3A_158 = arith.constant 0 : index
    %swap3A_159 = arith.constant 0 : index
    %swap3A_160 = vector.load %arg15[%swap3A_158, %swap3A_159] : memref<32x64xf32, #tpu.memory_space<vmem>>, vector<32x64xf32>
    tpu.vector_store %arg15[%swap3A_158, %swap3A_159], %add3A_157 {strides = array<i32>} : memref<32x64xf32, #tpu.memory_space<vmem>>, vector<32x64xf32>,
    return
  }
  func.func @transform_0(%arg0: i32) -> (i32, i32, i32) {
    %c0_i32 = arith.constant 0 : i32
    %c0_i32_0 = arith.constant 0 : i32
    %c0_i32_1 = arith.constant 0 : i32
    return %c0_i32, %arg0, %c0_i32_0 : i32, i32, i32
  }
  func.func @transform_1(%arg0: i32) -> (i32, i32, i32) {
    %c0_i32 = arith.constant 0 : i32
    %c0_i32_0 = arith.constant 0 : i32
    %c0_i32_1 = arith.constant 0 : i32
    return %c0_i32, %arg0, %c0_i32_0 : i32, i32, i32
  }
  func.func @transform_2(%arg0: i32) -> (i32, i32, i32) {
    %c0_i32 = arith.constant 0 : i32
    %c0_i32_0 = arith.constant 0 : i32
    %c0_i32_1 = arith.constant 0 : i32
    return %c0_i32, %arg0, %c0_i32_0 : i32, i32, i32
  }
  func.func @transform_3(%arg0: i32) -> (i32, i32, i32) {
    %c0_i32 = arith.constant 0 : i32
    %c0_i32_0 = arith.constant 0 : i32
    %c0_i32_1 = arith.constant 0 : i32
    return %c0_i32, %arg0, %c0_i32_0 : i32, i32, i32
  }
  func.func @transform_4(%arg0: i32) -> (i32, i32) {
    %c0_i32 = arith.constant 0 : i32
    %c0_i32_0 = arith.constant 0 : i32
    %c0_i32_1 = arith.constant 0 : i32
    return %c0_i32, %c0_i32_0 : i32, i32
  }
  func.func @transform_5(%arg0: i32) -> (i32, i32) {
    %c0_i32 = arith.constant 0 : i32
    %c0_i32_0 = arith.constant 0 : i32
    %c0_i32_1 = arith.constant 0 : i32
    return %c0_i32, %c0_i32_0 : i32, i32
  }
  func.func @transform_6(%arg0: i32) -> (i32, i32) {
    %c0_i32 = arith.constant 0 : i32
    %c0_i32_0 = arith.constant 0 : i32
    %c0_i32_1 = arith.constant 0 : i32
    return %c0_i32, %c0_i32_0 : i32, i32
  }
  func.func @transform_7(%arg0: i32) -> (i32, i32) {
    %c0_i32 = arith.constant 0 : i32
    %c0_i32_0 = arith.constant 0 : i32
    %c0_i32_1 = arith.constant 0 : i32
    return %c0_i32, %c0_i32_0 : i32, i32
  }
  func.func @transform_8(%arg0: i32) -> (i32, i32) {
    %c0_i32 = arith.constant 0 : i32
    %c0_i32_0 = arith.constant 0 : i32
    %c0_i32_1 = arith.constant 0 : i32
    return %c0_i32, %c0_i32_0 : i32, i32
  }
  func.func @transform_9(%arg0: i32) -> (i32, i32) {
    %c0_i32 = arith.constant 0 : i32
    %c0_i32_0 = arith.constant 0 : i32
    %c0_i32_1 = arith.constant 0 : i32
    return %c0_i32, %c0_i32_0 : i32, i32
  }
  func.func @transform_10(%arg0: i32) -> (i32, i32) {
    %c0_i32 = arith.constant 0 : i32
    %c0_i32_0 = arith.constant 0 : i32
    %c0_i32_1 = arith.constant 0 : i32
    return %c0_i32, %c0_i32_0 : i32, i32
  }
  func.func @transform_11(%arg0: i32) -> (i32, i32) {
    %c0_i32 = arith.constant 0 : i32
    %c0_i32_0 = arith.constant 0 : i32
    %c0_i32_1 = arith.constant 0 : i32
    return %c0_i32, %c0_i32_0 : i32, i32
  }
  func.func @transform_12(%arg0: i32) -> (i32, i32, i32) {
    %c0_i32 = arith.constant 0 : i32
    %c0_i32_0 = arith.constant 0 : i32
    %c0_i32_1 = arith.constant 0 : i32
    return %c0_i32, %arg0, %c0_i32_0 : i32, i32, i32
  }
  func.func @transform_13(%arg0: i32) -> (i32, i32) {
    %c0_i32 = arith.constant 0 : i32
    %c0_i32_0 = arith.constant 0 : i32
    return %arg0, %c0_i32 : i32, i32
  }
  func.func @transform_14(%arg0: i32) -> (i32, i32) {
    %c0_i32 = arith.constant 0 : i32
    %c0_i32_0 = arith.constant 0 : i32
    %c0_i32_1 = arith.constant 0 : i32
    return %c0_i32, %c0_i32_0 : i32, i32
  }
}

module attributes {stable_mosaic.version = 14 : i64} {
  func.func @_cls_body(%arg0: i32, %arg1: memref<2x2048x128xf32, #tpu.memory_space<vmem>>, %arg2: memref<2048x32xf32, #tpu.memory_space<vmem>>, %arg3: memref<32x64xf32, #tpu.memory_space<vmem>>, %arg4: memref<352x256xf32, #tpu.memory_space<vmem>>, %arg5: memref<1x256xf32, #tpu.memory_space<vmem>>, %arg6: memref<256x256xf32, #tpu.memory_space<vmem>>, %arg7: memref<1x256xf32, #tpu.memory_space<vmem>>, %arg8: memref<2048x256xf32, #tpu.memory_space<vmem>>) attributes {dimension_semantics = [#tpu.dimension_semantics<arbitrary>], iteration_bounds = array<i64: 5>, scalar_prefetch = 0 : i64, scratch_operands = 0 : i64, tpu.core_type = #tpu.core_type<tc>, window_params = [{transform_indices = @transform_0, window_bounds = array<i64: 2, 2048, 128>}, {transform_indices = @transform_1, window_bounds = array<i64: 2048, 32>}, {pipeline_mode = #tpu.pipeline_mode<synchronous>, transform_indices = @transform_2, window_bounds = array<i64: 32, 64>}, {pipeline_mode = #tpu.pipeline_mode<synchronous>, transform_indices = @transform_3, window_bounds = array<i64: 352, 256>}, {pipeline_mode = #tpu.pipeline_mode<synchronous>, transform_indices = @transform_4, window_bounds = array<i64: 1, 256>}, {pipeline_mode = #tpu.pipeline_mode<synchronous>, transform_indices = @transform_5, window_bounds = array<i64: 256, 256>}, {pipeline_mode = #tpu.pipeline_mode<synchronous>, transform_indices = @transform_6, window_bounds = array<i64: 1, 256>}, {transform_indices = @transform_7, window_bounds = array<i64: 2048, 256>}]} {
    %get3A = arith.constant 0 : index
    %get3A_0 = arith.constant 0 : index
    %get3A_1 = vector.load %arg3[%get3A, %get3A_0] : memref<32x64xf32, #tpu.memory_space<vmem>>, vector<32x64xf32>
    %reduce_sum3A = arith.constant dense<0.000000e+00> : vector<32xf32>
    %reduce_sum3A_2 = vector.multi_reduction <add>, %get3A_1, %reduce_sum3A [1] : vector<32x64xf32> to vector<32xf32>
    %div3A = arith.constant 6.400000e+01 : f32
    %div3A_3 = vector.broadcast %div3A : f32 to vector<32xf32>
    %div3A_4 = arith.divf %reduce_sum3A_2, %div3A_3 : vector<32xf32>
    %broadcast_in_dim3A = vector.shape_cast %div3A_4 : vector<32xf32> to vector<1x32xf32>
    %get3A_5 = arith.constant 256 : index
    %get3A_6 = arith.constant 0 : index
    %get3A_7 = vector.load %arg4[%get3A_5, %get3A_6] : memref<352x256xf32, #tpu.memory_space<vmem>>, vector<32x256xf32>
    %dot_general3A = arith.constant dense<0.000000e+00> : vector<1x256xf32>
    %dot_general3A_8 = tpu.matmul %broadcast_in_dim3A, %get3A_7, %dot_general3A {dimension_numbers = #tpu.dot_dimension_numbers<[1], [0], [0], [1], [0, 0, 1, 1], [], []>, transpose_lhs_hint = false} : vector<1x32xf32>, vector<32x256xf32>, vector<1x256xf32> -> vector<1x256xf32>
    %get3A_9 = arith.constant 0 : index
    %get3A_10 = arith.constant 0 : index
    %get3A_11 = vector.load %arg2[%get3A_9, %get3A_10] : memref<2048x32xf32, #tpu.memory_space<vmem>>, vector<2048x32xf32>
    %dot_general3A_12 = arith.constant dense<0.000000e+00> : vector<2048x64xf32>
    %dot_general3A_13 = tpu.matmul %get3A_11, %get3A_1, %dot_general3A_12 {dimension_numbers = #tpu.dot_dimension_numbers<[1], [0], [0], [1], [0, 0, 1, 1], [], []>, transpose_lhs_hint = false} : vector<2048x32xf32>, vector<32x64xf32>, vector<2048x64xf32> -> vector<2048x64xf32>
    %get3A_14 = arith.constant 0 : index
    %get3A_15 = arith.constant 0 : index
    %get3A_16 = arith.constant 0 : index
    %get3A_17 = vector.load %arg1[%get3A_14, %get3A_15, %get3A_16] : memref<2x2048x128xf32, #tpu.memory_space<vmem>>, vector<1x2048x128xf32>
    %get3A_18 = vector.shape_cast %get3A_17 : vector<1x2048x128xf32> to vector<2048x128xf32>
    %get3A_19 = arith.constant 0 : index
    %get3A_20 = arith.constant 0 : index
    %get3A_21 = vector.load %arg4[%get3A_19, %get3A_20] : memref<352x256xf32, #tpu.memory_space<vmem>>, vector<128x256xf32>
    %dot_general3A_22 = arith.constant dense<0.000000e+00> : vector<2048x256xf32>
    %dot_general3A_23 = tpu.matmul %get3A_18, %get3A_21, %dot_general3A_22 {dimension_numbers = #tpu.dot_dimension_numbers<[1], [0], [0], [1], [0, 0, 1, 1], [], []>, transpose_lhs_hint = false} : vector<2048x128xf32>, vector<128x256xf32>, vector<2048x256xf32> -> vector<2048x256xf32>
    %get3A_24 = arith.constant 1 : index
    %get3A_25 = arith.constant 0 : index
    %get3A_26 = arith.constant 0 : index
    %get3A_27 = vector.load %arg1[%get3A_24, %get3A_25, %get3A_26] : memref<2x2048x128xf32, #tpu.memory_space<vmem>>, vector<1x2048x128xf32>
    %get3A_28 = vector.shape_cast %get3A_27 : vector<1x2048x128xf32> to vector<2048x128xf32>
    %get3A_29 = arith.constant 128 : index
    %get3A_30 = arith.constant 0 : index
    %get3A_31 = vector.load %arg4[%get3A_29, %get3A_30] : memref<352x256xf32, #tpu.memory_space<vmem>>, vector<128x256xf32>
    %dot_general3A_32 = arith.constant dense<0.000000e+00> : vector<2048x256xf32>
    %dot_general3A_33 = tpu.matmul %get3A_28, %get3A_31, %dot_general3A_32 {dimension_numbers = #tpu.dot_dimension_numbers<[1], [0], [0], [1], [0, 0, 1, 1], [], []>, transpose_lhs_hint = false} : vector<2048x128xf32>, vector<128x256xf32>, vector<2048x256xf32> -> vector<2048x256xf32>
    %add3A = arith.addf %dot_general3A_23, %dot_general3A_33 : vector<2048x256xf32>
    %get3A_34 = arith.constant 288 : index
    %get3A_35 = arith.constant 0 : index
    %get3A_36 = vector.load %arg4[%get3A_34, %get3A_35] : memref<352x256xf32, #tpu.memory_space<vmem>>, vector<64x256xf32>
    %dot_general3A_37 = arith.constant dense<0.000000e+00> : vector<2048x256xf32>
    %dot_general3A_38 = tpu.matmul %dot_general3A_13, %get3A_36, %dot_general3A_37 {dimension_numbers = #tpu.dot_dimension_numbers<[1], [0], [0], [1], [0, 0, 1, 1], [], []>, transpose_lhs_hint = false} : vector<2048x64xf32>, vector<64x256xf32>, vector<2048x256xf32> -> vector<2048x256xf32>
    %add3A_39 = vector.broadcast %dot_general3A_8 : vector<1x256xf32> to vector<2048x256xf32>
    %add3A_40 = arith.addf %dot_general3A_38, %add3A_39 : vector<2048x256xf32>
    %get3A_41 = arith.constant 0 : index
    %get3A_42 = arith.constant 0 : index
    %get3A_43 = vector.load %arg5[%get3A_41, %get3A_42] : memref<1x256xf32, #tpu.memory_space<vmem>>, vector<1x256xf32>
    %add3A_44 = vector.broadcast %get3A_43 : vector<1x256xf32> to vector<2048x256xf32>
    %add3A_45 = arith.addf %add3A_40, %add3A_44 : vector<2048x256xf32>
    %add3A_46 = arith.addf %add3A, %add3A_45 : vector<2048x256xf32>
    %get3A_47 = arith.constant 0 : index
    %get3A_48 = arith.constant 0 : index
    %get3A_49 = vector.load %arg6[%get3A_47, %get3A_48] : memref<256x256xf32, #tpu.memory_space<vmem>>, vector<256x256xf32>
    %dot_general3A_50 = arith.constant dense<0.000000e+00> : vector<2048x256xf32>
    %dot_general3A_51 = tpu.matmul %add3A_46, %get3A_49, %dot_general3A_50 {dimension_numbers = #tpu.dot_dimension_numbers<[1], [0], [0], [1], [0, 0, 1, 1], [], []>, transpose_lhs_hint = false} : vector<2048x256xf32>, vector<256x256xf32>, vector<2048x256xf32> -> vector<2048x256xf32>
    %get3A_52 = arith.constant 0 : index
    %get3A_53 = arith.constant 0 : index
    %get3A_54 = vector.load %arg7[%get3A_52, %get3A_53] : memref<1x256xf32, #tpu.memory_space<vmem>>, vector<1x256xf32>
    %add3A_55 = vector.broadcast %get3A_54 : vector<1x256xf32> to vector<2048x256xf32>
    %add3A_56 = arith.addf %dot_general3A_51, %add3A_55 : vector<2048x256xf32>
    %swap3A = arith.constant 0 : index
    %swap3A_57 = arith.constant 0 : index
    %swap3A_58 = vector.load %arg8[%swap3A, %swap3A_57] : memref<2048x256xf32, #tpu.memory_space<vmem>>, vector<2048x256xf32>
    tpu.vector_store %arg8[%swap3A, %swap3A_57], %add3A_56 {strides = array<i32>} : memref<2048x256xf32, #tpu.memory_space<vmem>>, vector<2048x256xf32>,
    return
  }
  func.func @transform_0(%arg0: i32) -> (i32, i32, i32) {
    %c0_i32 = arith.constant 0 : i32
    %c0_i32_0 = arith.constant 0 : i32
    %c0_i32_1 = arith.constant 0 : i32
    return %c0_i32, %arg0, %c0_i32_0 : i32, i32, i32
  }
  func.func @transform_1(%arg0: i32) -> (i32, i32) {
    %c0_i32 = arith.constant 0 : i32
    %c0_i32_0 = arith.constant 0 : i32
    return %arg0, %c0_i32 : i32, i32
  }
  func.func @transform_2(%arg0: i32) -> (i32, i32) {
    %c0_i32 = arith.constant 0 : i32
    %c0_i32_0 = arith.constant 0 : i32
    %c0_i32_1 = arith.constant 0 : i32
    return %c0_i32, %c0_i32_0 : i32, i32
  }
  func.func @transform_3(%arg0: i32) -> (i32, i32) {
    %c0_i32 = arith.constant 0 : i32
    %c0_i32_0 = arith.constant 0 : i32
    %c0_i32_1 = arith.constant 0 : i32
    return %c0_i32, %c0_i32_0 : i32, i32
  }
  func.func @transform_4(%arg0: i32) -> (i32, i32) {
    %c0_i32 = arith.constant 0 : i32
    %c0_i32_0 = arith.constant 0 : i32
    %c0_i32_1 = arith.constant 0 : i32
    return %c0_i32, %c0_i32_0 : i32, i32
  }
  func.func @transform_5(%arg0: i32) -> (i32, i32) {
    %c0_i32 = arith.constant 0 : i32
    %c0_i32_0 = arith.constant 0 : i32
    %c0_i32_1 = arith.constant 0 : i32
    return %c0_i32, %c0_i32_0 : i32, i32
  }
  func.func @transform_6(%arg0: i32) -> (i32, i32) {
    %c0_i32 = arith.constant 0 : i32
    %c0_i32_0 = arith.constant 0 : i32
    %c0_i32_1 = arith.constant 0 : i32
    return %c0_i32, %c0_i32_0 : i32, i32
  }
  func.func @transform_7(%arg0: i32) -> (i32, i32) {
    %c0_i32 = arith.constant 0 : i32
    %c0_i32_0 = arith.constant 0 : i32
    return %arg0, %c0_i32 : i32, i32
  }
}

</mosaic_0001>

<sc_bundles>
// kernel: kernel.12.cloned.1.call-start
scs
__scs_entry_jumppad:
0x0: {  	(pc) =	sbr.rel $0x88, $3  }
0x1: {  	(tag) =	ssettag $0x0;
	lr =	simm.s32 $0x1  }
0x2: {  	[smem:$0x3F8C] =	sst lr;
	_ =	strace $0xD0000000  }
0x3: {  	_ = 	snop  }
0x4: {  	_ = 	snop  }
0x5: {  	_ = 	snop  }
0x6: {  	_ = 	snop  }
0x7: {  	_ = 	snop  }
__scs_overlays_trampoline_lowered:
0x8: {  	[smem:$0x3F9B] =	sst s0  }
0x9: {  	[smem:$0x3F9C] =	sst s1  }
0xa: {  	[smem:$0x3F9D] =	sst s2  }
0xb: {  	[smem:$0x3F9E] =	sst s3  }
0xc: {  	[smem:$0x3F9F] =	sst s4  }
0xd: {  	[smem:$0x3FA0] =	sst s5  }
0xe: {  	[smem:$0x3FA1] =	sst s6  }
0xf: {  	[smem:$0x3FA2] =	sst s7  }
0x10: {  	[smem:$0x3FA3] =	sst s8  }
0x11: {  	[smem:$0x3FA4] =	sst s9;
	s0 =	simm.s32 @!p0 $0x0  }
0x12: {  	s1 =	sld [smem:$0x3F8A];
	s0 =	simm.s32 @p0 $0x1  }
0x13: {  	[smem:$0x3FA5] =	sst s0;
	s0 =	simm.s32 @!p1 $0x0  }
0x14: {  	s2 =	sld [smem:$0x3F89];
	s0 =	simm.s32 @p1 $0x1  }
0x15: {  	[smem:$0x3FA6] =	sst s0;
	s0 =	simm.s32 @!p2 $0x0  }
0x16: {  	s3 =	sld [smem:$0x3FDB];
	s0 =	simm.s32 @p2 $0x1  }
0x17: {  	s4 =	simm.s32 $0x1BF5;
	[smem:$0x3FA8] =	sst s0  }
0x18: {  	s0 =	sld [smem:$0x3F8B];
	_ =	swait.ge [sflag:s4], $0x0  }
0x19: {  	s7 =	sld [smem:$0x3F8C]  }
0x1a: {  	s8 =	sadd.s32 $0xFFFFE003, lr  }
0x1b: {  	s9 =	sadd.s32 $0xFFFFFEF7, lr;
	s5 =	simm.s32 $0xFFFFFFFF;
	p2 =	slt.u32 s8, $0xFFFFF086  }
0x1c: {  	p1 =	slt.u32 s9, $0xF7A;
	s5 =	simm.s32 @!p2 $0x0  }
0x1d: {  	s5 =	simm.s32 @p1 $0x1;
	p0 =	seq.s32 s7, s2  }
0x1e: {  	s7 =	smul.u32 @!p0 $0xF7A, s2;
	p2 =	seq.s32 @!p0 s5, $0x0  }
0x1f: {  	s9 =	smul.u32 $0xF7A, s1;
	s8 =	simm.s32 @!p0 $0x1BF5;
	p2 =	por !p2, p0  }
0x20: {  	[sflag:s8] =	ssyncset.s32 @!p0 $0xFFFFF086;
	s6 =	sadd.s32 @!p0 s3, s7;
	s7 =	simm.s32 @!p0 $0x108  }
0x21: {  	s3 =	sadd.s32 s3, s9;
	s6 =	sadd.s32 @!p0 $0x88, s6;
	s7 =	simm.s32 @p2 $0x1082  }
0x22: {  	[simem:s7], [sflag:s8] =	dma.local @!p0 [hbm:s6], $0xF7A  }
0x23: {  	s9 =	sor.u32 $0xD0000000, s2;
	s6 =	simm.s32 $0x108;
	_ =	swait.ge @!p0 [sflag:s8], $0x0  }
0x24: {  	s3 =	sadd.s32 $0x88, s3;
	s6 =	simm.s32 @!p1 $0x1082;
	[sflag:s4] =	ssyncset.s32 $0xFFFFF086  }
0x25: {  	[simem:s6], [sflag:s4] =	dma.local [hbm:s3], $0xF7A  }
0x26: {  	[smem:$0x3F8C] =	sst s1;
	(tag) =	ssettag s2;
	_ =	strace s9  }
0x27: {  	s1 =	sld [smem:$0x3F9C]  }
0x28: {  	s2 =	sld [smem:$0x3F9D]  }
0x29: {  	s4 =	sld [smem:$0x3F9F]  }
0x2a: {  	p0 =	seq.s32 s5, $0x0;
	s5 =	sld [smem:$0x3FA0]  }
0x2b: {  	s6 =	sld [smem:$0x3FA1]  }
0x2c: {  	s7 =	sld [smem:$0x3FA2]  }
0x2d: {  	s3 =	simm.s32 $0x108;
	s8 =	sld [smem:$0x3FA3]  }
0x2e: {  	s3 =	simm.s32 @!p0 $0x1082;
	s9 =	sld [smem:$0x3FA4]  }
0x2f: {  	lr =	sadd.s32 s0, s3;
	s0 =	sld [smem:$0x3F9B]  }
0x30: {  	s3 =	sld [smem:$0x3F9E]  }
0x31: {  	[smem:$0x3FA7] =	sst s10  }
0x32: {  	s10 =	sld [smem:$0x3FA5];
	_ =	sdelay $0x3  }
0x33: {  	p0 =	seq.s32 s10, $0x1;
	s10 =	sld [smem:$0x3FA7];
	_ =	sdelay $0x3  }
0x34: {  	[smem:$0x3FA7] =	sst s10  }
0x35: {  	s10 =	sld [smem:$0x3FA6];
	_ =	sdelay $0x3  }
0x36: {  	p1 =	seq.s32 s10, $0x1;
	s10 =	sld [smem:$0x3FA7];
	_ =	sdelay $0x3  }
0x37: {  	[smem:$0x3FA7] =	sst s10  }
0x38: {  	s10 =	sld [smem:$0x3FA8]  }
0x39: {  	_ = 	snop;
	(pc) =	sbr.ind lr, $3  }
0x3a: {  	_ = 	snop  }
0x3b: {  	_ = 	snop  }
0x3c: {  	p2 =	seq.s32 s10, $0x1;
	s10 =	sld [smem:$0x3FA7]  }
0x3d: {  	_ =	shalt  }
0x3e: {  	_ =	shalt  }
0x3f: {  	_ =	shalt  }
0x40: {  	_ =	shalt  }
0x41: {  	_ =	shalt  }
0x42: {  	_ =	shalt  }
0x43: {  	_ =	shalt  }
0x44: {  	_ =	shalt  }
0x45: {  	_ =	shalt  }
0x46: {  	_ =	shalt  }
0x47: {  	_ =	shalt  }
0x48: {  	_ =	shalt  }
0x49: {  	_ =	shalt  }
0x4a: {  	_ =	shalt  }
0x4b: {  	_ =	shalt  }
0x4c: {  	_ =	shalt  }
0x4d: {  	_ =	shalt  }
0x4e: {  	_ =	shalt  }
0x4f: {  	_ =	shalt  }
0x50: {  	_ =	shalt  }
0x51: {  	_ =	shalt  }
0x52: {  	_ =	shalt  }
0x53: {  	_ =	shalt  }
0x54: {  	_ =	shalt  }
0x55: {  	_ =	shalt  }
0x56: {  	_ =	shalt  }
0x57: {  	_ =	shalt  }
0x58: {  	_ =	shalt  }
0x59: {  	_ =	shalt  }
0x5a: {  	_ =	shalt  }
0x5b: {  	_ =	shalt  }
0x5c: {  	_ =	shalt  }
0x5d: {  	_ =	shalt  }
0x5e: {  	_ =	shalt  }
0x5f: {  	_ =	shalt  }
0x60: {  	_ =	shalt  }
0x61: {  	_ =	shalt  }
0x62: {  	_ =	shalt  }
0x63: {  	_ =	shalt  }
0x64: {  	_ =	shalt  }
0x65: {  	_ =	shalt  }
0x66: {  	_ =	shalt  }
0x67: {  	_ =	shalt  }
0x68: {  	_ =	shalt  }
0x69: {  	_ =	shalt  }
0x6a: {  	_ =	shalt  }
0x6b: {  	_ =	shalt  }
0x6c: {  	_ =	shalt  }
0x6d: {  	_ =	shalt  }
0x6e: {  	_ =	shalt  }
0x6f: {  	_ =	shalt  }
0x70: {  	_ =	shalt  }
0x71: {  	_ =	shalt  }
0x72: {  	_ =	shalt  }
0x73: {  	_ =	shalt  }
0x74: {  	_ =	shalt  }
0x75: {  	_ =	shalt  }
0x76: {  	_ =	shalt  }
0x77: {  	_ =	shalt  }
0x78: {  	_ =	shalt  }
0x79: {  	_ =	shalt  }
0x7a: {  	_ =	shalt  }
0x7b: {  	_ =	shalt  }
0x7c: {  	_ =	shalt  }
0x7d: {  	_ =	shalt  }
0x7e: {  	_ =	shalt  }
0x7f: {  	_ =	shalt  }
0x80: {  	_ =	shalt  }
0x81: {  	_ =	shalt  }
0x82: {  	_ =	shalt  }
0x83: {  	_ =	shalt  }
0x84: {  	_ =	shalt  }
0x85: {  	_ =	shalt  }
0x86: {  	_ =	shalt  }
0x87: {  	_ =	shalt  }
.Lfunc_end0:
.L_simem_size_0:
called_computation.1_lowered:
.L_overlay_start_0:
0x88: {  	s2 =	sld [smem:$0x3FD9]  }
0x89: {  	s3 =	sld [smem:$0x3FFE];
	_ =	sdelay $0x1  }
0x8a: {  	s1 =	srdreg.scid  }
0x8b: {  	s0 =	sand.u32 $0x1, s1  }
0x8c: {  	s17 =	sshll.u32 s0, $0xA;
	s2 =	sadd.s32 s3, s2  }
0x8d: {  	s2 =	sadd.s32 s2, s17  }
0x8e: {  	[smem:$0x3FB3] =	sst s2  }
0x8f: {  	_ = 	snop  }
0x90: {  	(tm) =	ssettm $0x1  }
0x91: {  	s18 =	sld [smem:$0x3FFB];
	_ =	sdelay $0x3  }
0x92: {  	_ =	strace s18  }
0x93: {  	s2 =	sld [smem:$0x3FFC];
	_ =	sdelay $0x3  }
0x94: {  	_ =	strace s2  }
0x95: {  	s2 =	sld [smem:$0x3FFD];
	_ =	sdelay $0x3  }
0x96: {  	_ =	strace s2  }
0x97: {  	_ =	strace $0x8FFFFFFF  }
0x98: {  	s19 =	sld [smem:$0x3FDB];
	_ =	sdelay $0x1  }
0x99: {  	s20 =	simm.s32 $_scs_section_size  }
0x9a: {  	s4 =	simm.s32 $_size__tile_overlayer_lowered;
	s5 =	simm.s32 $_tile_overlayer_lowered  }
0x9b: {  	s6 =	simm.s32 $0x1BFF;
	s21 =	sshll.u32 s5, $0x1;
	s3 =	sadd.s32 s20, s19  }
0x9c: {  	s22 =	simm.s32 $0x0;
	s4 =	sshll.u32 s4, $0x1;
	s5 =	sadd.s32 s21, s3  }
0x9d: {  	[timem:s22], [sflag:s6] =	dma.local [hbm:s5], s4  }
0x9e: {  	_ =	swait.ge [sflag:s6], s4  }
0x9f: {  	s4 =	ssub.s32 $0x0, s4;
	[sflag:s6] =	ssyncset.done $0x0  }
0xa0: {  	[sflag:s6] =	ssyncadd.s32 s4;
	_ =	sdelay $0x1  }
0xa1: {  	s23 =	simm.s32 $0x1B8B  }
0xa2: {  	_ =	swait.ge [sflag:s23], $0x1  }
0xa3: {  	[sflag:s23] =	ssyncset.done $0x0  }
0xa4: {  	[sflag:s23] =	ssyncadd.s32 $0xFFFFFFFF  }
0xa5: {  	s4 =	sld [smem:$0x0]  }
0xa6: {  	s5 =	sand.u32 $0xFFFFFFFE, s1  }
0xa7: {  	p0 =	sne.s32 s1, s5  }
0xa8: {  	s5 =	sshll.u32 @p0 s5, $0xE  }
0xa9: {  	s5 =	sadd.s32 @p0 $0x11B8D, s5;
	s6 =	sshll.u32 @p0 s4, $0x11  }
0xaa: {  	s5 =	sor.u32 @p0 s6, s5  }
0xab: {  	[sflag:s5] =	ssyncadd.remote.s32 @p0 $0x1;
	_ =	sdelay $0x1  }
0xac: {  	s5 =	simm.s32 @p0 $0x1B8D  }
0xad: {  	_ =	swait.eq @p0 [sflag:s5], $0x1  }
0xae: {  	[sflag:s5] =	ssyncadd.s32 @p0 $0xFFFFFFFF  }
0xaf: {  	s6 =	sshll.u32 @!p0 s1, $0xE  }
0xb0: {  	s6 =	sor.u32 @!p0 $0x4000, s6;
	s5 =	simm.s32 @!p0 $0x1B8D  }
0xb1: {  	s4 =	sshll.u32 @!p0 s4, $0x11;
	s6 =	sadd.s32 @!p0 $0x11B8D, s6;
	_ =	swait.eq @!p0 [sflag:s5], $0x1  }
0xb2: {  	s4 =	sor.u32 @!p0 s4, s6;
	[sflag:s5] =	ssyncadd.s32 @!p0 $0xFFFFFFFF  }
0xb3: {  	s25 =	simm.s32 $0x1B8E;
	s24 =	sld [smem:$0x3FFE];
	[sflag:s4] =	ssyncadd.remote.s32 @!p0 $0x1  }
0xb4: {  	s26 =	simm.s32 $execute0_lowered;
	[smem:$0x3FD2] =	sst s25  }
0xb5: {  	s5 =	sshll.u32 s26, $0x1;
	_ =	strace $0x80000049;
	[dreg:$0x1] =	wrdreg $0xFFFFFFFF  }
0xb6: {  	s28 =	simm.s32 $_size_execute0_lowered;
	s3 =	sadd.s32 s3, s5;
	[dreg:$0x0] =	wrdreg $0x0  }
0xb7: {  	s5 =	sshll.u32 s28, $0x1;
	[dreg:$0x2] =	wrdreg s3  }
0xb8: {  	[dreg:$0x3] =	wrdreg s5  }
0xb9: {  	[dreg:$0x4] =	wrdreg $0xC0  }
0xba: {  	_ =	task [dreg:s22], $0x5FFFF  }
0xbb: {  	[dreg:$0x1] =	wrdreg $0xFFFFFFFF  }
0xbc: {  	[dreg:$0x0] =	wrdreg $0x60  }
0xbd: {  	[dreg:$0x2] =	wrdreg s24  }
0xbe: {  	[dreg:$0x3] =	wrdreg $0xA8000  }
0xbf: {  	[dreg:$0x4] =	wrdreg $0xA  }
0xc0: {  	_ =	task.clear_ibuf [dreg:s22], $0x5FFFF;
	_ =	strace $0x90000049  }
0xc1: {  	s29 =	simm.s32 $0xA;
	_ =	strace $0x8000004B  }
0xc2: {  	_ =	swait.ge [sflag:s29], $0x1  }
0xc3: {  	[sflag:s29] =	ssyncadd.s32 $0xFFFFFFFF  }
0xc4: {  	_ =	strace $0x9000004B  }
0xc5: {  	_ =	sfence  }
0xc6: {  	s30 =	sld [smem:$0x0];
	_ =	sdelay $0x2  }
0xc7: {  	s31 =	sshll.u32 s1, $0xD;
	s1 =	sshrl.u32 s1, $0x2  }
0xc8: {  	s4 =	sand.u32 $0x4000, s31;
	s1 =	sadd.s32 s1, s30  }
0xc9: {  	s0 =	sor.u32 s4, s0;
	s1 =	sshll.u32 s1, $0x11  }
0xca: {  	s0 =	sor.u32 s1, s0  }
0xcb: {  	s0 =	sadd.s32 $0x8F2B, s0  }
0xcc: {  	[sflag:s0] =	ssyncadd.remote.s32 $0x1  }
0xcd: {  	_ =	sfence.sel $0xFFFF  }
0xce: {  	[dreg:$0x0] =	wrdreg $0xFFFFFFFF;
	(pc) =	sbr.abs _section_cstart, $3  }
0xcf: {  	[dreg:$0x1] =	wrdreg $0xFFFFFFFF  }
0xd0: {  	_ =	task.clear_ibuf [dreg:s22], $0x2FFFF;
	_ =	strace $0x9FFFFFFF  }
0xd1: {  	(tm) =	ssettm $0x7FFFFFFF  }
tec
execute0_lowered:
.L_overlay_start_1:
0x0: {  	(tag) =	ssettag $0x1  }
0x1: {  	s0 =	srdreg.scid  }
0x2: {  	s1 =	rddreg [dreg:$0x0];
	s24 =	stileid.u32  }
0x3: {  	s2 =	rddreg [dreg:$0x1];
	s3 =	simm.s32 $0x0;
	s15 =	simm.s32 $0x5  }
0x4: {  	s16 =	simm.s32 $0x1400;
	s17 =	simm.s32 $0x80;
	s18 =	simm.s32 $0x2800  }
0x5: {  	s19 =	simm.s32 $0x6800;
	s20 =	simm.s32 $0x1;
	s21 =	simm.s32 $0x3  }
0x6: {  	s22 =	simm.s32 $0x100;
	s23 =	simm.s32 $0x2;
	s5 =	smul.u32 $0x1400, s24  }
0x7: {  	s28 =	simm.s32 $0x2700;
	s29 =	simm.s32 $0x2780;
	s8 =	smul.u32 $0x14000, s24  }
0x8: {  	s30 =	simm.s32 $0x0;
	s6 =	sand.u32 $0x1, s0;
	s25 =	smul.u32 $0x50000, s24  }
0x9: {  	[smem:$0x7FF] =	sst s3;
	s31 =	sshll.u32 s24, $0x6;
	s4 =	smul.u32 $0x14000, s6  }
0xa: {  	s24 =	simm.s32 $0x1480;
	s7 =	smul.u32 $0x140000, s6;
	s6 =	ssub.s32 $0x2, s6  }
0xb: {  	_ =	strace $0x8000004A;
	s26 =	sshrl.u32 s6, $0x1;
	s5 =	sadd.s32 s5, s4  }
0xc: {  	s4 =	sadd.s32 $0x66400, s1;
	s7 =	sadd.s32 s8, s7;
	s8 =	sshrl.u32 s25, $0x2  }
0xd: {  	s13 =	ssub.s32 s6, s26;
	s6 =	sor.u32 $0x1C05, s31;
	s25 =	simm.s32 $0x4  }
0xe: {  	s26 =	simm.s32 $0x1380;
	s5 =	sshrl.u32 s5, $0x3;
	s7 =	sshrl.u32 s7, $0x3  }
0xf: {  	s14 =	sadd.s32 s8, s2;
	s13 =	smax.u32 s13, $0x1;
	s11 =	sadd.s32 s5, s1  }
0x10: {  	s5 =	sadd.s32 $0x13C00, s1;
	s1 =	sadd.s32 s7, s1;
	s14 =	sshrl.u32 s14, $0x3  }
0x11: {  	s7 =	sadd.s32 $0xE400, s11;
	s8 =	sadd.s32 $0x9400, s11;
	s9 =	sadd.s32 $0xBB400, s1  }
0x12: {  	s10 =	sadd.s32 $0xB6400, s11;
	s11 =	sadd.s32 $0x4400, s11;
	s12 =	sadd.s32 $0x10B400, s1  }
.LBB2_1:
0x13: {  	[spmem:s14], [sflag:s6] =	dma.local [hbm:s5], $0x2800  }
0x14: {  	_ =	swait.ge [sflag:s15], $0x2800  }
0x15: {  	[sflag:s15] =	ssyncset.done $0x0  }
0x16: {  	[sflag:s15] =	ssyncadd.s32 $0xFFFFD800  }
0x17: {  	[tilespmem:s3], [sflag:$0x5] =	stream.linear.gather [hbm4b:s7+s3], $0x1400, $0x38;
	[tilespmem:$0x1E800] =	vst v63  }
0x18: {  	_ =	swait.ge [sflag:s15], $0x1400  }
0x19: {  	[sflag:s15] =	ssyncset.done $0x0  }
0x1a: {  	[sflag:s15] =	ssyncadd.s32 $0xFFFFEC00  }
0x1b: {  	[tilespmem:s16], [sflag:$0x5] =	stream.linear.gather [hbm4b:s8+s3], $0x1400, $0x38;
	[tilespmem:$0x1E800] =	vst v63  }
0x1c: {  	_ =	swait.ge [sflag:s15], $0x1400  }
0x1d: {  	[sflag:s15] =	ssyncset.done $0x0  }
0x1e: {  	[sflag:s15] =	ssyncadd.s32 $0xFFFFEC00  }
0x1f: {  	[bflag:$0x0] =	sbarrier.arrive $0xFFFF  }
0x20: {  	[tilespmem:s18], [sflag:$0x1] =	stream.indirect.gather [hbm4b:s4+s17], $0x80, s3, s17, $0xb8;
	[tilespmem:$0x1E800] =	vst v63  }
0x21: {  	_ = 	snop  }
0x22: {  	[tilespmem:s19], [sflag:$0x2] =	stream.indirect.gather [hbm4b:s4+s17], $0x80, s17, s17, $0xb8;
	[tilespmem:$0x1E800] =	vst v63  }
0x23: {  	_ =	swait.ge [sflag:s20], $0x4000  }
0x24: {  	[sflag:s20] =	ssyncset.done $0x0  }
0x25: {  	[sflag:s20] =	ssyncadd.s32 $0xFFFFC000  }
0x26: {  	[spmem:s2] =	stream.indirect.scatter.add.f32 [tilespmem:s18], [sflag:$0x3], $0x80, s16, s17, $0xb8;
	[tilespmem:$0x1E800] =	vst v63  }
0x27: {  	_ =	swait.ge [sflag:s21], $0x4000  }
0x28: {  	[sflag:s21] =	ssyncset.done $0x0  }
0x29: {  	[sflag:s21] =	ssyncadd.s32 $0xFFFFC000  }
0x2a: {  	[tilespmem:s18], [sflag:$0x1] =	stream.indirect.gather [hbm4b:s4+s17], $0x80, s22, s17, $0xb8;
	[tilespmem:$0x1E800] =	vst v63  }
0x2b: {  	_ =	swait.ge [sflag:s23], $0x4000  }
0x2c: {  	[sflag:s23] =	ssyncset.done $0x0  }
0x2d: {  	[sflag:s23] =	ssyncadd.s32 $0xFFFFC000  }
0x2e: {  	[spmem:s2] =	stream.indirect.scatter.add.f32 [tilespmem:s19], [sflag:$0x4], $0x80, s24, s17, $0xb8;
	[tilespmem:$0x1E800] =	vst v63  }
0x2f: {  	_ =	swait.ge [sflag:s25], $0x4000  }
0x30: {  	[sflag:s25] =	ssyncset.done $0x0  }
0x31: {  	s1 =	simm.s32 $0x180;
	[sflag:s25] =	ssyncadd.s32 $0xFFFFC000  }
0x32: {  	[tilespmem:s19], [sflag:$0x2] =	stream.indirect.gather [hbm4b:s4+s17], $0x80, s1, s17, $0xb8;
	[tilespmem:$0x1E800] =	vst v63  }
0x33: {  	_ =	swait.ge [sflag:s20], $0x4000  }
0x34: {  	[sflag:s20] =	ssyncset.done $0x0  }
0x35: {  	s0 =	simm.s32 $0x1500;
	[sflag:s20] =	ssyncadd.s32 $0xFFFFC000  }
0x36: {  	[spmem:s2] =	stream.indirect.scatter.add.f32 [tilespmem:s18], [sflag:$0x3], $0x80, s0, s17, $0xb8;
	[tilespmem:$0x1E800] =	vst v63  }
0x37: {  	_ =	swait.ge [sflag:s21], $0x4000  }
0x38: {  	[sflag:s21] =	ssyncset.done $0x0  }
0x39: {  	s0 =	simm.s32 $0x200;
	[sflag:s21] =	ssyncadd.s32 $0xFFFFC000  }
0x3a: {  	[tilespmem:s18], [sflag:$0x1] =	stream.indirect.gather [hbm4b:s4+s17], $0x80, s0, s17, $0xb8;
	[tilespmem:$0x1E800] =	vst v63  }
0x3b: {  	_ =	swait.ge [sflag:s23], $0x4000  }
0x3c: {  	[sflag:s23] =	ssyncset.done $0x0  }
0x3d: {  	s31 =	simm.s32 $0xFFFFBC00;
	s1 =	simm.s32 $0x1580;
	[sflag:s23] =	ssyncadd.s32 $0xFFFFC000  }
.LBB2_2:
0x3e: {  	[spmem:s2] =	stream.indirect.scatter.add.f32 [tilespmem:s19], [sflag:$0x4], $0x80, s1, s17, $0xb8;
	[tilespmem:$0x1E800] =	vst v63  }
0x3f: {  	s1 =	smov.u32 s31  }
0x40: {  	p0 =	sne.s32 s31, $0xFFFFFC00;
	s31 =	sadd.s32 $0x400, s31;
	_ =	swait.ge [sflag:s25], $0x4000  }
0x41: {  	s1 =	sshra.s32 s1, $0x2;
	[sflag:s25] =	ssyncset.done $0x0  }
0x42: {  	s0 =	sadd.s32 $0x1380, s1;
	[sflag:s25] =	ssyncadd.s32 $0xFFFFC000  }
0x43: {  	[tilespmem:s19], [sflag:$0x2] =	stream.indirect.gather [hbm4b:s4+s17], $0x80, s0, s17, $0xb8;
	[tilespmem:$0x1E800] =	vst v63  }
0x44: {  	_ =	swait.ge [sflag:s20], $0x4000  }
0x45: {  	[sflag:s20] =	ssyncset.done $0x0  }
0x46: {  	s0 =	sadd.s32 $0x2700, s1;
	[sflag:s20] =	ssyncadd.s32 $0xFFFFC000  }
0x47: {  	[spmem:s2] =	stream.indirect.scatter.add.f32 [tilespmem:s18], [sflag:$0x3], $0x80, s0, s17, $0xb8;
	[tilespmem:$0x1E800] =	vst v63  }
0x48: {  	_ =	swait.ge [sflag:s21], $0x4000  }
0x49: {  	[sflag:s21] =	ssyncset.done $0x0  }
.Ltmp0:
0x4a: {  	s0 =	sadd.s32 $0x1400, s1;
	[sflag:s21] =	ssyncadd.s32 $0xFFFFC000;
	(pc) =	sbr.rel @p0 .LBB2_2-.Ltmp0, $4  }
0x4b: {  	[tilespmem:s18], [sflag:$0x1] =	stream.indirect.gather [hbm4b:s4+s17], $0x80, s0, s17, $0xb8;
	[tilespmem:$0x1E800] =	vst v63  }
0x4c: {  	_ =	swait.ge [sflag:s23], $0x4000  }
0x4d: {  	[sflag:s23] =	ssyncset.done $0x0  }
0x4e: {  	s1 =	sadd.s32 $0x2780, s1;
	[sflag:s23] =	ssyncadd.s32 $0xFFFFC000  }
0x4f: {  	[spmem:s2] =	stream.indirect.scatter.add.f32 [tilespmem:s19], [sflag:$0x4], $0x80, s1, s17, $0xb8;
	[tilespmem:$0x1E800] =	vst v63  }
0x50: {  	_ =	swait.ge [sflag:s25], $0x4000  }
0x51: {  	[sflag:s25] =	ssyncset.done $0x0  }
0x52: {  	[sflag:s25] =	ssyncadd.s32 $0xFFFFC000  }
0x53: {  	[tilespmem:s19], [sflag:$0x2] =	stream.indirect.gather [hbm4b:s4+s17], $0x80, s26, s17, $0xb8;
	[tilespmem:$0x1E800] =	vst v63  }
0x54: {  	_ =	swait.ge [sflag:s20], $0x4000  }
0x55: {  	[sflag:s20] =	ssyncset.done $0x0  }
0x56: {  	[sflag:s20] =	ssyncadd.s32 $0xFFFFC000  }
0x57: {  	[spmem:s2] =	stream.indirect.scatter.add.f32 [tilespmem:s18], [sflag:$0x3], $0x80, s28, s17, $0xb8;
	[tilespmem:$0x1E800] =	vst v63  }
0x58: {  	_ =	swait.ge [sflag:s21], $0x4000  }
0x59: {  	[sflag:s21] =	ssyncset.done $0x0  }
0x5a: {  	[sflag:s21] =	ssyncadd.s32 $0xFFFFC000  }
0x5b: {  	_ =	swait.ge [sflag:s23], $0x4000  }
0x5c: {  	[sflag:s23] =	ssyncset.done $0x0  }
0x5d: {  	[sflag:s23] =	ssyncadd.s32 $0xFFFFC000  }
0x5e: {  	[spmem:s2] =	stream.indirect.scatter.add.f32 [tilespmem:s19], [sflag:$0x4], $0x80, s29, s17, $0xb8;
	[tilespmem:$0x1E800] =	vst v63  }
0x5f: {  	_ =	swait.ge [sflag:s25], $0x4000  }
0x60: {  	[sflag:s25] =	ssyncset.done $0x0  }
0x61: {  	[sflag:s25] =	ssyncadd.s32 $0xFFFFC000  }
0x62: {  	[bflag:$0x0] =	sbarrier.arrive $0xFFFF  }
0x63: {  	[hbm:s9], [sflag:s6] =	dma.local [spmem:s14], $0x2800  }
0x64: {  	_ =	swait.ge [sflag:s15], $0x2800  }
0x65: {  	[sflag:s15] =	ssyncset.done $0x0  }
0x66: {  	[sflag:s15] =	ssyncadd.s32 $0xFFFFD800  }
0x67: {  	[bflag:$0x0] =	sbarrier.arrive $0xFFFF  }
0x68: {  	[spmem:s14], [sflag:s6] =	dma.local [hbm:s5], $0x2800  }
0x69: {  	_ =	swait.ge [sflag:s15], $0x2800  }
0x6a: {  	[sflag:s15] =	ssyncset.done $0x0  }
0x6b: {  	[sflag:s15] =	ssyncadd.s32 $0xFFFFD800  }
0x6c: {  	[tilespmem:s3], [sflag:$0x5] =	stream.linear.gather [hbm4b:s10+s3], $0x1400, $0x38;
	[tilespmem:$0x1E800] =	vst v63  }
0x6d: {  	_ =	swait.ge [sflag:s15], $0x1400  }
0x6e: {  	[sflag:s15] =	ssyncset.done $0x0  }
0x6f: {  	[sflag:s15] =	ssyncadd.s32 $0xFFFFEC00  }
0x70: {  	[tilespmem:s16], [sflag:$0x5] =	stream.linear.gather [hbm4b:s11+s3], $0x1400, $0x38;
	[tilespmem:$0x1E800] =	vst v63  }
0x71: {  	_ =	swait.ge [sflag:s15], $0x1400  }
0x72: {  	[sflag:s15] =	ssyncset.done $0x0  }
0x73: {  	[sflag:s15] =	ssyncadd.s32 $0xFFFFEC00  }
0x74: {  	[bflag:$0x0] =	sbarrier.arrive $0xFFFF  }
0x75: {  	[tilespmem:s18], [sflag:$0x1] =	stream.indirect.gather [hbm4b:s4+s17], $0x80, s3, s17, $0xb8;
	[tilespmem:$0x1E800] =	vst v63  }
0x76: {  	_ = 	snop  }
0x77: {  	[tilespmem:s19], [sflag:$0x2] =	stream.indirect.gather [hbm4b:s4+s17], $0x80, s17, s17, $0xb8;
	[tilespmem:$0x1E800] =	vst v63  }
0x78: {  	_ =	swait.ge [sflag:s20], $0x4000  }
0x79: {  	[sflag:s20] =	ssyncset.done $0x0  }
0x7a: {  	[sflag:s20] =	ssyncadd.s32 $0xFFFFC000  }
0x7b: {  	[spmem:s2] =	stream.indirect.scatter.add.f32 [tilespmem:s18], [sflag:$0x3], $0x80, s16, s17, $0xb8;
	[tilespmem:$0x1E800] =	vst v63  }
0x7c: {  	_ =	swait.ge [sflag:s21], $0x4000  }
0x7d: {  	[sflag:s21] =	ssyncset.done $0x0  }
0x7e: {  	[sflag:s21] =	ssyncadd.s32 $0xFFFFC000  }
0x7f: {  	[tilespmem:s18], [sflag:$0x1] =	stream.indirect.gather [hbm4b:s4+s17], $0x80, s22, s17, $0xb8;
	[tilespmem:$0x1E800] =	vst v63  }
0x80: {  	_ =	swait.ge [sflag:s23], $0x4000  }
0x81: {  	[sflag:s23] =	ssyncset.done $0x0  }
0x82: {  	[sflag:s23] =	ssyncadd.s32 $0xFFFFC000  }
0x83: {  	[spmem:s2] =	stream.indirect.scatter.add.f32 [tilespmem:s19], [sflag:$0x4], $0x80, s24, s17, $0xb8;
	[tilespmem:$0x1E800] =	vst v63  }
0x84: {  	_ =	swait.ge [sflag:s25], $0x4000  }
0x85: {  	[sflag:s25] =	ssyncset.done $0x0  }
0x86: {  	s0 =	simm.s32 $0x180;
	[sflag:s25] =	ssyncadd.s32 $0xFFFFC000  }
0x87: {  	[tilespmem:s19], [sflag:$0x2] =	stream.indirect.gather [hbm4b:s4+s17], $0x80, s0, s17, $0xb8;
	[tilespmem:$0x1E800] =	vst v63  }
0x88: {  	_ =	swait.ge [sflag:s20], $0x4000  }
0x89: {  	[sflag:s20] =	ssyncset.done $0x0  }
0x8a: {  	s1 =	simm.s32 $0x1500;
	[sflag:s20] =	ssyncadd.s32 $0xFFFFC000  }
0x8b: {  	[spmem:s2] =	stream.indirect.scatter.add.f32 [tilespmem:s18], [sflag:$0x3], $0x80, s1, s17, $0xb8;
	[tilespmem:$0x1E800] =	vst v63  }
0x8c: {  	_ =	swait.ge [sflag:s21], $0x4000  }
0x8d: {  	[sflag:s21] =	ssyncset.done $0x0  }
0x8e: {  	s1 =	simm.s32 $0x200;
	[sflag:s21] =	ssyncadd.s32 $0xFFFFC000  }
0x8f: {  	[tilespmem:s18], [sflag:$0x1] =	stream.indirect.gather [hbm4b:s4+s17], $0x80, s1, s17, $0xb8;
	[tilespmem:$0x1E800] =	vst v63  }
0x90: {  	_ =	swait.ge [sflag:s23], $0x4000  }
0x91: {  	[sflag:s23] =	ssyncset.done $0x0  }
0x92: {  	s31 =	simm.s32 $0xFFFFBC00;
	s1 =	simm.s32 $0x1580;
	[sflag:s23] =	ssyncadd.s32 $0xFFFFC000  }
.LBB2_4:
0x93: {  	[spmem:s2] =	stream.indirect.scatter.add.f32 [tilespmem:s19], [sflag:$0x4], $0x80, s1, s17, $0xb8;
	[tilespmem:$0x1E800] =	vst v63  }
0x94: {  	s0 =	smov.u32 s31  }
0x95: {  	p0 =	sne.s32 s31, $0xFFFFFC00;
	s31 =	sadd.s32 $0x400, s31;
	_ =	swait.ge [sflag:s25], $0x4000  }
0x96: {  	s0 =	sshra.s32 s0, $0x2;
	[sflag:s25] =	ssyncset.done $0x0  }
0x97: {  	s1 =	sadd.s32 $0x1380, s0;
	[sflag:s25] =	ssyncadd.s32 $0xFFFFC000  }
0x98: {  	[tilespmem:s19], [sflag:$0x2] =	stream.indirect.gather [hbm4b:s4+s17], $0x80, s1, s17, $0xb8;
	[tilespmem:$0x1E800] =	vst v63  }
0x99: {  	_ =	swait.ge [sflag:s20], $0x4000  }
0x9a: {  	[sflag:s20] =	ssyncset.done $0x0  }
0x9b: {  	s1 =	sadd.s32 $0x2700, s0;
	[sflag:s20] =	ssyncadd.s32 $0xFFFFC000  }
0x9c: {  	[spmem:s2] =	stream.indirect.scatter.add.f32 [tilespmem:s18], [sflag:$0x3], $0x80, s1, s17, $0xb8;
	[tilespmem:$0x1E800] =	vst v63  }
0x9d: {  	_ =	swait.ge [sflag:s21], $0x4000  }
0x9e: {  	[sflag:s21] =	ssyncset.done $0x0  }
.Ltmp1:
0x9f: {  	s1 =	sadd.s32 $0x1400, s0;
	[sflag:s21] =	ssyncadd.s32 $0xFFFFC000;
	(pc) =	sbr.rel @p0 .LBB2_4-.Ltmp1, $4  }
0xa0: {  	[tilespmem:s18], [sflag:$0x1] =	stream.indirect.gather [hbm4b:s4+s17], $0x80, s1, s17, $0xb8;
	[tilespmem:$0x1E800] =	vst v63  }
0xa1: {  	_ =	swait.ge [sflag:s23], $0x4000  }
0xa2: {  	[sflag:s23] =	ssyncset.done $0x0  }
0xa3: {  	s1 =	sadd.s32 $0x2780, s0;
	[sflag:s23] =	ssyncadd.s32 $0xFFFFC000  }
0xa4: {  	[spmem:s2] =	stream.indirect.scatter.add.f32 [tilespmem:s19], [sflag:$0x4], $0x80, s1, s17, $0xb8;
	[tilespmem:$0x1E800] =	vst v63  }
0xa5: {  	_ =	swait.ge [sflag:s25], $0x4000  }
0xa6: {  	[sflag:s25] =	ssyncset.done $0x0  }
0xa7: {  	[sflag:s25] =	ssyncadd.s32 $0xFFFFC000  }
0xa8: {  	[tilespmem:s19], [sflag:$0x2] =	stream.indirect.gather [hbm4b:s4+s17], $0x80, s26, s17, $0xb8;
	[tilespmem:$0x1E800] =	vst v63  }
0xa9: {  	_ =	swait.ge [sflag:s20], $0x4000  }
0xaa: {  	[sflag:s20] =	ssyncset.done $0x0  }
0xab: {  	[sflag:s20] =	ssyncadd.s32 $0xFFFFC000  }
0xac: {  	[spmem:s2] =	stream.indirect.scatter.add.f32 [tilespmem:s18], [sflag:$0x3], $0x80, s28, s17, $0xb8;
	[tilespmem:$0x1E800] =	vst v63  }
0xad: {  	_ =	swait.ge [sflag:s21], $0x4000  }
0xae: {  	[sflag:s21] =	ssyncset.done $0x0  }
0xaf: {  	[sflag:s21] =	ssyncadd.s32 $0xFFFFC000  }
0xb0: {  	_ =	swait.ge [sflag:s23], $0x4000  }
0xb1: {  	[sflag:s23] =	ssyncset.done $0x0  }
0xb2: {  	[sflag:s23] =	ssyncadd.s32 $0xFFFFC000  }
0xb3: {  	[spmem:s2] =	stream.indirect.scatter.add.f32 [tilespmem:s19], [sflag:$0x4], $0x80, s29, s17, $0xb8;
	[tilespmem:$0x1E800] =	vst v63  }
0xb4: {  	_ =	swait.ge [sflag:s25], $0x4000  }
0xb5: {  	[sflag:s25] =	ssyncset.done $0x0  }
0xb6: {  	s30 =	sadd.s32 $0x1, s30;
	[sflag:s25] =	ssyncadd.s32 $0xFFFFC000  }
0xb7: {  	p0 =	sne.s32 s30, s13;
	[bflag:$0x0] =	sbarrier.arrive $0xFFFF  }
0xb8: {  	[hbm:s12], [sflag:s6] =	dma.local [spmem:s14], $0x2800  }
.Ltmp2:
0xb9: {  	_ =	swait.ge [sflag:s15], $0x2800;
	(pc) =	sbr.rel @p0 .LBB2_1-.Ltmp2, $3  }
0xba: {  	[sflag:s15] =	ssyncset.done $0x0  }
0xbb: {  	[sflag:s15] =	ssyncadd.s32 $0xFFFFD800  }
0xbc: {  	[bflag:$0x0] =	sbarrier.arrive $0xFFFF;
	_ =	sdelay $0x1  }
0xbd: {  	_ =	sfence.sel $0x180000  }
0xbe: {  	[bflag:$0x0] =	sbarrier.arrive $0xFFFF  }
0xbf: {  	_ =	strace $0x9000004A  }
0xc0: {  	s0 =	stileid.u32;
	[bflag:$0x2] =	sbarrier.arrive $0xFFFF  }
0xc1: {  	p0 =	sne.s32 s0, $0x0;
	s0 =	rddreg [dreg:$0x2]  }
0xc2: {  	s0 =	sadd.s32 @!p0 $0x100000, s0  }
0xc3: {  	[sflag:s0] =	ssyncadd.tile.s32 @!p0 $0x1;
	_ =	shalt  }
.Lfunc_end2:
_tile_overlayer_lowered:
.L_overlay_start_2:
0xc4: {  	(tag) =	ssettag $0x2  }
0xc5: {  	s0 =	rddreg [dreg:$0x0];
	s2 =	stileid.u32  }
0xc6: {  	s1 =	rddreg [dreg:$0x1];
	p0 =	sne.s32 s2, $0x0  }
0xc7: {  	s3 =	rddreg [dreg:$0x2];
	[bflag:$0x3] =	sbarrier.arrive $0xFFFF;
	s2 =	simm.s32 @!p0 $0x1C05  }
0xc8: {  	[timem:s3], [sflag:s2] =	dma.local @!p0 [hbm:s0], s1  }
0xc9: {  	s0 =	simm.s32 @!p0 $0x5  }
0xca: {  	_ =	swait.ge @!p0 [sflag:s0], s1  }
0xcb: {  	s1 =	ssub.s32 @!p0 $0x0, s1;
	[sflag:s0] =	ssyncset.done @!p0 $0x0  }
0xcc: {  	[sflag:s0] =	ssyncadd.s32 @!p0 s1  }
0xcd: {  	[bflag:$0x3] =	sbarrier.arrive $0xFFFF  }
0xce: {  	_ =	shalt  }

// kernel: kernel.15.cloned.1.call-start
scs
__scs_entry_jumppad:
0x0: {  	(pc) =	sbr.rel $0x88, $3  }
0x1: {  	(tag) =	ssettag $0x0;
	lr =	simm.s32 $0x1  }
0x2: {  	[smem:$0x3F8C] =	sst lr;
	_ =	strace $0xD0000000  }
0x3: {  	_ = 	snop  }
0x4: {  	_ = 	snop  }
0x5: {  	_ = 	snop  }
0x6: {  	_ = 	snop  }
0x7: {  	_ = 	snop  }
__scs_overlays_trampoline_lowered:
0x8: {  	[smem:$0x3F9B] =	sst s0  }
0x9: {  	[smem:$0x3F9C] =	sst s1  }
0xa: {  	[smem:$0x3F9D] =	sst s2  }
0xb: {  	[smem:$0x3F9E] =	sst s3  }
0xc: {  	[smem:$0x3F9F] =	sst s4  }
0xd: {  	[smem:$0x3FA0] =	sst s5  }
0xe: {  	[smem:$0x3FA1] =	sst s6  }
0xf: {  	[smem:$0x3FA2] =	sst s7  }
0x10: {  	[smem:$0x3FA3] =	sst s8  }
0x11: {  	[smem:$0x3FA4] =	sst s9;
	s0 =	simm.s32 @!p0 $0x0  }
0x12: {  	s1 =	sld [smem:$0x3F8A];
	s0 =	simm.s32 @p0 $0x1  }
0x13: {  	[smem:$0x3FA5] =	sst s0;
	s0 =	simm.s32 @!p1 $0x0  }
0x14: {  	s2 =	sld [smem:$0x3F89];
	s0 =	simm.s32 @p1 $0x1  }
0x15: {  	[smem:$0x3FA6] =	sst s0;
	s0 =	simm.s32 @!p2 $0x0  }
0x16: {  	s3 =	sld [smem:$0x3FDB];
	s0 =	simm.s32 @p2 $0x1  }
0x17: {  	s4 =	simm.s32 $0x1BF5;
	[smem:$0x3FA8] =	sst s0  }
0x18: {  	s0 =	sld [smem:$0x3F8B];
	_ =	swait.ge [sflag:s4], $0x0  }
0x19: {  	s7 =	sld [smem:$0x3F8C]  }
0x1a: {  	s8 =	sadd.s32 $0xFFFFE003, lr  }
0x1b: {  	s9 =	sadd.s32 $0xFFFFFEF7, lr;
	s5 =	simm.s32 $0xFFFFFFFF;
	p2 =	slt.u32 s8, $0xFFFFF086  }
0x1c: {  	p1 =	slt.u32 s9, $0xF7A;
	s5 =	simm.s32 @!p2 $0x0  }
0x1d: {  	s5 =	simm.s32 @p1 $0x1;
	p0 =	seq.s32 s7, s2  }
0x1e: {  	s7 =	smul.u32 @!p0 $0xF7A, s2;
	p2 =	seq.s32 @!p0 s5, $0x0  }
0x1f: {  	s9 =	smul.u32 $0xF7A, s1;
	s8 =	simm.s32 @!p0 $0x1BF5;
	p2 =	por !p2, p0  }
0x20: {  	[sflag:s8] =	ssyncset.s32 @!p0 $0xFFFFF086;
	s6 =	sadd.s32 @!p0 s3, s7;
	s7 =	simm.s32 @!p0 $0x108  }
0x21: {  	s3 =	sadd.s32 s3, s9;
	s6 =	sadd.s32 @!p0 $0x88, s6;
	s7 =	simm.s32 @p2 $0x1082  }
0x22: {  	[simem:s7], [sflag:s8] =	dma.local @!p0 [hbm:s6], $0xF7A  }
0x23: {  	s9 =	sor.u32 $0xD0000000, s2;
	s6 =	simm.s32 $0x108;
	_ =	swait.ge @!p0 [sflag:s8], $0x0  }
0x24: {  	s3 =	sadd.s32 $0x88, s3;
	s6 =	simm.s32 @!p1 $0x1082;
	[sflag:s4] =	ssyncset.s32 $0xFFFFF086  }
0x25: {  	[simem:s6], [sflag:s4] =	dma.local [hbm:s3], $0xF7A  }
0x26: {  	[smem:$0x3F8C] =	sst s1;
	(tag) =	ssettag s2;
	_ =	strace s9  }
0x27: {  	s1 =	sld [smem:$0x3F9C]  }
0x28: {  	s2 =	sld [smem:$0x3F9D]  }
0x29: {  	s4 =	sld [smem:$0x3F9F]  }
0x2a: {  	p0 =	seq.s32 s5, $0x0;
	s5 =	sld [smem:$0x3FA0]  }
0x2b: {  	s6 =	sld [smem:$0x3FA1]  }
0x2c: {  	s7 =	sld [smem:$0x3FA2]  }
0x2d: {  	s3 =	simm.s32 $0x108;
	s8 =	sld [smem:$0x3FA3]  }
0x2e: {  	s3 =	simm.s32 @!p0 $0x1082;
	s9 =	sld [smem:$0x3FA4]  }
0x2f: {  	lr =	sadd.s32 s0, s3;
	s0 =	sld [smem:$0x3F9B]  }
0x30: {  	s3 =	sld [smem:$0x3F9E]  }
0x31: {  	[smem:$0x3FA7] =	sst s10  }
0x32: {  	s10 =	sld [smem:$0x3FA5];
	_ =	sdelay $0x3  }
0x33: {  	p0 =	seq.s32 s10, $0x1;
	s10 =	sld [smem:$0x3FA7];
	_ =	sdelay $0x3  }
0x34: {  	[smem:$0x3FA7] =	sst s10  }
0x35: {  	s10 =	sld [smem:$0x3FA6];
	_ =	sdelay $0x3  }
0x36: {  	p1 =	seq.s32 s10, $0x1;
	s10 =	sld [smem:$0x3FA7];
	_ =	sdelay $0x3  }
0x37: {  	[smem:$0x3FA7] =	sst s10  }
0x38: {  	s10 =	sld [smem:$0x3FA8]  }
0x39: {  	_ = 	snop;
	(pc) =	sbr.ind lr, $3  }
0x3a: {  	_ = 	snop  }
0x3b: {  	_ = 	snop  }
0x3c: {  	p2 =	seq.s32 s10, $0x1;
	s10 =	sld [smem:$0x3FA7]  }
0x3d: {  	_ =	shalt  }
0x3e: {  	_ =	shalt  }
0x3f: {  	_ =	shalt  }
0x40: {  	_ =	shalt  }
0x41: {  	_ =	shalt  }
0x42: {  	_ =	shalt  }
0x43: {  	_ =	shalt  }
0x44: {  	_ =	shalt  }
0x45: {  	_ =	shalt  }
0x46: {  	_ =	shalt  }
0x47: {  	_ =	shalt  }
0x48: {  	_ =	shalt  }
0x49: {  	_ =	shalt  }
0x4a: {  	_ =	shalt  }
0x4b: {  	_ =	shalt  }
0x4c: {  	_ =	shalt  }
0x4d: {  	_ =	shalt  }
0x4e: {  	_ =	shalt  }
0x4f: {  	_ =	shalt  }
0x50: {  	_ =	shalt  }
0x51: {  	_ =	shalt  }
0x52: {  	_ =	shalt  }
0x53: {  	_ =	shalt  }
0x54: {  	_ =	shalt  }
0x55: {  	_ =	shalt  }
0x56: {  	_ =	shalt  }
0x57: {  	_ =	shalt  }
0x58: {  	_ =	shalt  }
0x59: {  	_ =	shalt  }
0x5a: {  	_ =	shalt  }
0x5b: {  	_ =	shalt  }
0x5c: {  	_ =	shalt  }
0x5d: {  	_ =	shalt  }
0x5e: {  	_ =	shalt  }
0x5f: {  	_ =	shalt  }
0x60: {  	_ =	shalt  }
0x61: {  	_ =	shalt  }
0x62: {  	_ =	shalt  }
0x63: {  	_ =	shalt  }
0x64: {  	_ =	shalt  }
0x65: {  	_ =	shalt  }
0x66: {  	_ =	shalt  }
0x67: {  	_ =	shalt  }
0x68: {  	_ =	shalt  }
0x69: {  	_ =	shalt  }
0x6a: {  	_ =	shalt  }
0x6b: {  	_ =	shalt  }
0x6c: {  	_ =	shalt  }
0x6d: {  	_ =	shalt  }
0x6e: {  	_ =	shalt  }
0x6f: {  	_ =	shalt  }
0x70: {  	_ =	shalt  }
0x71: {  	_ =	shalt  }
0x72: {  	_ =	shalt  }
0x73: {  	_ =	shalt  }
0x74: {  	_ =	shalt  }
0x75: {  	_ =	shalt  }
0x76: {  	_ =	shalt  }
0x77: {  	_ =	shalt  }
0x78: {  	_ =	shalt  }
0x79: {  	_ =	shalt  }
0x7a: {  	_ =	shalt  }
0x7b: {  	_ =	shalt  }
0x7c: {  	_ =	shalt  }
0x7d: {  	_ =	shalt  }
0x7e: {  	_ =	shalt  }
0x7f: {  	_ =	shalt  }
0x80: {  	_ =	shalt  }
0x81: {  	_ =	shalt  }
0x82: {  	_ =	shalt  }
0x83: {  	_ =	shalt  }
0x84: {  	_ =	shalt  }
0x85: {  	_ =	shalt  }
0x86: {  	_ =	shalt  }
0x87: {  	_ =	shalt  }
.Lfunc_end0:
.L_simem_size_0:
called_computation.2_lowered:
.L_overlay_start_0:
0x88: {  	s2 =	sld [smem:$0x3FD9]  }
0x89: {  	s3 =	sld [smem:$0x3FFE];
	_ =	sdelay $0x1  }
0x8a: {  	s1 =	srdreg.scid  }
0x8b: {  	s0 =	sand.u32 $0x1, s1  }
0x8c: {  	s16 =	sshll.u32 s0, $0xA;
	s2 =	sadd.s32 s3, s2  }
0x8d: {  	s2 =	sadd.s32 s2, s16  }
0x8e: {  	[smem:$0x3FB3] =	sst s2  }
0x8f: {  	_ = 	snop  }
0x90: {  	(tm) =	ssettm $0x1  }
0x91: {  	s17 =	sld [smem:$0x3FFB];
	_ =	sdelay $0x3  }
0x92: {  	_ =	strace s17  }
0x93: {  	s2 =	sld [smem:$0x3FFC];
	_ =	sdelay $0x3  }
0x94: {  	_ =	strace s2  }
0x95: {  	s2 =	sld [smem:$0x3FFD];
	_ =	sdelay $0x3  }
0x96: {  	_ =	strace s2  }
0x97: {  	_ =	strace $0x8FFFFFFF  }
0x98: {  	s18 =	sld [smem:$0x3FDB];
	_ =	sdelay $0x1  }
0x99: {  	s19 =	simm.s32 $_scs_section_size  }
0x9a: {  	s4 =	simm.s32 $_size__tile_overlayer_lowered;
	s5 =	simm.s32 $_tile_overlayer_lowered  }
0x9b: {  	s22 =	simm.s32 $0x1BFF;
	s21 =	sshll.u32 s5, $0x1;
	s2 =	sadd.s32 s19, s18  }
0x9c: {  	s6 =	simm.s32 $0x0;
	s20 =	sshll.u32 s4, $0x1;
	s4 =	sadd.s32 s21, s2  }
0x9d: {  	[timem:s6], [sflag:s22] =	dma.local [hbm:s4], s20  }
0x9e: {  	_ =	swait.ge [sflag:s22], s20  }
0x9f: {  	s3 =	ssub.s32 $0x0, s20;
	[sflag:s22] =	ssyncset.done $0x0  }
0xa0: {  	[sflag:s22] =	ssyncadd.s32 s3;
	_ =	sdelay $0x1  }
0xa1: {  	s23 =	simm.s32 $0x1B8B  }
0xa2: {  	_ =	swait.ge [sflag:s23], $0x1  }
0xa3: {  	[sflag:s23] =	ssyncset.done $0x0  }
0xa4: {  	s25 =	simm.s32 $0x1B8E;
	s24 =	sld [smem:$0x3FFE];
	[sflag:s23] =	ssyncadd.s32 $0xFFFFFFFF  }
0xa5: {  	s26 =	simm.s32 $execute0_lowered;
	[smem:$0x3FD2] =	sst s25  }
0xa6: {  	s4 =	sshll.u32 s26, $0x1;
	_ =	strace $0x8000004C;
	[dreg:$0x1] =	wrdreg $0xFFFFFFFF  }
0xa7: {  	s28 =	simm.s32 $_size_execute0_lowered;
	s2 =	sadd.s32 s2, s4;
	[dreg:$0x0] =	wrdreg $0x0  }
0xa8: {  	s4 =	sshll.u32 s28, $0x1;
	[dreg:$0x2] =	wrdreg s2  }
0xa9: {  	[dreg:$0x3] =	wrdreg s4  }
0xaa: {  	[dreg:$0x4] =	wrdreg $0xC0  }
0xab: {  	_ =	task [dreg:s6], $0x5FFFF  }
0xac: {  	[dreg:$0x1] =	wrdreg $0xFFFFFFFF  }
0xad: {  	[dreg:$0x0] =	wrdreg $0x60  }
0xae: {  	[dreg:$0x2] =	wrdreg s24  }
0xaf: {  	[dreg:$0x3] =	wrdreg $0xA8000  }
0xb0: {  	[dreg:$0x4] =	wrdreg $0x9  }
0xb1: {  	_ =	task.clear_ibuf [dreg:s6], $0x5FFFF;
	_ =	strace $0x9000004C  }
0xb2: {  	s29 =	simm.s32 $0x9;
	_ =	strace $0x8000004E  }
0xb3: {  	_ =	swait.ge [sflag:s29], $0x1  }
0xb4: {  	[sflag:s29] =	ssyncadd.s32 $0xFFFFFFFF  }
0xb5: {  	_ =	strace $0x9000004E  }
0xb6: {  	_ =	sfence  }
0xb7: {  	s30 =	sld [smem:$0x0];
	_ =	sdelay $0x2  }
0xb8: {  	s31 =	sshll.u32 s1, $0xD;
	s1 =	sshrl.u32 s1, $0x2  }
0xb9: {  	s3 =	sand.u32 $0x4000, s31;
	s1 =	sadd.s32 s1, s30  }
0xba: {  	s0 =	sor.u32 s3, s0;
	s1 =	sshll.u32 s1, $0x11  }
0xbb: {  	s0 =	sor.u32 s1, s0  }
0xbc: {  	s0 =	sadd.s32 $0x8F2B, s0  }
0xbd: {  	[sflag:s0] =	ssyncadd.remote.s32 $0x1  }
0xbe: {  	_ =	sfence.sel $0xFFFF  }
0xbf: {  	[dreg:$0x0] =	wrdreg $0xFFFFFFFF;
	(pc) =	sbr.abs _section_cstart, $3  }
0xc0: {  	[dreg:$0x1] =	wrdreg $0xFFFFFFFF  }
0xc1: {  	_ =	task.clear_ibuf [dreg:s6], $0x2FFFF;
	_ =	strace $0x9FFFFFFF  }
0xc2: {  	(tm) =	ssettm $0x7FFFFFFF  }
0xc3: {  	_ =	shalt  }
tec
execute0_lowered:
.L_overlay_start_1:
0x0: {  	(tag) =	ssettag $0x1  }
0x1: {  	s0 =	srdreg.scid  }
0x2: {  	s1 =	rddreg [dreg:$0x0];
	s24 =	stileid.u32  }
0x3: {  	s2 =	rddreg [dreg:$0x1];
	s3 =	simm.s32 $0x0;
	s15 =	simm.s32 $0x5  }
0x4: {  	s16 =	simm.s32 $0x1400;
	s17 =	simm.s32 $0x80;
	s18 =	simm.s32 $0x2800  }
0x5: {  	s19 =	simm.s32 $0x6800;
	s20 =	simm.s32 $0x1;
	s21 =	simm.s32 $0x3  }
0x6: {  	s22 =	simm.s32 $0x100;
	s23 =	simm.s32 $0x2;
	s5 =	smul.u32 $0x1400, s24  }
0x7: {  	s28 =	simm.s32 $0x2700;
	s29 =	simm.s32 $0x2780;
	s8 =	smul.u32 $0x14000, s24  }
0x8: {  	s30 =	simm.s32 $0x0;
	s6 =	sand.u32 $0x1, s0;
	s25 =	smul.u32 $0x50000, s24  }
0x9: {  	[smem:$0x7FF] =	sst s3;
	s31 =	sshll.u32 s24, $0x6;
	s4 =	smul.u32 $0x14000, s6  }
0xa: {  	s24 =	simm.s32 $0x1480;
	s7 =	smul.u32 $0x140000, s6;
	s6 =	ssub.s32 $0x2, s6  }
0xb: {  	_ =	strace $0x8000004D;
	s26 =	sshrl.u32 s6, $0x1;
	s5 =	sadd.s32 s5, s4  }
0xc: {  	s4 =	sadd.s32 $0x66400, s1;
	s7 =	sadd.s32 s8, s7;
	s8 =	sshrl.u32 s25, $0x2  }
0xd: {  	s13 =	ssub.s32 s6, s26;
	s6 =	sor.u32 $0x1C05, s31;
	s25 =	simm.s32 $0x4  }
0xe: {  	s26 =	simm.s32 $0x1380;
	s5 =	sshrl.u32 s5, $0x3;
	s7 =	sshrl.u32 s7, $0x3  }
0xf: {  	s14 =	sadd.s32 s8, s2;
	s13 =	smax.u32 s13, $0x1;
	s11 =	sadd.s32 s5, s1  }
0x10: {  	s5 =	sadd.s32 $0x13C00, s1;
	s1 =	sadd.s32 s7, s1;
	s14 =	sshrl.u32 s14, $0x3  }
0x11: {  	s7 =	sadd.s32 $0xE400, s11;
	s8 =	sadd.s32 $0x9400, s11;
	s9 =	sadd.s32 $0xBB400, s1  }
0x12: {  	s10 =	sadd.s32 $0xB6400, s11;
	s11 =	sadd.s32 $0x4400, s11;
	s12 =	sadd.s32 $0x10B400, s1  }
.LBB2_1:
0x13: {  	[spmem:s14], [sflag:s6] =	dma.local [hbm:s5], $0x2800  }
0x14: {  	_ =	swait.ge [sflag:s15], $0x2800  }
0x15: {  	[sflag:s15] =	ssyncset.done $0x0  }
0x16: {  	[sflag:s15] =	ssyncadd.s32 $0xFFFFD800  }
0x17: {  	[tilespmem:s3], [sflag:$0x5] =	stream.linear.gather [hbm4b:s7+s3], $0x1400, $0x38;
	[tilespmem:$0x1E800] =	vst v63  }
0x18: {  	_ =	swait.ge [sflag:s15], $0x1400  }
0x19: {  	[sflag:s15] =	ssyncset.done $0x0  }
0x1a: {  	[sflag:s15] =	ssyncadd.s32 $0xFFFFEC00  }
0x1b: {  	[tilespmem:s16], [sflag:$0x5] =	stream.linear.gather [hbm4b:s8+s3], $0x1400, $0x38;
	[tilespmem:$0x1E800] =	vst v63  }
0x1c: {  	_ =	swait.ge [sflag:s15], $0x1400  }
0x1d: {  	[sflag:s15] =	ssyncset.done $0x0  }
0x1e: {  	[sflag:s15] =	ssyncadd.s32 $0xFFFFEC00  }
0x1f: {  	[bflag:$0x0] =	sbarrier.arrive $0xFFFF  }
0x20: {  	[tilespmem:s18], [sflag:$0x1] =	stream.indirect.gather [hbm4b:s4+s17], $0x80, s3, s17, $0xb8;
	[tilespmem:$0x1E800] =	vst v63  }
0x21: {  	_ = 	snop  }
0x22: {  	[tilespmem:s19], [sflag:$0x2] =	stream.indirect.gather [hbm4b:s4+s17], $0x80, s17, s17, $0xb8;
	[tilespmem:$0x1E800] =	vst v63  }
0x23: {  	_ =	swait.ge [sflag:s20], $0x4000  }
0x24: {  	[sflag:s20] =	ssyncset.done $0x0  }
0x25: {  	[sflag:s20] =	ssyncadd.s32 $0xFFFFC000  }
0x26: {  	[spmem:s2] =	stream.indirect.scatter.add.f32 [tilespmem:s18], [sflag:$0x3], $0x80, s16, s17, $0xb8;
	[tilespmem:$0x1E800] =	vst v63  }
0x27: {  	_ =	swait.ge [sflag:s21], $0x4000  }
0x28: {  	[sflag:s21] =	ssyncset.done $0x0  }
0x29: {  	[sflag:s21] =	ssyncadd.s32 $0xFFFFC000  }
0x2a: {  	[tilespmem:s18], [sflag:$0x1] =	stream.indirect.gather [hbm4b:s4+s17], $0x80, s22, s17, $0xb8;
	[tilespmem:$0x1E800] =	vst v63  }
0x2b: {  	_ =	swait.ge [sflag:s23], $0x4000  }
0x2c: {  	[sflag:s23] =	ssyncset.done $0x0  }
0x2d: {  	[sflag:s23] =	ssyncadd.s32 $0xFFFFC000  }
0x2e: {  	[spmem:s2] =	stream.indirect.scatter.add.f32 [tilespmem:s19], [sflag:$0x4], $0x80, s24, s17, $0xb8;
	[tilespmem:$0x1E800] =	vst v63  }
0x2f: {  	_ =	swait.ge [sflag:s25], $0x4000  }
0x30: {  	[sflag:s25] =	ssyncset.done $0x0  }
0x31: {  	s1 =	simm.s32 $0x180;
	[sflag:s25] =	ssyncadd.s32 $0xFFFFC000  }
0x32: {  	[tilespmem:s19], [sflag:$0x2] =	stream.indirect.gather [hbm4b:s4+s17], $0x80, s1, s17, $0xb8;
	[tilespmem:$0x1E800] =	vst v63  }
0x33: {  	_ =	swait.ge [sflag:s20], $0x4000  }
0x34: {  	[sflag:s20] =	ssyncset.done $0x0  }
0x35: {  	s0 =	simm.s32 $0x1500;
	[sflag:s20] =	ssyncadd.s32 $0xFFFFC000  }
0x36: {  	[spmem:s2] =	stream.indirect.scatter.add.f32 [tilespmem:s18], [sflag:$0x3], $0x80, s0, s17, $0xb8;
	[tilespmem:$0x1E800] =	vst v63  }
0x37: {  	_ =	swait.ge [sflag:s21], $0x4000  }
0x38: {  	[sflag:s21] =	ssyncset.done $0x0  }
0x39: {  	s0 =	simm.s32 $0x200;
	[sflag:s21] =	ssyncadd.s32 $0xFFFFC000  }
0x3a: {  	[tilespmem:s18], [sflag:$0x1] =	stream.indirect.gather [hbm4b:s4+s17], $0x80, s0, s17, $0xb8;
	[tilespmem:$0x1E800] =	vst v63  }
0x3b: {  	_ =	swait.ge [sflag:s23], $0x4000  }
0x3c: {  	[sflag:s23] =	ssyncset.done $0x0  }
0x3d: {  	s31 =	simm.s32 $0xFFFFBC00;
	s1 =	simm.s32 $0x1580;
	[sflag:s23] =	ssyncadd.s32 $0xFFFFC000  }
.LBB2_2:
0x3e: {  	[spmem:s2] =	stream.indirect.scatter.add.f32 [tilespmem:s19], [sflag:$0x4], $0x80, s1, s17, $0xb8;
	[tilespmem:$0x1E800] =	vst v63  }
0x3f: {  	s1 =	smov.u32 s31  }
0x40: {  	p0 =	sne.s32 s31, $0xFFFFFC00;
	s31 =	sadd.s32 $0x400, s31;
	_ =	swait.ge [sflag:s25], $0x4000  }
0x41: {  	s1 =	sshra.s32 s1, $0x2;
	[sflag:s25] =	ssyncset.done $0x0  }
0x42: {  	s0 =	sadd.s32 $0x1380, s1;
	[sflag:s25] =	ssyncadd.s32 $0xFFFFC000  }
0x43: {  	[tilespmem:s19], [sflag:$0x2] =	stream.indirect.gather [hbm4b:s4+s17], $0x80, s0, s17, $0xb8;
	[tilespmem:$0x1E800] =	vst v63  }
0x44: {  	_ =	swait.ge [sflag:s20], $0x4000  }
0x45: {  	[sflag:s20] =	ssyncset.done $0x0  }
0x46: {  	s0 =	sadd.s32 $0x2700, s1;
	[sflag:s20] =	ssyncadd.s32 $0xFFFFC000  }
0x47: {  	[spmem:s2] =	stream.indirect.scatter.add.f32 [tilespmem:s18], [sflag:$0x3], $0x80, s0, s17, $0xb8;
	[tilespmem:$0x1E800] =	vst v63  }
0x48: {  	_ =	swait.ge [sflag:s21], $0x4000  }
0x49: {  	[sflag:s21] =	ssyncset.done $0x0  }
.Ltmp0:
0x4a: {  	s0 =	sadd.s32 $0x1400, s1;
	[sflag:s21] =	ssyncadd.s32 $0xFFFFC000;
	(pc) =	sbr.rel @p0 .LBB2_2-.Ltmp0, $4  }
0x4b: {  	[tilespmem:s18], [sflag:$0x1] =	stream.indirect.gather [hbm4b:s4+s17], $0x80, s0, s17, $0xb8;
	[tilespmem:$0x1E800] =	vst v63  }
0x4c: {  	_ =	swait.ge [sflag:s23], $0x4000  }
0x4d: {  	[sflag:s23] =	ssyncset.done $0x0  }
0x4e: {  	s1 =	sadd.s32 $0x2780, s1;
	[sflag:s23] =	ssyncadd.s32 $0xFFFFC000  }
0x4f: {  	[spmem:s2] =	stream.indirect.scatter.add.f32 [tilespmem:s19], [sflag:$0x4], $0x80, s1, s17, $0xb8;
	[tilespmem:$0x1E800] =	vst v63  }
0x50: {  	_ =	swait.ge [sflag:s25], $0x4000  }
0x51: {  	[sflag:s25] =	ssyncset.done $0x0  }
0x52: {  	[sflag:s25] =	ssyncadd.s32 $0xFFFFC000  }
0x53: {  	[tilespmem:s19], [sflag:$0x2] =	stream.indirect.gather [hbm4b:s4+s17], $0x80, s26, s17, $0xb8;
	[tilespmem:$0x1E800] =	vst v63  }
0x54: {  	_ =	swait.ge [sflag:s20], $0x4000  }
0x55: {  	[sflag:s20] =	ssyncset.done $0x0  }
0x56: {  	[sflag:s20] =	ssyncadd.s32 $0xFFFFC000  }
0x57: {  	[spmem:s2] =	stream.indirect.scatter.add.f32 [tilespmem:s18], [sflag:$0x3], $0x80, s28, s17, $0xb8;
	[tilespmem:$0x1E800] =	vst v63  }
0x58: {  	_ =	swait.ge [sflag:s21], $0x4000  }
0x59: {  	[sflag:s21] =	ssyncset.done $0x0  }
0x5a: {  	[sflag:s21] =	ssyncadd.s32 $0xFFFFC000  }
0x5b: {  	_ =	swait.ge [sflag:s23], $0x4000  }
0x5c: {  	[sflag:s23] =	ssyncset.done $0x0  }
0x5d: {  	[sflag:s23] =	ssyncadd.s32 $0xFFFFC000  }
0x5e: {  	[spmem:s2] =	stream.indirect.scatter.add.f32 [tilespmem:s19], [sflag:$0x4], $0x80, s29, s17, $0xb8;
	[tilespmem:$0x1E800] =	vst v63  }
0x5f: {  	_ =	swait.ge [sflag:s25], $0x4000  }
0x60: {  	[sflag:s25] =	ssyncset.done $0x0  }
0x61: {  	[sflag:s25] =	ssyncadd.s32 $0xFFFFC000  }
0x62: {  	[bflag:$0x0] =	sbarrier.arrive $0xFFFF  }
0x63: {  	[hbm:s9], [sflag:s6] =	dma.local [spmem:s14], $0x2800  }
0x64: {  	_ =	swait.ge [sflag:s15], $0x2800  }
0x65: {  	[sflag:s15] =	ssyncset.done $0x0  }
0x66: {  	[sflag:s15] =	ssyncadd.s32 $0xFFFFD800  }
0x67: {  	[bflag:$0x0] =	sbarrier.arrive $0xFFFF  }
0x68: {  	[spmem:s14], [sflag:s6] =	dma.local [hbm:s5], $0x2800  }
0x69: {  	_ =	swait.ge [sflag:s15], $0x2800  }
0x6a: {  	[sflag:s15] =	ssyncset.done $0x0  }
0x6b: {  	[sflag:s15] =	ssyncadd.s32 $0xFFFFD800  }
0x6c: {  	[tilespmem:s3], [sflag:$0x5] =	stream.linear.gather [hbm4b:s10+s3], $0x1400, $0x38;
	[tilespmem:$0x1E800] =	vst v63  }
0x6d: {  	_ =	swait.ge [sflag:s15], $0x1400  }
0x6e: {  	[sflag:s15] =	ssyncset.done $0x0  }
0x6f: {  	[sflag:s15] =	ssyncadd.s32 $0xFFFFEC00  }
0x70: {  	[tilespmem:s16], [sflag:$0x5] =	stream.linear.gather [hbm4b:s11+s3], $0x1400, $0x38;
	[tilespmem:$0x1E800] =	vst v63  }
0x71: {  	_ =	swait.ge [sflag:s15], $0x1400  }
0x72: {  	[sflag:s15] =	ssyncset.done $0x0  }
0x73: {  	[sflag:s15] =	ssyncadd.s32 $0xFFFFEC00  }
0x74: {  	[bflag:$0x0] =	sbarrier.arrive $0xFFFF  }
0x75: {  	[tilespmem:s18], [sflag:$0x1] =	stream.indirect.gather [hbm4b:s4+s17], $0x80, s3, s17, $0xb8;
	[tilespmem:$0x1E800] =	vst v63  }
0x76: {  	_ = 	snop  }
0x77: {  	[tilespmem:s19], [sflag:$0x2] =	stream.indirect.gather [hbm4b:s4+s17], $0x80, s17, s17, $0xb8;
	[tilespmem:$0x1E800] =	vst v63  }
0x78: {  	_ =	swait.ge [sflag:s20], $0x4000  }
0x79: {  	[sflag:s20] =	ssyncset.done $0x0  }
0x7a: {  	[sflag:s20] =	ssyncadd.s32 $0xFFFFC000  }
0x7b: {  	[spmem:s2] =	stream.indirect.scatter.add.f32 [tilespmem:s18], [sflag:$0x3], $0x80, s16, s17, $0xb8;
	[tilespmem:$0x1E800] =	vst v63  }
0x7c: {  	_ =	swait.ge [sflag:s21], $0x4000  }
0x7d: {  	[sflag:s21] =	ssyncset.done $0x0  }
0x7e: {  	[sflag:s21] =	ssyncadd.s32 $0xFFFFC000  }
0x7f: {  	[tilespmem:s18], [sflag:$0x1] =	stream.indirect.gather [hbm4b:s4+s17], $0x80, s22, s17, $0xb8;
	[tilespmem:$0x1E800] =	vst v63  }
0x80: {  	_ =	swait.ge [sflag:s23], $0x4000  }
0x81: {  	[sflag:s23] =	ssyncset.done $0x0  }
0x82: {  	[sflag:s23] =	ssyncadd.s32 $0xFFFFC000  }
0x83: {  	[spmem:s2] =	stream.indirect.scatter.add.f32 [tilespmem:s19], [sflag:$0x4], $0x80, s24, s17, $0xb8;
	[tilespmem:$0x1E800] =	vst v63  }
0x84: {  	_ =	swait.ge [sflag:s25], $0x4000  }
0x85: {  	[sflag:s25] =	ssyncset.done $0x0  }
0x86: {  	s0 =	simm.s32 $0x180;
	[sflag:s25] =	ssyncadd.s32 $0xFFFFC000  }
0x87: {  	[tilespmem:s19], [sflag:$0x2] =	stream.indirect.gather [hbm4b:s4+s17], $0x80, s0, s17, $0xb8;
	[tilespmem:$0x1E800] =	vst v63  }
0x88: {  	_ =	swait.ge [sflag:s20], $0x4000  }
0x89: {  	[sflag:s20] =	ssyncset.done $0x0  }
0x8a: {  	s1 =	simm.s32 $0x1500;
	[sflag:s20] =	ssyncadd.s32 $0xFFFFC000  }
0x8b: {  	[spmem:s2] =	stream.indirect.scatter.add.f32 [tilespmem:s18], [sflag:$0x3], $0x80, s1, s17, $0xb8;
	[tilespmem:$0x1E800] =	vst v63  }
0x8c: {  	_ =	swait.ge [sflag:s21], $0x4000  }
0x8d: {  	[sflag:s21] =	ssyncset.done $0x0  }
0x8e: {  	s1 =	simm.s32 $0x200;
	[sflag:s21] =	ssyncadd.s32 $0xFFFFC000  }
0x8f: {  	[tilespmem:s18], [sflag:$0x1] =	stream.indirect.gather [hbm4b:s4+s17], $0x80, s1, s17, $0xb8;
	[tilespmem:$0x1E800] =	vst v63  }
0x90: {  	_ =	swait.ge [sflag:s23], $0x4000  }
0x91: {  	[sflag:s23] =	ssyncset.done $0x0  }
0x92: {  	s31 =	simm.s32 $0xFFFFBC00;
	s1 =	simm.s32 $0x1580;
	[sflag:s23] =	ssyncadd.s32 $0xFFFFC000  }
.LBB2_4:
0x93: {  	[spmem:s2] =	stream.indirect.scatter.add.f32 [tilespmem:s19], [sflag:$0x4], $0x80, s1, s17, $0xb8;
	[tilespmem:$0x1E800] =	vst v63  }
0x94: {  	s0 =	smov.u32 s31  }
0x95: {  	p0 =	sne.s32 s31, $0xFFFFFC00;
	s31 =	sadd.s32 $0x400, s31;
	_ =	swait.ge [sflag:s25], $0x4000  }
0x96: {  	s0 =	sshra.s32 s0, $0x2;
	[sflag:s25] =	ssyncset.done $0x0  }
0x97: {  	s1 =	sadd.s32 $0x1380, s0;
	[sflag:s25] =	ssyncadd.s32 $0xFFFFC000  }
0x98: {  	[tilespmem:s19], [sflag:$0x2] =	stream.indirect.gather [hbm4b:s4+s17], $0x80, s1, s17, $0xb8;
	[tilespmem:$0x1E800] =	vst v63  }
0x99: {  	_ =	swait.ge [sflag:s20], $0x4000  }
0x9a: {  	[sflag:s20] =	ssyncset.done $0x0  }
0x9b: {  	s1 =	sadd.s32 $0x2700, s0;
	[sflag:s20] =	ssyncadd.s32 $0xFFFFC000  }
0x9c: {  	[spmem:s2] =	stream.indirect.scatter.add.f32 [tilespmem:s18], [sflag:$0x3], $0x80, s1, s17, $0xb8;
	[tilespmem:$0x1E800] =	vst v63  }
0x9d: {  	_ =	swait.ge [sflag:s21], $0x4000  }
0x9e: {  	[sflag:s21] =	ssyncset.done $0x0  }
.Ltmp1:
0x9f: {  	s1 =	sadd.s32 $0x1400, s0;
	[sflag:s21] =	ssyncadd.s32 $0xFFFFC000;
	(pc) =	sbr.rel @p0 .LBB2_4-.Ltmp1, $4  }
0xa0: {  	[tilespmem:s18], [sflag:$0x1] =	stream.indirect.gather [hbm4b:s4+s17], $0x80, s1, s17, $0xb8;
	[tilespmem:$0x1E800] =	vst v63  }
0xa1: {  	_ =	swait.ge [sflag:s23], $0x4000  }
0xa2: {  	[sflag:s23] =	ssyncset.done $0x0  }
0xa3: {  	s1 =	sadd.s32 $0x2780, s0;
	[sflag:s23] =	ssyncadd.s32 $0xFFFFC000  }
0xa4: {  	[spmem:s2] =	stream.indirect.scatter.add.f32 [tilespmem:s19], [sflag:$0x4], $0x80, s1, s17, $0xb8;
	[tilespmem:$0x1E800] =	vst v63  }
0xa5: {  	_ =	swait.ge [sflag:s25], $0x4000  }
0xa6: {  	[sflag:s25] =	ssyncset.done $0x0  }
0xa7: {  	[sflag:s25] =	ssyncadd.s32 $0xFFFFC000  }
0xa8: {  	[tilespmem:s19], [sflag:$0x2] =	stream.indirect.gather [hbm4b:s4+s17], $0x80, s26, s17, $0xb8;
	[tilespmem:$0x1E800] =	vst v63  }
0xa9: {  	_ =	swait.ge [sflag:s20], $0x4000  }
0xaa: {  	[sflag:s20] =	ssyncset.done $0x0  }
0xab: {  	[sflag:s20] =	ssyncadd.s32 $0xFFFFC000  }
0xac: {  	[spmem:s2] =	stream.indirect.scatter.add.f32 [tilespmem:s18], [sflag:$0x3], $0x80, s28, s17, $0xb8;
	[tilespmem:$0x1E800] =	vst v63  }
0xad: {  	_ =	swait.ge [sflag:s21], $0x4000  }
0xae: {  	[sflag:s21] =	ssyncset.done $0x0  }
0xaf: {  	[sflag:s21] =	ssyncadd.s32 $0xFFFFC000  }
0xb0: {  	_ =	swait.ge [sflag:s23], $0x4000  }
0xb1: {  	[sflag:s23] =	ssyncset.done $0x0  }
0xb2: {  	[sflag:s23] =	ssyncadd.s32 $0xFFFFC000  }
0xb3: {  	[spmem:s2] =	stream.indirect.scatter.add.f32 [tilespmem:s19], [sflag:$0x4], $0x80, s29, s17, $0xb8;
	[tilespmem:$0x1E800] =	vst v63  }
0xb4: {  	_ =	swait.ge [sflag:s25], $0x4000  }
0xb5: {  	[sflag:s25] =	ssyncset.done $0x0  }
0xb6: {  	s30 =	sadd.s32 $0x1, s30;
	[sflag:s25] =	ssyncadd.s32 $0xFFFFC000  }
0xb7: {  	p0 =	sne.s32 s30, s13;
	[bflag:$0x0] =	sbarrier.arrive $0xFFFF  }
0xb8: {  	[hbm:s12], [sflag:s6] =	dma.local [spmem:s14], $0x2800  }
.Ltmp2:
0xb9: {  	_ =	swait.ge [sflag:s15], $0x2800;
	(pc) =	sbr.rel @p0 .LBB2_1-.Ltmp2, $3  }
0xba: {  	[sflag:s15] =	ssyncset.done $0x0  }
0xbb: {  	[sflag:s15] =	ssyncadd.s32 $0xFFFFD800  }
0xbc: {  	[bflag:$0x0] =	sbarrier.arrive $0xFFFF;
	_ =	sdelay $0x1  }
0xbd: {  	_ =	sfence.sel $0x180000  }
0xbe: {  	[bflag:$0x0] =	sbarrier.arrive $0xFFFF  }
0xbf: {  	_ =	strace $0x9000004D  }
0xc0: {  	s0 =	stileid.u32;
	[bflag:$0x2] =	sbarrier.arrive $0xFFFF  }
0xc1: {  	p0 =	sne.s32 s0, $0x0;
	s0 =	rddreg [dreg:$0x2]  }
0xc2: {  	s0 =	sadd.s32 @!p0 $0x100000, s0  }
0xc3: {  	[sflag:s0] =	ssyncadd.tile.s32 @!p0 $0x1;
	_ =	shalt  }
.Lfunc_end2:
_tile_overlayer_lowered:
.L_overlay_start_2:
0xc4: {  	(tag) =	ssettag $0x2  }
0xc5: {  	s0 =	rddreg [dreg:$0x0];
	s2 =	stileid.u32  }
0xc6: {  	s1 =	rddreg [dreg:$0x1];
	p0 =	sne.s32 s2, $0x0  }
0xc7: {  	s3 =	rddreg [dreg:$0x2];
	[bflag:$0x3] =	sbarrier.arrive $0xFFFF;
	s2 =	simm.s32 @!p0 $0x1C05  }
0xc8: {  	[timem:s3], [sflag:s2] =	dma.local @!p0 [hbm:s0], s1  }
0xc9: {  	s0 =	simm.s32 @!p0 $0x5  }
0xca: {  	_ =	swait.ge @!p0 [sflag:s0], s1  }
0xcb: {  	s1 =	ssub.s32 @!p0 $0x0, s1;
	[sflag:s0] =	ssyncset.done @!p0 $0x0  }
0xcc: {  	[sflag:s0] =	ssyncadd.s32 @!p0 s1  }
0xcd: {  	[bflag:$0x3] =	sbarrier.arrive $0xFFFF  }
0xce: {  	_ =	shalt  }

// kernel: kernel.9.cloned.1.call-start
scs
__scs_entry_jumppad:
0x0: {  	(pc) =	sbr.rel $0x88, $3  }
0x1: {  	(tag) =	ssettag $0x0;
	lr =	simm.s32 $0x1  }
0x2: {  	[smem:$0x3F8C] =	sst lr;
	_ =	strace $0xD0000000  }
0x3: {  	_ = 	snop  }
0x4: {  	_ = 	snop  }
0x5: {  	_ = 	snop  }
0x6: {  	_ = 	snop  }
0x7: {  	_ = 	snop  }
__scs_overlays_trampoline_lowered:
0x8: {  	[smem:$0x3F9B] =	sst s0  }
0x9: {  	[smem:$0x3F9C] =	sst s1  }
0xa: {  	[smem:$0x3F9D] =	sst s2  }
0xb: {  	[smem:$0x3F9E] =	sst s3  }
0xc: {  	[smem:$0x3F9F] =	sst s4  }
0xd: {  	[smem:$0x3FA0] =	sst s5  }
0xe: {  	[smem:$0x3FA1] =	sst s6  }
0xf: {  	[smem:$0x3FA2] =	sst s7  }
0x10: {  	[smem:$0x3FA3] =	sst s8  }
0x11: {  	[smem:$0x3FA4] =	sst s9;
	s0 =	simm.s32 @!p0 $0x0  }
0x12: {  	s1 =	sld [smem:$0x3F8A];
	s0 =	simm.s32 @p0 $0x1  }
0x13: {  	[smem:$0x3FA5] =	sst s0;
	s0 =	simm.s32 @!p1 $0x0  }
0x14: {  	s2 =	sld [smem:$0x3F89];
	s0 =	simm.s32 @p1 $0x1  }
0x15: {  	[smem:$0x3FA6] =	sst s0;
	s0 =	simm.s32 @!p2 $0x0  }
0x16: {  	s3 =	sld [smem:$0x3FDB];
	s0 =	simm.s32 @p2 $0x1  }
0x17: {  	s4 =	simm.s32 $0x1BF5;
	[smem:$0x3FA8] =	sst s0  }
0x18: {  	s0 =	sld [smem:$0x3F8B];
	_ =	swait.ge [sflag:s4], $0x0  }
0x19: {  	s7 =	sld [smem:$0x3F8C]  }
0x1a: {  	s8 =	sadd.s32 $0xFFFFE003, lr  }
0x1b: {  	s9 =	sadd.s32 $0xFFFFFEF7, lr;
	s5 =	simm.s32 $0xFFFFFFFF;
	p2 =	slt.u32 s8, $0xFFFFF086  }
0x1c: {  	p1 =	slt.u32 s9, $0xF7A;
	s5 =	simm.s32 @!p2 $0x0  }
0x1d: {  	s5 =	simm.s32 @p1 $0x1;
	p0 =	seq.s32 s7, s2  }
0x1e: {  	s7 =	smul.u32 @!p0 $0xF7A, s2;
	p2 =	seq.s32 @!p0 s5, $0x0  }
0x1f: {  	s9 =	smul.u32 $0xF7A, s1;
	s8 =	simm.s32 @!p0 $0x1BF5;
	p2 =	por !p2, p0  }
0x20: {  	[sflag:s8] =	ssyncset.s32 @!p0 $0xFFFFF086;
	s6 =	sadd.s32 @!p0 s3, s7;
	s7 =	simm.s32 @!p0 $0x108  }
0x21: {  	s3 =	sadd.s32 s3, s9;
	s6 =	sadd.s32 @!p0 $0x88, s6;
	s7 =	simm.s32 @p2 $0x1082  }
0x22: {  	[simem:s7], [sflag:s8] =	dma.local @!p0 [hbm:s6], $0xF7A  }
0x23: {  	s9 =	sor.u32 $0xD0000000, s2;
	s6 =	simm.s32 $0x108;
	_ =	swait.ge @!p0 [sflag:s8], $0x0  }
0x24: {  	s3 =	sadd.s32 $0x88, s3;
	s6 =	simm.s32 @!p1 $0x1082;
	[sflag:s4] =	ssyncset.s32 $0xFFFFF086  }
0x25: {  	[simem:s6], [sflag:s4] =	dma.local [hbm:s3], $0xF7A  }
0x26: {  	[smem:$0x3F8C] =	sst s1;
	(tag) =	ssettag s2;
	_ =	strace s9  }
0x27: {  	s1 =	sld [smem:$0x3F9C]  }
0x28: {  	s2 =	sld [smem:$0x3F9D]  }
0x29: {  	s4 =	sld [smem:$0x3F9F]  }
0x2a: {  	p0 =	seq.s32 s5, $0x0;
	s5 =	sld [smem:$0x3FA0]  }
0x2b: {  	s6 =	sld [smem:$0x3FA1]  }
0x2c: {  	s7 =	sld [smem:$0x3FA2]  }
0x2d: {  	s3 =	simm.s32 $0x108;
	s8 =	sld [smem:$0x3FA3]  }
0x2e: {  	s3 =	simm.s32 @!p0 $0x1082;
	s9 =	sld [smem:$0x3FA4]  }
0x2f: {  	lr =	sadd.s32 s0, s3;
	s0 =	sld [smem:$0x3F9B]  }
0x30: {  	s3 =	sld [smem:$0x3F9E]  }
0x31: {  	[smem:$0x3FA7] =	sst s10  }
0x32: {  	s10 =	sld [smem:$0x3FA5];
	_ =	sdelay $0x3  }
0x33: {  	p0 =	seq.s32 s10, $0x1;
	s10 =	sld [smem:$0x3FA7];
	_ =	sdelay $0x3  }
0x34: {  	[smem:$0x3FA7] =	sst s10  }
0x35: {  	s10 =	sld [smem:$0x3FA6];
	_ =	sdelay $0x3  }
0x36: {  	p1 =	seq.s32 s10, $0x1;
	s10 =	sld [smem:$0x3FA7];
	_ =	sdelay $0x3  }
0x37: {  	[smem:$0x3FA7] =	sst s10  }
0x38: {  	s10 =	sld [smem:$0x3FA8]  }
0x39: {  	_ = 	snop;
	(pc) =	sbr.ind lr, $3  }
0x3a: {  	_ = 	snop  }
0x3b: {  	_ = 	snop  }
0x3c: {  	p2 =	seq.s32 s10, $0x1;
	s10 =	sld [smem:$0x3FA7]  }
0x3d: {  	_ =	shalt  }
0x3e: {  	_ =	shalt  }
0x3f: {  	_ =	shalt  }
0x40: {  	_ =	shalt  }
0x41: {  	_ =	shalt  }
0x42: {  	_ =	shalt  }
0x43: {  	_ =	shalt  }
0x44: {  	_ =	shalt  }
0x45: {  	_ =	shalt  }
0x46: {  	_ =	shalt  }
0x47: {  	_ =	shalt  }
0x48: {  	_ =	shalt  }
0x49: {  	_ =	shalt  }
0x4a: {  	_ =	shalt  }
0x4b: {  	_ =	shalt  }
0x4c: {  	_ =	shalt  }
0x4d: {  	_ =	shalt  }
0x4e: {  	_ =	shalt  }
0x4f: {  	_ =	shalt  }
0x50: {  	_ =	shalt  }
0x51: {  	_ =	shalt  }
0x52: {  	_ =	shalt  }
0x53: {  	_ =	shalt  }
0x54: {  	_ =	shalt  }
0x55: {  	_ =	shalt  }
0x56: {  	_ =	shalt  }
0x57: {  	_ =	shalt  }
0x58: {  	_ =	shalt  }
0x59: {  	_ =	shalt  }
0x5a: {  	_ =	shalt  }
0x5b: {  	_ =	shalt  }
0x5c: {  	_ =	shalt  }
0x5d: {  	_ =	shalt  }
0x5e: {  	_ =	shalt  }
0x5f: {  	_ =	shalt  }
0x60: {  	_ =	shalt  }
0x61: {  	_ =	shalt  }
0x62: {  	_ =	shalt  }
0x63: {  	_ =	shalt  }
0x64: {  	_ =	shalt  }
0x65: {  	_ =	shalt  }
0x66: {  	_ =	shalt  }
0x67: {  	_ =	shalt  }
0x68: {  	_ =	shalt  }
0x69: {  	_ =	shalt  }
0x6a: {  	_ =	shalt  }
0x6b: {  	_ =	shalt  }
0x6c: {  	_ =	shalt  }
0x6d: {  	_ =	shalt  }
0x6e: {  	_ =	shalt  }
0x6f: {  	_ =	shalt  }
0x70: {  	_ =	shalt  }
0x71: {  	_ =	shalt  }
0x72: {  	_ =	shalt  }
0x73: {  	_ =	shalt  }
0x74: {  	_ =	shalt  }
0x75: {  	_ =	shalt  }
0x76: {  	_ =	shalt  }
0x77: {  	_ =	shalt  }
0x78: {  	_ =	shalt  }
0x79: {  	_ =	shalt  }
0x7a: {  	_ =	shalt  }
0x7b: {  	_ =	shalt  }
0x7c: {  	_ =	shalt  }
0x7d: {  	_ =	shalt  }
0x7e: {  	_ =	shalt  }
0x7f: {  	_ =	shalt  }
0x80: {  	_ =	shalt  }
0x81: {  	_ =	shalt  }
0x82: {  	_ =	shalt  }
0x83: {  	_ =	shalt  }
0x84: {  	_ =	shalt  }
0x85: {  	_ =	shalt  }
0x86: {  	_ =	shalt  }
0x87: {  	_ =	shalt  }
.Lfunc_end0:
.L_simem_size_0:
called_computation_lowered:
.L_overlay_start_0:
0x88: {  	s2 =	sld [smem:$0x3FD9]  }
0x89: {  	s3 =	sld [smem:$0x3FFE];
	_ =	sdelay $0x1  }
0x8a: {  	s1 =	srdreg.scid  }
0x8b: {  	s0 =	sand.u32 $0x1, s1  }
0x8c: {  	s17 =	sshll.u32 s0, $0xA;
	s2 =	sadd.s32 s3, s2  }
0x8d: {  	s2 =	sadd.s32 s2, s17  }
0x8e: {  	[smem:$0x3FB3] =	sst s2  }
0x8f: {  	_ = 	snop  }
0x90: {  	s2 =	sld [smem:$0x3FD0];
	(tm) =	ssettm $0x1  }
0x91: {  	s18 =	sld [smem:$0x3FFB];
	_ =	sdelay $0x3  }
0x92: {  	_ =	strace s18  }
0x93: {  	s3 =	sld [smem:$0x3FFC];
	_ =	sdelay $0x3  }
0x94: {  	_ =	strace s3  }
0x95: {  	s3 =	sld [smem:$0x3FFD];
	_ =	sdelay $0x3  }
0x96: {  	_ =	strace s3  }
0x97: {  	_ =	strace $0x8FFFFFFF  }
0x98: {  	s19 =	sld [smem:$0x3FDB];
	_ =	sdelay $0x1  }
0x99: {  	s4 =	simm.s32 $_scs_section_size  }
0x9a: {  	s5 =	simm.s32 $_size__tile_overlayer_lowered;
	s6 =	simm.s32 $_tile_overlayer_lowered  }
0x9b: {  	s22 =	simm.s32 $0x1BFF;
	s21 =	sshll.u32 s6, $0x1;
	s3 =	sadd.s32 s4, s19  }
0x9c: {  	s7 =	simm.s32 $0x0;
	s20 =	sshll.u32 s5, $0x1;
	s5 =	sadd.s32 s21, s3  }
0x9d: {  	[timem:s7], [sflag:s22] =	dma.local [hbm:s5], s20  }
0x9e: {  	_ =	swait.ge [sflag:s22], s20  }
0x9f: {  	s4 =	ssub.s32 $0x0, s20;
	[sflag:s22] =	ssyncset.done $0x0  }
0xa0: {  	[sflag:s22] =	ssyncadd.s32 s4;
	_ =	sdelay $0x1  }
0xa1: {  	s23 =	simm.s32 $0x1B8B  }
0xa2: {  	_ =	swait.ge [sflag:s23], $0x1  }
0xa3: {  	[sflag:s23] =	ssyncset.done $0x0  }
0xa4: {  	s25 =	simm.s32 $0x1B8E;
	s24 =	sld [smem:$0x3FFE];
	[sflag:s23] =	ssyncadd.s32 $0xFFFFFFFF  }
0xa5: {  	s26 =	simm.s32 $execute0_lowered;
	[smem:$0x3FD2] =	sst s25  }
0xa6: {  	s5 =	sshll.u32 s26, $0x1;
	_ =	strace $0x80000046;
	[dreg:$0x1] =	wrdreg $0xFFFFFFFF  }
0xa7: {  	s28 =	simm.s32 $_size_execute0_lowered;
	s3 =	sadd.s32 s3, s5;
	[dreg:$0x0] =	wrdreg $0x0  }
0xa8: {  	s5 =	sshll.u32 s28, $0x1;
	[dreg:$0x2] =	wrdreg s3  }
0xa9: {  	[dreg:$0x3] =	wrdreg s5  }
0xaa: {  	[dreg:$0x4] =	wrdreg $0xC0  }
0xab: {  	_ =	task [dreg:s7], $0x5FFFF  }
0xac: {  	[dreg:$0x1] =	wrdreg $0xFFFFFFFF  }
0xad: {  	[dreg:$0x0] =	wrdreg $0x60  }
0xae: {  	[dreg:$0x2] =	wrdreg s2  }
0xaf: {  	[dreg:$0x3] =	wrdreg s24  }
0xb0: {  	[dreg:$0x4] =	wrdreg $0x54000  }
0xb1: {  	[dreg:$0x5] =	wrdreg $0x9  }
0xb2: {  	_ =	task.clear_ibuf [dreg:s7], $0x6FFFF;
	_ =	strace $0x90000046  }
0xb3: {  	s29 =	simm.s32 $0x9;
	_ =	strace $0x80000048  }
0xb4: {  	_ =	swait.ge [sflag:s29], $0x1  }
0xb5: {  	[sflag:s29] =	ssyncadd.s32 $0xFFFFFFFF  }
0xb6: {  	_ =	strace $0x90000048  }
0xb7: {  	_ =	sfence  }
0xb8: {  	s30 =	sld [smem:$0x0];
	_ =	sdelay $0x2  }
0xb9: {  	s31 =	sshll.u32 s1, $0xD;
	s1 =	sshrl.u32 s1, $0x2  }
0xba: {  	s3 =	sand.u32 $0x4000, s31;
	s1 =	sadd.s32 s1, s30  }
0xbb: {  	s0 =	sor.u32 s3, s0;
	s1 =	sshll.u32 s1, $0x11  }
0xbc: {  	s0 =	sor.u32 s1, s0  }
0xbd: {  	s0 =	sadd.s32 $0x8F2B, s0  }
0xbe: {  	[sflag:s0] =	ssyncadd.remote.s32 $0x1  }
0xbf: {  	_ =	sfence.sel $0xFFFF  }
0xc0: {  	[dreg:$0x0] =	wrdreg $0xFFFFFFFF;
	(pc) =	sbr.abs _section_cstart, $3  }
0xc1: {  	[dreg:$0x1] =	wrdreg $0xFFFFFFFF  }
0xc2: {  	_ =	task.clear_ibuf [dreg:s7], $0x2FFFF;
	_ =	strace $0x9FFFFFFF  }
0xc3: {  	(tm) =	ssettm $0x7FFFFFFF  }
tec
execute0_lowered:
.L_overlay_start_1:
0x0: {  	(tag) =	ssettag $0x1  }
0x1: {  	s7 =	rddreg [dreg:$0x0]  }
0x2: {  	s6 =	rddreg [dreg:$0x1];
	s2 =	srdreg.scid  }
0x3: {  	s1 =	rddreg [dreg:$0x2];
	s5 =	sand.u32 $0x1, s2  }
0x4: {  	s2 =	stileid.u32;
	s8 =	smul.u32 $0x140000, s5  }
0x5: {  	s0 =	rddreg [dreg:$0x3];
	s3 =	simm.s32 $0x0;
	s9 =	smul.u32 $0x14000, s2  }
0x6: {  	s13 =	simm.s32 $0x80;
	s14 =	simm.s32 $0x0;
	s10 =	smul.u32 $0x50000, s2  }
0x7: {  	[smem:$0x7FF] =	sst s3;
	s4 =	sadd.s32 $0x13C00, s6;
	s28 =	smul.u32 $0x14000, s5  }
0x8: {  	_ =	strace $0x80000047;
	s11 =	ssub.s32 $0x2, s5;
	s12 =	smul.u32 $0x1400, s2  }
0x9: {  	s5 =	sadd.s32 $0x13400, s6;
	s31 =	sshll.u32 s2, $0x6;
	s29 =	sshrl.u32 s11, $0x1  }
0xa: {  	s8 =	sadd.s32 s9, s8;
	s11 =	ssub.s32 s11, s29;
	s30 =	sshrl.u32 s10, $0x2  }
0xb: {  	s9 =	sadd.s32 s12, s28;
	s12 =	simm.s32 $0x1400;
	s8 =	sshrl.u32 s8, $0x3  }
0xc: {  	s10 =	sadd.s32 s30, s1;
	s9 =	sshrl.u32 s9, $0x3;
	s8 =	sadd.s32 s8, s6  }
0xd: {  	s6 =	sor.u32 $0x1C01, s31;
	s7 =	sadd.s32 s7, s9;
	s9 =	smax.u32 s11, $0x1  }
0xe: {  	s10 =	sshrl.u32 s10, $0x3;
	s11 =	simm.s32 $0x1;
	s8 =	sadd.s32 $0x16400, s8  }
.LBB2_1:
0xf: {  	[spmem:s10], [sflag:s6] =	dma.local [hbm:s4], $0x2800  }
0x10: {  	_ =	swait.ge [sflag:s11], $0x2800  }
0x11: {  	[sflag:s11] =	ssyncset.done $0x0  }
0x12: {  	[sflag:s11] =	ssyncadd.s32 $0xFFFFD800  }
0x13: {  	[tilespmem:s12], [sflag:$0x1] =	stream.linear.gather [hbm4b:s5+s3], $0x4000, $0x38;
	[tilespmem:$0x19400] =	vst v63  }
0x14: {  	_ =	swait.ge [sflag:s11], $0x4000  }
0x15: {  	[sflag:s11] =	ssyncset.done $0x0  }
0x16: {  	[sflag:s11] =	ssyncadd.s32 $0xFFFFC000  }
0x17: {  	[tilespmem:s3], [sflag:$0x1] =	stream.linear.gather [hbm4b:s7+s3], $0x1400, $0x38;
	[tilespmem:$0x19400] =	vst v63  }
0x18: {  	_ =	swait.ge [sflag:s11], $0x1400  }
0x19: {  	[sflag:s11] =	ssyncset.done $0x0  }
0x1a: {  	[sflag:s11] =	ssyncadd.s32 $0xFFFFEC00  }
0x1b: {  	s15 =	simm.s32 $0x0;
	[bflag:$0x0] =	sbarrier.arrive $0xFFFF  }
0x1c: {  	[spmem:s1] =	stream.indirect.scatter.add.f32 [tilespmem:s12], [sflag:$0x1], $0x80, s15, s13, $0xb8;
	[tilespmem:$0x19400] =	vst v63  }
0x1d: {  	_ =	swait.ge [sflag:s11], $0x4000  }
0x1e: {  	s15 =	simm.s32 $0x200;
	[sflag:s11] =	ssyncset.done $0x0  }
.LBB2_2:
0x1f: {  	s16 =	sshra.s32 s15, $0x2;
	[sflag:s11] =	ssyncadd.s32 $0xFFFFC000;
	p0 =	sne.s32 s15, $0x4E00  }
0x20: {  	[spmem:s1] =	stream.indirect.scatter.add.f32 [tilespmem:s12], [sflag:$0x1], $0x80, s16, s13, $0xb8;
	[tilespmem:$0x19400] =	vst v63  }
.Ltmp0:
0x21: {  	_ = 	snop;
	(pc) =	sbr.rel @p0 .LBB2_2-.Ltmp0, $4  }
0x22: {  	_ = 	snop  }
0x23: {  	s15 =	sadd.s32 $0x200, s15  }
0x24: {  	_ =	swait.ge [sflag:s11], $0x4000  }
0x25: {  	[sflag:s11] =	ssyncset.done $0x0  }
0x26: {  	s14 =	sadd.s32 $0x1, s14  }
0x27: {  	[sflag:s11] =	ssyncadd.s32 $0xFFFFC000;
	p0 =	sne.s32 s14, s9  }
.Ltmp1:
0x28: {  	[bflag:$0x0] =	sbarrier.arrive $0xFFFF;
	(pc) =	sbr.rel @p0 .LBB2_1-.Ltmp1, $4  }
0x29: {  	[hbm:s8], [sflag:s6] =	dma.local [spmem:s10], $0x2800  }
0x2a: {  	_ =	swait.ge [sflag:s11], $0x2800  }
0x2b: {  	[sflag:s11] =	ssyncset.done $0x0  }
0x2c: {  	[sflag:s11] =	ssyncadd.s32 $0xFFFFD800  }
0x2d: {  	_ =	sfence.sel $0x180000  }
0x2e: {  	[bflag:$0x0] =	sbarrier.arrive $0xFFFF  }
0x2f: {  	p0 =	sne.s32 s2, $0x0;
	_ =	strace $0x90000047  }
0x30: {  	s0 =	sadd.s32 @!p0 $0x100000, s0;
	[bflag:$0x2] =	sbarrier.arrive $0xFFFF  }
0x31: {  	[sflag:s0] =	ssyncadd.tile.s32 @!p0 $0x1;
	_ =	shalt  }
.Lfunc_end2:
_tile_overlayer_lowered:
.L_overlay_start_2:
0x32: {  	(tag) =	ssettag $0x2  }
0x33: {  	s0 =	rddreg [dreg:$0x0];
	s2 =	stileid.u32  }
0x34: {  	s1 =	rddreg [dreg:$0x1];
	p0 =	sne.s32 s2, $0x0  }
0x35: {  	s3 =	rddreg [dreg:$0x2];
	[bflag:$0x3] =	sbarrier.arrive $0xFFFF;
	s2 =	simm.s32 @!p0 $0x1C01  }
0x36: {  	[timem:s3], [sflag:s2] =	dma.local @!p0 [hbm:s0], s1  }
0x37: {  	s0 =	simm.s32 @!p0 $0x1  }
0x38: {  	_ =	swait.ge @!p0 [sflag:s0], s1  }
0x39: {  	s1 =	ssub.s32 @!p0 $0x0, s1;
	[sflag:s0] =	ssyncset.done @!p0 $0x0  }
0x3a: {  	[sflag:s0] =	ssyncadd.s32 @!p0 s1  }
0x3b: {  	[bflag:$0x3] =	sbarrier.arrive $0xFFFF  }
0x3c: {  	_ =	shalt  }

</sc_bundles>
